<compile_context>
chip_gen: v7x
topology: tpu7x:2x2x1
jax: 0.10.2.dev20260603
libtpu: 0.0.44.dev20260713+nightly
codegen_flags: <defaults>
</compile_context>

<pallas_src>
import functools

import jax
import jax.numpy as jnp
from jax import lax
from jax.experimental import pallas as pl
from jax.experimental.pallas import tpu as pltpu
from jax.experimental.pallas import tpu_sc as plsc

N = 10000
E = 160000
D = 256
R = 8
NR = N * R

NC = 2
NS = 16
L = 16

NRP = 81920
EPT = E // NS
SEG = 2000
NSEG = EPT // SEG
SVREG = SEG // L

CHUNK = 4096
NPASS = (NRP // NC) // CHUNK
STRIPE = CHUNK // NS
CAP = 2048
BLK = 256
B = 16


def _sc_body(keys_hbm, srcs_hbm, x_hbm, z_hbm, a_hbm, cnt_hbm,
             keys_v, srcs_v, gidx, sidx, blk_l, blk_s, ob_l, ob_s,
             gf, rows, acc, hist, cntv, cntr, zbuf, ploc, psrc, pcnt, sem):
  c = lax.axis_index("c")
  s = lax.axis_index("s")

  pltpu.sync_copy(keys_hbm.at[pl.ds(s * EPT, EPT)], keys_v)
  pltpu.sync_copy(srcs_hbm.at[pl.ds(s * EPT, EPT)], srcs_v)
  pltpu.sync_copy(z_hbm, zbuf)
  plsc.subcore_barrier()

  ones = jnp.ones((L,), jnp.float32)
  lane = lax.iota(jnp.int32, L)
  sent = jnp.full((L,), CHUNK, jnp.int32)
  sc_base = c * (NRP // NC)
  my_lo = s * STRIPE

  def _pass(p, _p):
    base = sc_base + p * CHUNK
    hi = base + CHUNK

    for r0 in range(0, STRIPE, 64):
      pltpu.sync_copy(zbuf, acc.at[pl.ds(r0, 64)])
    for j in range(STRIPE // L):
      hist[pl.ds(j * L, L)] = jnp.zeros((L,), jnp.float32)

    def _seg(g, _g):
      def _scan(i, off):
        kv = keys_v[pl.ds(g * SEG + i * L, L)]
        sv = srcs_v[pl.ds(g * SEG + i * L, L)]
        m = (kv >= base) & (kv < hi)
        loc = kv - base
        mi = m.astype(jnp.int32)
        csum = plsc.cumsum(mi)
        pos = off + csum - mi
        plsc.store_scatter(gidx, [pos], sv, mask=m)
        plsc.store_scatter(sidx, [pos], loc, mask=m)
        return off + jnp.sum(mi)
      off = lax.fori_loop(0, SVREG, _scan, jnp.int32(0))

      nblk = (off + (BLK - 1)) // BLK
      for j in range(BLK // L):
        idxv = off + lane + j * L
        pm = idxv < nblk * BLK
        plsc.store_scatter(sidx, [idxv], sent, mask=pm)

      def _pub(b, _):
        pltpu.sync_copy(gidx.at[pl.ds(b * BLK, BLK)],
                        psrc.at[pl.ds(s * CAP + b * BLK, BLK)])
        pltpu.sync_copy(sidx.at[pl.ds(b * BLK, BLK)],
                        ploc.at[pl.ds(s * CAP + b * BLK, BLK)])
        return 0
      lax.fori_loop(0, nblk, _pub, 0)
      cntv[pl.ds(0, L)] = lane * 0 + off
      pltpu.sync_copy(cntv.at[pl.ds(0, 8)], pcnt.at[pl.ds(s * 8, 8)])
      plsc.subcore_barrier()

      pltpu.sync_copy(pcnt, cntr)
      def _scanner(t, _t):
        tv = plsc.load_gather(cntr, [lane * 0 + t * 8])
        cnt_t = jnp.sum(jnp.where(lane == 0, tv, 0))
        nb = (cnt_t + (BLK - 1)) // BLK
        def _blk(b, _):
          pltpu.sync_copy(ploc.at[pl.ds(t * CAP + b * BLK, BLK)], blk_l)
          pltpu.sync_copy(psrc.at[pl.ds(t * CAP + b * BLK, BLK)], blk_s)
          def _filt(i, moff):
            lv = blk_l[pl.ds(i * L, L)]
            sv = blk_s[pl.ds(i * L, L)]
            m = (lv >= my_lo) & (lv < my_lo + STRIPE)
            ll = lv - my_lo
            mi = m.astype(jnp.int32)
            csum = plsc.cumsum(mi)
            pos = moff + csum - mi
            plsc.store_scatter(ob_l, [pos], ll, mask=m)
            plsc.store_scatter(ob_s, [pos], sv, mask=m)
            plsc.addupdate_scatter(hist, [ll], ones, mask=m)
            return moff + jnp.sum(mi)
          moff = lax.fori_loop(0, BLK // L, _filt, jnp.int32(0))

          nbt = (moff + (B - 1)) // B
          def _fire(b2, _):
            bm = (b2 * B + lane) < moff
            ev = ob_s[pl.ds(b2 * B, B)]
            gf[pl.ds(0, B)] = jnp.where(bm, ev, jnp.zeros((L,), jnp.int32))
            pltpu.async_copy(x_hbm.at[gf], rows, sem).wait()
            llv = ob_l[pl.ds(b2 * B, B)]
            def _addcol(q, _2):
              for k in range(L):
                colv = lane * 0 + (q * L + k)
                v = plsc.load_gather(rows, [lane, colv])
                plsc.addupdate_scatter(acc, [llv, colv], v, mask=bm)
              return 0
            lax.fori_loop(0, D // L, _addcol, 0)
            return 0
          lax.fori_loop(0, nbt, _fire, 0)
          return 0
        lax.fori_loop(0, nb, _blk, 0)
        return 0
      lax.fori_loop(0, NS, _scanner, 0)
      plsc.subcore_barrier()
      return 0
    lax.fori_loop(0, NSEG, _seg, 0)

    pltpu.sync_copy(acc, a_hbm.at[pl.ds(base + s * STRIPE, STRIPE)])
    pltpu.sync_copy(hist, cnt_hbm.at[pl.ds(base + s * STRIPE, STRIPE)])
    return 0
  lax.fori_loop(0, NPASS, _pass, 0)


@functools.partial(jax.jit, static_argnames=())
def _sc_agg(keys, srcs, x):
  mesh = plsc.VectorSubcoreMesh(core_axis_name="c", subcore_axis_name="s",
                                num_cores=NC, num_subcores=NS)
  f = pl.kernel(
      _sc_body,
      out_type=(jax.ShapeDtypeStruct((NRP, D), jnp.float32),
                jax.ShapeDtypeStruct((NRP,), jnp.float32)),
      mesh=mesh,
      compiler_params=pltpu.CompilerParams(needs_layout_passes=False),
      scratch_types=[
          pltpu.VMEM((EPT,), jnp.int32),
          pltpu.VMEM((EPT,), jnp.int32),
          pltpu.VMEM((CAP,), jnp.int32),
          pltpu.VMEM((CAP,), jnp.int32),
          pltpu.VMEM((BLK,), jnp.int32),
          pltpu.VMEM((BLK,), jnp.int32),
          pltpu.VMEM((BLK,), jnp.int32),
          pltpu.VMEM((BLK,), jnp.int32),
          pltpu.VMEM((B,), jnp.int32),
          pltpu.VMEM((B, D), jnp.float32),
          pltpu.VMEM((STRIPE, D), jnp.float32),
          pltpu.VMEM((STRIPE,), jnp.float32),
          pltpu.VMEM((L,), jnp.int32),
          pltpu.VMEM((NS * 8,), jnp.int32),
          pltpu.VMEM_SHARED((64, D), jnp.float32),
          pltpu.VMEM_SHARED((NS * CAP,), jnp.int32),
          pltpu.VMEM_SHARED((NS * CAP,), jnp.int32),
          pltpu.VMEM_SHARED((NS * 8,), jnp.int32),
          pltpu.SemaphoreType.DMA,
      ],
  )
  return f(keys, srcs, x, jnp.zeros((64, D), jnp.float32))


BN = 1000


def _tc_body(relu, a_ref, c_ref, x_ref, wr_ref, ws_ref, o_ref):
  inv = 1.0 / jnp.maximum(c_ref[...], 1.0)
  acc = jnp.dot(x_ref[...], ws_ref[...], preferred_element_type=jnp.float32)
  for r in range(R):
    ar = a_ref[:, r * D:(r + 1) * D] * inv[:, r][:, None]
    acc = acc + jnp.dot(ar, wr_ref[r], preferred_element_type=jnp.float32)
  o_ref[...] = jnp.maximum(acc, 0.0) if relu else acc


def _tc_layer(a, cnt, x, w_rel, w_self, relu):
  grid = (N // BN,)
  return pl.pallas_call(
      functools.partial(_tc_body, relu),
      grid=grid,
      in_specs=[
          pl.BlockSpec((BN, R * D), lambda i: (i, 0)),
          pl.BlockSpec((BN, R), lambda i: (i, 0)),
          pl.BlockSpec((BN, D), lambda i: (i, 0)),
          pl.BlockSpec((R, D, D), lambda i: (0, 0, 0)),
          pl.BlockSpec((D, D), lambda i: (0, 0)),
      ],
      out_specs=pl.BlockSpec((BN, D), lambda i: (i, 0)),
      out_shape=jax.ShapeDtypeStruct((N, D), jnp.float32),
  )(a, cnt, x, w_rel, w_self)


def kernel(X, edge_index, edge_type, W_rel1, W_self1, W_rel2, W_self2):
  src = edge_index[0]
  dst = edge_index[1]
  key = dst * R + edge_type

  a1, cnt = _sc_agg(key, src, X)
  cnt8 = cnt[:NR].reshape(N, R)
  h = _tc_layer(a1[:NR].reshape(N, R * D), cnt8, X,
                W_rel1, W_self1, relu=True)
  a2, _ = _sc_agg(key, src, h)
  out = _tc_layer(a2[:NR].reshape(N, R * D), cnt8, h,
                  W_rel2, W_self2, relu=False)
  return out

# --- scband reference (transcript-rebuilt; emitter-appended) ---
"""Pipeline reference for scband-mrgcn-86371792322612 (READ-ONLY COPY).

The authoritative reference and input builder live on the scoring server;
editing this copy changes nothing except your own understanding.
"""

import jax, jax.numpy as jnp
import numpy as np

N = 10000
E = 160000
D = 256
R = 8


def setup_inputs(seed: int = 0) -> dict:
    key = jax.random.key(seed)
    ks = jax.random.split(key, 8)
    X = jax.random.normal(ks[0], (N, D), dtype=jnp.float32)
    edge_index = jax.random.randint(ks[1], (2, E), 0, N, dtype=jnp.int32)
    edge_type = jax.random.randint(ks[2], (E,), 0, R, dtype=jnp.int32)
    scale = 1.0 / np.sqrt(D)
    W_rel1 = jax.random.normal(ks[3], (R, D, D), dtype=jnp.float32) * scale
    W_self1 = jax.random.normal(ks[4], (D, D), dtype=jnp.float32) * scale
    W_rel2 = jax.random.normal(ks[5], (R, D, D), dtype=jnp.float32) * scale
    W_self2 = jax.random.normal(ks[6], (D, D), dtype=jnp.float32) * scale
    return {"X": X, "edge_index": edge_index, "edge_type": edge_type,
            "W_rel1": W_rel1, "W_self1": W_self1,
            "W_rel2": W_rel2, "W_self2": W_self2}


def _rgcn_layer(X, edge_src, edge_dst, edge_type, W_rel, W_self):
    # per-relation transform of all nodes: [N, R, out]
    Xw = jnp.einsum('nd,rde->nre', X, W_rel)
    # gather message for each edge according to (src, relation)
    msg = Xw[edge_src, edge_type]  # [E, out]
    # RGCN normalization 1/c_{i,r}: in-degree of dst per relation
    key = edge_dst * R + edge_type
    counts = jnp.zeros((N * R,), jnp.float32).at[key].add(1.0)
    norm = 1.0 / jnp.clip(counts[key], 1.0, None)
    agg = jnp.zeros((N, W_rel.shape[2]), X.dtype).at[edge_dst].add(msg * norm[:, None])
    # self-loop transform
    return agg + X @ W_self


def reference(X, edge_index, edge_type, W_rel1, W_self1, W_rel2, W_self2):
    src = edge_index[0]
    dst = edge_index[1]
    h = jax.nn.relu(_rgcn_layer(X, src, dst, edge_type, W_rel1, W_self1))
    out = _rgcn_layer(h, src, dst, edge_type, W_rel2, W_self2)
    return out

if __name__ == "__main__":
    import jax
    _d = setup_inputs()
    print(jax.jit(kernel)(*tuple(_d.values())))

</pallas_src>

<mosaic_0001>
#map = affine_map<(d0, d1) -> (0)>
#map1 = affine_map<(d0, d1) -> (0, 0)>
module attributes {stable_mosaic.version = 14 : i64} {
  func.func @_sc_body(%arg0: i32, %arg1: i32, %arg2: memref<160000xi32, #tpu.memory_space<hbm>>, %arg3: memref<160000xi32, #tpu.memory_space<hbm>>, %arg4: memref<10000x256xf32, #tpu.memory_space<hbm>>, %arg5: memref<64x256xf32, #tpu.memory_space<hbm>>, %arg6: memref<81920x256xf32, #tpu.memory_space<hbm>>, %arg7: memref<81920xf32, #tpu.memory_space<hbm>>, %arg8: memref<10000xi32, #tpu.memory_space<vmem>>, %arg9: memref<10000xi32, #tpu.memory_space<vmem>>, %arg10: memref<2048xi32, #tpu.memory_space<vmem>>, %arg11: memref<2048xi32, #tpu.memory_space<vmem>>, %arg12: memref<256xi32, #tpu.memory_space<vmem>>, %arg13: memref<256xi32, #tpu.memory_space<vmem>>, %arg14: memref<256xi32, #tpu.memory_space<vmem>>, %arg15: memref<256xi32, #tpu.memory_space<vmem>>, %arg16: memref<16xi32, #tpu.memory_space<vmem>>, %arg17: memref<16x256xf32, #tpu.memory_space<vmem>>, %arg18: memref<256x256xf32, #tpu.memory_space<vmem>>, %arg19: memref<256xf32, #tpu.memory_space<vmem>>, %arg20: memref<16xi32, #tpu.memory_space<vmem>>, %arg21: memref<128xi32, #tpu.memory_space<vmem>>, %arg22: memref<64x256xf32, #tpu.memory_space<vmem_shared>>, %arg23: memref<32768xi32, #tpu.memory_space<vmem_shared>>, %arg24: memref<32768xi32, #tpu.memory_space<vmem_shared>>, %arg25: memref<128xi32, #tpu.memory_space<vmem_shared>>, %arg26: memref<!tpu.dma_semaphore, #tpu.memory_space<semaphore_mem>>) attributes {dimension_semantics = [#tpu.dimension_semantics<core_parallel>, #tpu.dimension_semantics<subcore_parallel>], iteration_bounds = array<i64: 2, 16>, scalar_prefetch = 0 : i64, scratch_operands = 19 : i64, tpu.core_type = #tpu.core_type<sc_vector_subcore>, window_params = [{transform_indices = #map}, {transform_indices = #map}, {transform_indices = #map1}, {transform_indices = #map1}, {transform_indices = #map1}, {transform_indices = #map}]} {
    %mul3A = arith.constant 10000 : i32
    %mul3A_0 = arith.muli %arg1, %mul3A : i32
    "tpu.region"() ({
      %run_scoped3A = tpu.sem_alloc : memref<!tpu.dma_semaphore, #tpu.memory_space<semaphore_mem>>
      %dma_start3A = tpu.memref_slice %arg2[%mul3A_0] : memref<160000xi32, #tpu.memory_space<hbm>> -> memref<10000xi32, #tpu.memory_space<hbm>>
      %dma_start3A_16 = tpu.memref_slice %arg2[%mul3A_0] : memref<160000xi32, #tpu.memory_space<hbm>> -> memref<10000xi32, #tpu.memory_space<hbm>>
      tpu.enqueue_dma source(%dma_start3A_16 : memref<10000xi32, #tpu.memory_space<hbm>>) target(%arg8 : memref<10000xi32, #tpu.memory_space<vmem>>) target_semaphore(%run_scoped3A : memref<!tpu.dma_semaphore, #tpu.memory_space<semaphore_mem>>)
      %dma_wait3A = tpu.memref_slice %arg2[%mul3A_0] : memref<160000xi32, #tpu.memory_space<hbm>> -> memref<10000xi32, #tpu.memory_space<hbm>>
      %dma_wait3A_17 = tpu.memref_slice %arg2[%mul3A_0] : memref<160000xi32, #tpu.memory_space<hbm>> -> memref<10000xi32, #tpu.memory_space<hbm>>
      tpu.wait_dma2 semaphore(%run_scoped3A : memref<!tpu.dma_semaphore, #tpu.memory_space<semaphore_mem>>) src(%dma_wait3A_17 : memref<10000xi32, #tpu.memory_space<hbm>>) dst(%arg8 : memref<10000xi32, #tpu.memory_space<vmem>>)
      tpu.yield
    }) : () -> ()
    %mul3A_1 = arith.constant 10000 : i32
    %mul3A_2 = arith.muli %arg1, %mul3A_1 : i32
    "tpu.region"() ({
      %run_scoped3A = tpu.sem_alloc : memref<!tpu.dma_semaphore, #tpu.memory_space<semaphore_mem>>
      %dma_start3A = tpu.memref_slice %arg3[%mul3A_2] : memref<160000xi32, #tpu.memory_space<hbm>> -> memref<10000xi32, #tpu.memory_space<hbm>>
      %dma_start3A_16 = tpu.memref_slice %arg3[%mul3A_2] : memref<160000xi32, #tpu.memory_space<hbm>> -> memref<10000xi32, #tpu.memory_space<hbm>>
      tpu.enqueue_dma source(%dma_start3A_16 : memref<10000xi32, #tpu.memory_space<hbm>>) target(%arg9 : memref<10000xi32, #tpu.memory_space<vmem>>) target_semaphore(%run_scoped3A : memref<!tpu.dma_semaphore, #tpu.memory_space<semaphore_mem>>)
      %dma_wait3A = tpu.memref_slice %arg3[%mul3A_2] : memref<160000xi32, #tpu.memory_space<hbm>> -> memref<10000xi32, #tpu.memory_space<hbm>>
      %dma_wait3A_17 = tpu.memref_slice %arg3[%mul3A_2] : memref<160000xi32, #tpu.memory_space<hbm>> -> memref<10000xi32, #tpu.memory_space<hbm>>
      tpu.wait_dma2 semaphore(%run_scoped3A : memref<!tpu.dma_semaphore, #tpu.memory_space<semaphore_mem>>) src(%dma_wait3A_17 : memref<10000xi32, #tpu.memory_space<hbm>>) dst(%arg9 : memref<10000xi32, #tpu.memory_space<vmem>>)
      tpu.yield
    }) : () -> ()
    "tpu.region"() ({
      %run_scoped3A = tpu.sem_alloc : memref<!tpu.dma_semaphore, #tpu.memory_space<semaphore_mem>>
      tpu.enqueue_dma source(%arg5 : memref<64x256xf32, #tpu.memory_space<hbm>>) target(%arg22 : memref<64x256xf32, #tpu.memory_space<vmem_shared>>) target_semaphore(%run_scoped3A : memref<!tpu.dma_semaphore, #tpu.memory_space<semaphore_mem>>)
      tpu.wait_dma2 semaphore(%run_scoped3A : memref<!tpu.dma_semaphore, #tpu.memory_space<semaphore_mem>>) src(%arg5 : memref<64x256xf32, #tpu.memory_space<hbm>>) dst(%arg22 : memref<64x256xf32, #tpu.memory_space<vmem_shared>>)
      tpu.yield
    }) : () -> ()
    %barrier3A = arith.constant 0 : index
    tpu.barrier barrier_id(%barrier3A)
    %broadcast_in_dim3A = arith.constant 1.000000e+00 : f32
    %broadcast_in_dim3A_3 = vector.broadcast %broadcast_in_dim3A : f32 to vector<16xf32>
    %iota3A = tpu.iota {dimensions = array<i32: 0>} : vector<16xi32>
    %broadcast_in_dim3A_4 = arith.constant 4096 : i32
    %broadcast_in_dim3A_5 = vector.broadcast %broadcast_in_dim3A_4 : i32 to vector<16xi32>
    %mul3A_6 = arith.constant 40960 : i32
    %mul3A_7 = arith.muli %arg0, %mul3A_6 : i32
    %mul3A_8 = arith.constant 256 : i32
    %mul3A_9 = arith.muli %arg1, %mul3A_8 : i32
    %scan3A = arith.constant 0 : i32
    %scan3A_10 = arith.constant 0 : i32
    %scan3A_11 = arith.constant 10 : i32
    %scan3A_12 = arith.addi %scan3A_10, %scan3A_11 : i32
    %scan3A_13 = arith.constant 1 : i32
    %scan3A_14 = scf.for %scan3A_16 = %scan3A_10 to %scan3A_12 step %scan3A_13 iter_args(%scan3A_17 = %scan3A) -> (i32)  : i32 {
      %mul3A_18 = arith.constant 4096 : i32
      %mul3A_19 = arith.muli %scan3A_16, %mul3A_18 : i32
      %add3A = arith.addi %mul3A_7, %mul3A_19 : i32
      %add3A_20 = arith.constant 4096 : i32
      %add3A_21 = arith.addi %add3A, %add3A_20 : i32
      "tpu.region"() ({
        %run_scoped3A = tpu.sem_alloc : memref<!tpu.dma_semaphore, #tpu.memory_space<semaphore_mem>>
        %dma_start3A = arith.constant 0 : i32
        %dma_start3A_99 = arith.constant 0 : i32
        %dma_start3A_100 = tpu.memref_slice %arg18[%dma_start3A, %dma_start3A_99] : memref<256x256xf32, #tpu.memory_space<vmem>> -> memref<64x256xf32, #tpu.memory_space<vmem>>
        %dma_start3A_101 = arith.constant 0 : i32
        %dma_start3A_102 = arith.constant 0 : i32
        %dma_start3A_103 = tpu.memref_slice %arg18[%dma_start3A_101, %dma_start3A_102] : memref<256x256xf32, #tpu.memory_space<vmem>> -> memref<64x256xf32, #tpu.memory_space<vmem>>
        tpu.enqueue_dma source(%arg22 : memref<64x256xf32, #tpu.memory_space<vmem_shared>>) target(%dma_start3A_103 : memref<64x256xf32, #tpu.memory_space<vmem>>) target_semaphore(%run_scoped3A : memref<!tpu.dma_semaphore, #tpu.memory_space<semaphore_mem>>)
        %dma_wait3A = arith.constant 0 : i32
        %dma_wait3A_104 = arith.constant 0 : i32
        %dma_wait3A_105 = tpu.memref_slice %arg18[%dma_wait3A, %dma_wait3A_104] : memref<256x256xf32, #tpu.memory_space<vmem>> -> memref<64x256xf32, #tpu.memory_space<vmem>>
        %dma_wait3A_106 = arith.constant 0 : i32
        %dma_wait3A_107 = arith.constant 0 : i32
        %dma_wait3A_108 = tpu.memref_slice %arg18[%dma_wait3A_106, %dma_wait3A_107] : memref<256x256xf32, #tpu.memory_space<vmem>> -> memref<64x256xf32, #tpu.memory_space<vmem>>
        tpu.wait_dma2 semaphore(%run_scoped3A : memref<!tpu.dma_semaphore, #tpu.memory_space<semaphore_mem>>) src(%arg22 : memref<64x256xf32, #tpu.memory_space<vmem_shared>>) dst(%dma_wait3A_108 : memref<64x256xf32, #tpu.memory_space<vmem>>)
        tpu.yield
      }) : () -> ()
      "tpu.region"() ({
        %run_scoped3A = tpu.sem_alloc : memref<!tpu.dma_semaphore, #tpu.memory_space<semaphore_mem>>
        %dma_start3A = arith.constant 64 : i32
        %dma_start3A_99 = arith.constant 0 : i32
        %dma_start3A_100 = tpu.memref_slice %arg18[%dma_start3A, %dma_start3A_99] : memref<256x256xf32, #tpu.memory_space<vmem>> -> memref<64x256xf32, #tpu.memory_space<vmem>>
        %dma_start3A_101 = arith.constant 64 : i32
        %dma_start3A_102 = arith.constant 0 : i32
        %dma_start3A_103 = tpu.memref_slice %arg18[%dma_start3A_101, %dma_start3A_102] : memref<256x256xf32, #tpu.memory_space<vmem>> -> memref<64x256xf32, #tpu.memory_space<vmem>>
        tpu.enqueue_dma source(%arg22 : memref<64x256xf32, #tpu.memory_space<vmem_shared>>) target(%dma_start3A_103 : memref<64x256xf32, #tpu.memory_space<vmem>>) target_semaphore(%run_scoped3A : memref<!tpu.dma_semaphore, #tpu.memory_space<semaphore_mem>>)
        %dma_wait3A = arith.constant 64 : i32
        %dma_wait3A_104 = arith.constant 0 : i32
        %dma_wait3A_105 = tpu.memref_slice %arg18[%dma_wait3A, %dma_wait3A_104] : memref<256x256xf32, #tpu.memory_space<vmem>> -> memref<64x256xf32, #tpu.memory_space<vmem>>
        %dma_wait3A_106 = arith.constant 64 : i32
        %dma_wait3A_107 = arith.constant 0 : i32
        %dma_wait3A_108 = tpu.memref_slice %arg18[%dma_wait3A_106, %dma_wait3A_107] : memref<256x256xf32, #tpu.memory_space<vmem>> -> memref<64x256xf32, #tpu.memory_space<vmem>>
        tpu.wait_dma2 semaphore(%run_scoped3A : memref<!tpu.dma_semaphore, #tpu.memory_space<semaphore_mem>>) src(%arg22 : memref<64x256xf32, #tpu.memory_space<vmem_shared>>) dst(%dma_wait3A_108 : memref<64x256xf32, #tpu.memory_space<vmem>>)
        tpu.yield
      }) : () -> ()
      "tpu.region"() ({
        %run_scoped3A = tpu.sem_alloc : memref<!tpu.dma_semaphore, #tpu.memory_space<semaphore_mem>>
        %dma_start3A = arith.constant 128 : i32
        %dma_start3A_99 = arith.constant 0 : i32
        %dma_start3A_100 = tpu.memref_slice %arg18[%dma_start3A, %dma_start3A_99] : memref<256x256xf32, #tpu.memory_space<vmem>> -> memref<64x256xf32, #tpu.memory_space<vmem>>
        %dma_start3A_101 = arith.constant 128 : i32
        %dma_start3A_102 = arith.constant 0 : i32
        %dma_start3A_103 = tpu.memref_slice %arg18[%dma_start3A_101, %dma_start3A_102] : memref<256x256xf32, #tpu.memory_space<vmem>> -> memref<64x256xf32, #tpu.memory_space<vmem>>
        tpu.enqueue_dma source(%arg22 : memref<64x256xf32, #tpu.memory_space<vmem_shared>>) target(%dma_start3A_103 : memref<64x256xf32, #tpu.memory_space<vmem>>) target_semaphore(%run_scoped3A : memref<!tpu.dma_semaphore, #tpu.memory_space<semaphore_mem>>)
        %dma_wait3A = arith.constant 128 : i32
        %dma_wait3A_104 = arith.constant 0 : i32
        %dma_wait3A_105 = tpu.memref_slice %arg18[%dma_wait3A, %dma_wait3A_104] : memref<256x256xf32, #tpu.memory_space<vmem>> -> memref<64x256xf32, #tpu.memory_space<vmem>>
        %dma_wait3A_106 = arith.constant 128 : i32
        %dma_wait3A_107 = arith.constant 0 : i32
        %dma_wait3A_108 = tpu.memref_slice %arg18[%dma_wait3A_106, %dma_wait3A_107] : memref<256x256xf32, #tpu.memory_space<vmem>> -> memref<64x256xf32, #tpu.memory_space<vmem>>
        tpu.wait_dma2 semaphore(%run_scoped3A : memref<!tpu.dma_semaphore, #tpu.memory_space<semaphore_mem>>) src(%arg22 : memref<64x256xf32, #tpu.memory_space<vmem_shared>>) dst(%dma_wait3A_108 : memref<64x256xf32, #tpu.memory_space<vmem>>)
        tpu.yield
      }) : () -> ()
      "tpu.region"() ({
        %run_scoped3A = tpu.sem_alloc : memref<!tpu.dma_semaphore, #tpu.memory_space<semaphore_mem>>
        %dma_start3A = arith.constant 192 : i32
        %dma_start3A_99 = arith.constant 0 : i32
        %dma_start3A_100 = tpu.memref_slice %arg18[%dma_start3A, %dma_start3A_99] : memref<256x256xf32, #tpu.memory_space<vmem>> -> memref<64x256xf32, #tpu.memory_space<vmem>>
        %dma_start3A_101 = arith.constant 192 : i32
        %dma_start3A_102 = arith.constant 0 : i32
        %dma_start3A_103 = tpu.memref_slice %arg18[%dma_start3A_101, %dma_start3A_102] : memref<256x256xf32, #tpu.memory_space<vmem>> -> memref<64x256xf32, #tpu.memory_space<vmem>>
        tpu.enqueue_dma source(%arg22 : memref<64x256xf32, #tpu.memory_space<vmem_shared>>) target(%dma_start3A_103 : memref<64x256xf32, #tpu.memory_space<vmem>>) target_semaphore(%run_scoped3A : memref<!tpu.dma_semaphore, #tpu.memory_space<semaphore_mem>>)
        %dma_wait3A = arith.constant 192 : i32
        %dma_wait3A_104 = arith.constant 0 : i32
        %dma_wait3A_105 = tpu.memref_slice %arg18[%dma_wait3A, %dma_wait3A_104] : memref<256x256xf32, #tpu.memory_space<vmem>> -> memref<64x256xf32, #tpu.memory_space<vmem>>
        %dma_wait3A_106 = arith.constant 192 : i32
        %dma_wait3A_107 = arith.constant 0 : i32
        %dma_wait3A_108 = tpu.memref_slice %arg18[%dma_wait3A_106, %dma_wait3A_107] : memref<256x256xf32, #tpu.memory_space<vmem>> -> memref<64x256xf32, #tpu.memory_space<vmem>>
        tpu.wait_dma2 semaphore(%run_scoped3A : memref<!tpu.dma_semaphore, #tpu.memory_space<semaphore_mem>>) src(%arg22 : memref<64x256xf32, #tpu.memory_space<vmem_shared>>) dst(%dma_wait3A_108 : memref<64x256xf32, #tpu.memory_space<vmem>>)
        tpu.yield
      }) : () -> ()
      %broadcast_in_dim3A_22 = arith.constant 0.000000e+00 : f32
      %broadcast_in_dim3A_23 = vector.broadcast %broadcast_in_dim3A_22 : f32 to vector<16xf32>
      %swap3A = arith.constant 0 : index
      %swap3A_24 = tpu.vector_load %arg19[%swap3A] {strides = array<i32>} : memref<256xf32, #tpu.memory_space<vmem>>, vector<16xf32>,
      tpu.vector_store %arg19[%swap3A], %broadcast_in_dim3A_23 {strides = array<i32>} : memref<256xf32, #tpu.memory_space<vmem>>, vector<16xf32>,
      %broadcast_in_dim3A_25 = arith.constant 0.000000e+00 : f32
      %broadcast_in_dim3A_26 = vector.broadcast %broadcast_in_dim3A_25 : f32 to vector<16xf32>
      %swap3A_27 = arith.constant 16 : index
      %swap3A_28 = tpu.vector_load %arg19[%swap3A_27] {strides = array<i32>} : memref<256xf32, #tpu.memory_space<vmem>>, vector<16xf32>,
      tpu.vector_store %arg19[%swap3A_27], %broadcast_in_dim3A_26 {strides = array<i32>} : memref<256xf32, #tpu.memory_space<vmem>>, vector<16xf32>,
      %broadcast_in_dim3A_29 = arith.constant 0.000000e+00 : f32
      %broadcast_in_dim3A_30 = vector.broadcast %broadcast_in_dim3A_29 : f32 to vector<16xf32>
      %swap3A_31 = arith.constant 32 : index
      %swap3A_32 = tpu.vector_load %arg19[%swap3A_31] {strides = array<i32>} : memref<256xf32, #tpu.memory_space<vmem>>, vector<16xf32>,
      tpu.vector_store %arg19[%swap3A_31], %broadcast_in_dim3A_30 {strides = array<i32>} : memref<256xf32, #tpu.memory_space<vmem>>, vector<16xf32>,
      %broadcast_in_dim3A_33 = arith.constant 0.000000e+00 : f32
      %broadcast_in_dim3A_34 = vector.broadcast %broadcast_in_dim3A_33 : f32 to vector<16xf32>
      %swap3A_35 = arith.constant 48 : index
      %swap3A_36 = tpu.vector_load %arg19[%swap3A_35] {strides = array<i32>} : memref<256xf32, #tpu.memory_space<vmem>>, vector<16xf32>,
      tpu.vector_store %arg19[%swap3A_35], %broadcast_in_dim3A_34 {strides = array<i32>} : memref<256xf32, #tpu.memory_space<vmem>>, vector<16xf32>,
      %broadcast_in_dim3A_37 = arith.constant 0.000000e+00 : f32
      %broadcast_in_dim3A_38 = vector.broadcast %broadcast_in_dim3A_37 : f32 to vector<16xf32>
      %swap3A_39 = arith.constant 64 : index
      %swap3A_40 = tpu.vector_load %arg19[%swap3A_39] {strides = array<i32>} : memref<256xf32, #tpu.memory_space<vmem>>, vector<16xf32>,
      tpu.vector_store %arg19[%swap3A_39], %broadcast_in_dim3A_38 {strides = array<i32>} : memref<256xf32, #tpu.memory_space<vmem>>, vector<16xf32>,
      %broadcast_in_dim3A_41 = arith.constant 0.000000e+00 : f32
      %broadcast_in_dim3A_42 = vector.broadcast %broadcast_in_dim3A_41 : f32 to vector<16xf32>
      %swap3A_43 = arith.constant 80 : index
      %swap3A_44 = tpu.vector_load %arg19[%swap3A_43] {strides = array<i32>} : memref<256xf32, #tpu.memory_space<vmem>>, vector<16xf32>,
      tpu.vector_store %arg19[%swap3A_43], %broadcast_in_dim3A_42 {strides = array<i32>} : memref<256xf32, #tpu.memory_space<vmem>>, vector<16xf32>,
      %broadcast_in_dim3A_45 = arith.constant 0.000000e+00 : f32
      %broadcast_in_dim3A_46 = vector.broadcast %broadcast_in_dim3A_45 : f32 to vector<16xf32>
      %swap3A_47 = arith.constant 96 : index
      %swap3A_48 = tpu.vector_load %arg19[%swap3A_47] {strides = array<i32>} : memref<256xf32, #tpu.memory_space<vmem>>, vector<16xf32>,
      tpu.vector_store %arg19[%swap3A_47], %broadcast_in_dim3A_46 {strides = array<i32>} : memref<256xf32, #tpu.memory_space<vmem>>, vector<16xf32>,
      %broadcast_in_dim3A_49 = arith.constant 0.000000e+00 : f32
      %broadcast_in_dim3A_50 = vector.broadcast %broadcast_in_dim3A_49 : f32 to vector<16xf32>
      %swap3A_51 = arith.constant 112 : index
      %swap3A_52 = tpu.vector_load %arg19[%swap3A_51] {strides = array<i32>} : memref<256xf32, #tpu.memory_space<vmem>>, vector<16xf32>,
      tpu.vector_store %arg19[%swap3A_51], %broadcast_in_dim3A_50 {strides = array<i32>} : memref<256xf32, #tpu.memory_space<vmem>>, vector<16xf32>,
      %broadcast_in_dim3A_53 = arith.constant 0.000000e+00 : f32
      %broadcast_in_dim3A_54 = vector.broadcast %broadcast_in_dim3A_53 : f32 to vector<16xf32>
      %swap3A_55 = arith.constant 128 : index
      %swap3A_56 = tpu.vector_load %arg19[%swap3A_55] {strides = array<i32>} : memref<256xf32, #tpu.memory_space<vmem>>, vector<16xf32>,
      tpu.vector_store %arg19[%swap3A_55], %broadcast_in_dim3A_54 {strides = array<i32>} : memref<256xf32, #tpu.memory_space<vmem>>, vector<16xf32>,
      %broadcast_in_dim3A_57 = arith.constant 0.000000e+00 : f32
      %broadcast_in_dim3A_58 = vector.broadcast %broadcast_in_dim3A_57 : f32 to vector<16xf32>
      %swap3A_59 = arith.constant 144 : index
      %swap3A_60 = tpu.vector_load %arg19[%swap3A_59] {strides = array<i32>} : memref<256xf32, #tpu.memory_space<vmem>>, vector<16xf32>,
      tpu.vector_store %arg19[%swap3A_59], %broadcast_in_dim3A_58 {strides = array<i32>} : memref<256xf32, #tpu.memory_space<vmem>>, vector<16xf32>,
      %broadcast_in_dim3A_61 = arith.constant 0.000000e+00 : f32
      %broadcast_in_dim3A_62 = vector.broadcast %broadcast_in_dim3A_61 : f32 to vector<16xf32>
      %swap3A_63 = arith.constant 160 : index
      %swap3A_64 = tpu.vector_load %arg19[%swap3A_63] {strides = array<i32>} : memref<256xf32, #tpu.memory_space<vmem>>, vector<16xf32>,
      tpu.vector_store %arg19[%swap3A_63], %broadcast_in_dim3A_62 {strides = array<i32>} : memref<256xf32, #tpu.memory_space<vmem>>, vector<16xf32>,
      %broadcast_in_dim3A_65 = arith.constant 0.000000e+00 : f32
      %broadcast_in_dim3A_66 = vector.broadcast %broadcast_in_dim3A_65 : f32 to vector<16xf32>
      %swap3A_67 = arith.constant 176 : index
      %swap3A_68 = tpu.vector_load %arg19[%swap3A_67] {strides = array<i32>} : memref<256xf32, #tpu.memory_space<vmem>>, vector<16xf32>,
      tpu.vector_store %arg19[%swap3A_67], %broadcast_in_dim3A_66 {strides = array<i32>} : memref<256xf32, #tpu.memory_space<vmem>>, vector<16xf32>,
      %broadcast_in_dim3A_69 = arith.constant 0.000000e+00 : f32
      %broadcast_in_dim3A_70 = vector.broadcast %broadcast_in_dim3A_69 : f32 to vector<16xf32>
      %swap3A_71 = arith.constant 192 : index
      %swap3A_72 = tpu.vector_load %arg19[%swap3A_71] {strides = array<i32>} : memref<256xf32, #tpu.memory_space<vmem>>, vector<16xf32>,
      tpu.vector_store %arg19[%swap3A_71], %broadcast_in_dim3A_70 {strides = array<i32>} : memref<256xf32, #tpu.memory_space<vmem>>, vector<16xf32>,
      %broadcast_in_dim3A_73 = arith.constant 0.000000e+00 : f32
      %broadcast_in_dim3A_74 = vector.broadcast %broadcast_in_dim3A_73 : f32 to vector<16xf32>
      %swap3A_75 = arith.constant 208 : index
      %swap3A_76 = tpu.vector_load %arg19[%swap3A_75] {strides = array<i32>} : memref<256xf32, #tpu.memory_space<vmem>>, vector<16xf32>,
      tpu.vector_store %arg19[%swap3A_75], %broadcast_in_dim3A_74 {strides = array<i32>} : memref<256xf32, #tpu.memory_space<vmem>>, vector<16xf32>,
      %broadcast_in_dim3A_77 = arith.constant 0.000000e+00 : f32
      %broadcast_in_dim3A_78 = vector.broadcast %broadcast_in_dim3A_77 : f32 to vector<16xf32>
      %swap3A_79 = arith.constant 224 : index
      %swap3A_80 = tpu.vector_load %arg19[%swap3A_79] {strides = array<i32>} : memref<256xf32, #tpu.memory_space<vmem>>, vector<16xf32>,
      tpu.vector_store %arg19[%swap3A_79], %broadcast_in_dim3A_78 {strides = array<i32>} : memref<256xf32, #tpu.memory_space<vmem>>, vector<16xf32>,
      %broadcast_in_dim3A_81 = arith.constant 0.000000e+00 : f32
      %broadcast_in_dim3A_82 = vector.broadcast %broadcast_in_dim3A_81 : f32 to vector<16xf32>
      %swap3A_83 = arith.constant 240 : index
      %swap3A_84 = tpu.vector_load %arg19[%swap3A_83] {strides = array<i32>} : memref<256xf32, #tpu.memory_space<vmem>>, vector<16xf32>,
      tpu.vector_store %arg19[%swap3A_83], %broadcast_in_dim3A_82 {strides = array<i32>} : memref<256xf32, #tpu.memory_space<vmem>>, vector<16xf32>,
      %scan3A_85 = arith.constant 0 : i32
      %scan3A_86 = arith.constant 0 : i32
      %scan3A_87 = arith.constant 5 : i32
      %scan3A_88 = arith.addi %scan3A_86, %scan3A_87 : i32
      %scan3A_89 = arith.constant 1 : i32
      %scan3A_90 = scf.for %scan3A_99 = %scan3A_86 to %scan3A_88 step %scan3A_89 iter_args(%scan3A_100 = %scan3A_85) -> (i32)  : i32 {
        %scan3A_101 = arith.constant 0 : i32
        %scan3A_102 = arith.constant 0 : i32
        %scan3A_103 = arith.constant 125 : i32
        %scan3A_104 = arith.addi %scan3A_102, %scan3A_103 : i32
        %scan3A_105 = arith.constant 1 : i32
        %scan3A_106 = scf.for %scan3A_299 = %scan3A_102 to %scan3A_104 step %scan3A_105 iter_args(%scan3A_300 = %scan3A_101) -> (i32)  : i32 {
          %mul3A_301 = arith.constant 2000 : i32
          %mul3A_302 = arith.muli %scan3A_99, %mul3A_301 : i32
          %mul3A_303 = arith.constant 16 : i32
          %mul3A_304 = arith.muli %scan3A_299, %mul3A_303 : i32
          %add3A_305 = arith.addi %mul3A_302, %mul3A_304 : i32
          %get3A = arith.index_cast %add3A_305 : i32 to index
          %get3A_306 = tpu.vector_load %arg8[%get3A] {strides = array<i32>} : memref<10000xi32, #tpu.memory_space<vmem>>, vector<16xi32>,
          %mul3A_307 = arith.constant 2000 : i32
          %mul3A_308 = arith.muli %scan3A_99, %mul3A_307 : i32
          %mul3A_309 = arith.constant 16 : i32
          %mul3A_310 = arith.muli %scan3A_299, %mul3A_309 : i32
          %add3A_311 = arith.addi %mul3A_308, %mul3A_310 : i32
          %get3A_312 = arith.index_cast %add3A_311 : i32 to index
          %get3A_313 = tpu.vector_load %arg9[%get3A_312] {strides = array<i32>} : memref<10000xi32, #tpu.memory_space<vmem>>, vector<16xi32>,
          %ge3A = vector.broadcast %add3A : i32 to vector<16xi32>
          %ge3A_314 = arith.cmpi sge, %get3A_306, %ge3A : vector<16xi32>
          %lt3A_315 = vector.broadcast %add3A_21 : i32 to vector<16xi32>
          %lt3A_316 = arith.cmpi slt, %get3A_306, %lt3A_315 : vector<16xi32>
          %and3A_317 = arith.andi %ge3A_314, %lt3A_316 : vector<16xi1>
          %sub3A_318 = vector.broadcast %add3A : i32 to vector<16xi32>
          %sub3A_319 = arith.subi %get3A_306, %sub3A_318 : vector<16xi32>
          %convert_element_type3A = arith.extui %and3A_317 : vector<16xi1> to vector<16xi32>
          %broadcast_in_dim3A_320 = arith.constant true
          %broadcast_in_dim3A_321 = vector.broadcast %broadcast_in_dim3A_320 : i1 to vector<16xi1>
          %masked_cumsum3A = tpu.scan <sum>, %convert_element_type3A masked %broadcast_in_dim3A_321 : vector<16xi32>, vector<16xi1> -> vector<16xi32>
          %add3A_322 = vector.broadcast %scan3A_300 : i32 to vector<16xi32>
          %add3A_323 = arith.addi %add3A_322, %masked_cumsum3A : vector<16xi32>
          %sub3A_324 = arith.subi %add3A_323, %convert_element_type3A : vector<16xi32>
          tpu.vector_store_idx %arg10[%sub3A_324], %get3A_313 masked %and3A_317 : memref<2048xi32, #tpu.memory_space<vmem>>[vector<16xi32>], vector<16xi32>, vector<16xi1>
          tpu.vector_store_idx %arg11[%sub3A_324], %sub3A_319 masked %and3A_317 : memref<2048xi32, #tpu.memory_space<vmem>>[vector<16xi32>], vector<16xi32>, vector<16xi1>
          %reduce_sum3A = arith.constant true
          %reduce_sum3A_325 = vector.broadcast %reduce_sum3A : i1 to vector<16xi1>
          %reduce_sum3A_326 = tpu.scan <sum>, %convert_element_type3A masked %reduce_sum3A_325 : vector<16xi32>, vector<16xi1> -> vector<16xi32>
          %reduce_sum3A_327 = vector.extract %reduce_sum3A_326[15] : i32 from vector<16xi32>
          %add3A_328 = arith.addi %scan3A_300, %reduce_sum3A_327 : i32
          scf.yield %add3A_328 : i32
        }
        %scan3A_107 = arith.constant 125 : i32
        %add3A_108 = arith.constant 255 : i32
        %add3A_109 = arith.addi %scan3A_106, %add3A_108 : i32
        %jit3A = arith.constant 256 : i32
        %div3A = arith.divsi %add3A_109, %jit3A : i32
        %sign3A = arith.constant 0 : i32
        %sign3A_110 = arith.cmpi sgt, %add3A_109, %sign3A : i32
        %sign3A_111 = arith.extui %sign3A_110 : i1 to i32
        %sign3A_112 = arith.constant 0 : i32
        %sign3A_113 = arith.cmpi slt, %add3A_109, %sign3A_112 : i32
        %sign3A_114 = arith.extui %sign3A_113 : i1 to i32
        %sign3A_115 = arith.subi %sign3A_111, %sign3A_114 : i32
        %sign3A_116 = arith.constant 0 : i32
        %sign3A_117 = arith.cmpi sgt, %jit3A, %sign3A_116 : i32
        %sign3A_118 = arith.extui %sign3A_117 : i1 to i32
        %sign3A_119 = arith.constant 0 : i32
        %sign3A_120 = arith.cmpi slt, %jit3A, %sign3A_119 : i32
        %sign3A_121 = arith.extui %sign3A_120 : i1 to i32
        %sign3A_122 = arith.subi %sign3A_118, %sign3A_121 : i32
        %ne3A = arith.cmpi ne, %sign3A_115, %sign3A_122 : i32
        %rem3A = arith.remsi %add3A_109, %jit3A : i32
        %ne3A_123 = arith.constant 0 : i32
        %ne3A_124 = arith.cmpi ne, %rem3A, %ne3A_123 : i32
        %and3A = arith.andi %ne3A, %ne3A_124 : i1
        %sub3A = arith.constant 1 : i32
        %sub3A_125 = arith.subi %div3A, %sub3A : i32
        %select_n3A = arith.select %and3A, %sub3A_125, %div3A : i32
        %add3A_126 = vector.broadcast %scan3A_106 : i32 to vector<16xi32>
        %add3A_127 = arith.addi %add3A_126, %iota3A : vector<16xi32>
        %add3A_128 = arith.constant 0 : i32
        %add3A_129 = vector.broadcast %add3A_128 : i32 to vector<16xi32>
        %add3A_130 = arith.addi %add3A_127, %add3A_129 : vector<16xi32>
        %mul3A_131 = arith.constant 256 : i32
        %mul3A_132 = arith.muli %select_n3A, %mul3A_131 : i32
        %lt3A = vector.broadcast %mul3A_132 : i32 to vector<16xi32>
        %lt3A_133 = arith.cmpi slt, %add3A_130, %lt3A : vector<16xi32>
        tpu.vector_store_idx %arg11[%add3A_130], %broadcast_in_dim3A_5 masked %lt3A_133 : memref<2048xi32, #tpu.memory_space<vmem>>[vector<16xi32>], vector<16xi32>, vector<16xi1>
        %add3A_134 = vector.broadcast %scan3A_106 : i32 to vector<16xi32>
        %add3A_135 = arith.addi %add3A_134, %iota3A : vector<16xi32>
        %add3A_136 = arith.constant 16 : i32
        %add3A_137 = vector.broadcast %add3A_136 : i32 to vector<16xi32>
        %add3A_138 = arith.addi %add3A_135, %add3A_137 : vector<16xi32>
        %mul3A_139 = arith.constant 256 : i32
        %mul3A_140 = arith.muli %select_n3A, %mul3A_139 : i32
        %lt3A_141 = vector.broadcast %mul3A_140 : i32 to vector<16xi32>
        %lt3A_142 = arith.cmpi slt, %add3A_138, %lt3A_141 : vector<16xi32>
        tpu.vector_store_idx %arg11[%add3A_138], %broadcast_in_dim3A_5 masked %lt3A_142 : memref<2048xi32, #tpu.memory_space<vmem>>[vector<16xi32>], vector<16xi32>, vector<16xi1>
        %add3A_143 = vector.broadcast %scan3A_106 : i32 to vector<16xi32>
        %add3A_144 = arith.addi %add3A_143, %iota3A : vector<16xi32>
        %add3A_145 = arith.constant 32 : i32
        %add3A_146 = vector.broadcast %add3A_145 : i32 to vector<16xi32>
        %add3A_147 = arith.addi %add3A_144, %add3A_146 : vector<16xi32>
        %mul3A_148 = arith.constant 256 : i32
        %mul3A_149 = arith.muli %select_n3A, %mul3A_148 : i32
        %lt3A_150 = vector.broadcast %mul3A_149 : i32 to vector<16xi32>
        %lt3A_151 = arith.cmpi slt, %add3A_147, %lt3A_150 : vector<16xi32>
        tpu.vector_store_idx %arg11[%add3A_147], %broadcast_in_dim3A_5 masked %lt3A_151 : memref<2048xi32, #tpu.memory_space<vmem>>[vector<16xi32>], vector<16xi32>, vector<16xi1>
        %add3A_152 = vector.broadcast %scan3A_106 : i32 to vector<16xi32>
        %add3A_153 = arith.addi %add3A_152, %iota3A : vector<16xi32>
        %add3A_154 = arith.constant 48 : i32
        %add3A_155 = vector.broadcast %add3A_154 : i32 to vector<16xi32>
        %add3A_156 = arith.addi %add3A_153, %add3A_155 : vector<16xi32>
        %mul3A_157 = arith.constant 256 : i32
        %mul3A_158 = arith.muli %select_n3A, %mul3A_157 : i32
        %lt3A_159 = vector.broadcast %mul3A_158 : i32 to vector<16xi32>
        %lt3A_160 = arith.cmpi slt, %add3A_156, %lt3A_159 : vector<16xi32>
        tpu.vector_store_idx %arg11[%add3A_156], %broadcast_in_dim3A_5 masked %lt3A_160 : memref<2048xi32, #tpu.memory_space<vmem>>[vector<16xi32>], vector<16xi32>, vector<16xi1>
        %add3A_161 = vector.broadcast %scan3A_106 : i32 to vector<16xi32>
        %add3A_162 = arith.addi %add3A_161, %iota3A : vector<16xi32>
        %add3A_163 = arith.constant 64 : i32
        %add3A_164 = vector.broadcast %add3A_163 : i32 to vector<16xi32>
        %add3A_165 = arith.addi %add3A_162, %add3A_164 : vector<16xi32>
        %mul3A_166 = arith.constant 256 : i32
        %mul3A_167 = arith.muli %select_n3A, %mul3A_166 : i32
        %lt3A_168 = vector.broadcast %mul3A_167 : i32 to vector<16xi32>
        %lt3A_169 = arith.cmpi slt, %add3A_165, %lt3A_168 : vector<16xi32>
        tpu.vector_store_idx %arg11[%add3A_165], %broadcast_in_dim3A_5 masked %lt3A_169 : memref<2048xi32, #tpu.memory_space<vmem>>[vector<16xi32>], vector<16xi32>, vector<16xi1>
        %add3A_170 = vector.broadcast %scan3A_106 : i32 to vector<16xi32>
        %add3A_171 = arith.addi %add3A_170, %iota3A : vector<16xi32>
        %add3A_172 = arith.constant 80 : i32
        %add3A_173 = vector.broadcast %add3A_172 : i32 to vector<16xi32>
        %add3A_174 = arith.addi %add3A_171, %add3A_173 : vector<16xi32>
        %mul3A_175 = arith.constant 256 : i32
        %mul3A_176 = arith.muli %select_n3A, %mul3A_175 : i32
        %lt3A_177 = vector.broadcast %mul3A_176 : i32 to vector<16xi32>
        %lt3A_178 = arith.cmpi slt, %add3A_174, %lt3A_177 : vector<16xi32>
        tpu.vector_store_idx %arg11[%add3A_174], %broadcast_in_dim3A_5 masked %lt3A_178 : memref<2048xi32, #tpu.memory_space<vmem>>[vector<16xi32>], vector<16xi32>, vector<16xi1>
        %add3A_179 = vector.broadcast %scan3A_106 : i32 to vector<16xi32>
        %add3A_180 = arith.addi %add3A_179, %iota3A : vector<16xi32>
        %add3A_181 = arith.constant 96 : i32
        %add3A_182 = vector.broadcast %add3A_181 : i32 to vector<16xi32>
        %add3A_183 = arith.addi %add3A_180, %add3A_182 : vector<16xi32>
        %mul3A_184 = arith.constant 256 : i32
        %mul3A_185 = arith.muli %select_n3A, %mul3A_184 : i32
        %lt3A_186 = vector.broadcast %mul3A_185 : i32 to vector<16xi32>
        %lt3A_187 = arith.cmpi slt, %add3A_183, %lt3A_186 : vector<16xi32>
        tpu.vector_store_idx %arg11[%add3A_183], %broadcast_in_dim3A_5 masked %lt3A_187 : memref<2048xi32, #tpu.memory_space<vmem>>[vector<16xi32>], vector<16xi32>, vector<16xi1>
        %add3A_188 = vector.broadcast %scan3A_106 : i32 to vector<16xi32>
        %add3A_189 = arith.addi %add3A_188, %iota3A : vector<16xi32>
        %add3A_190 = arith.constant 112 : i32
        %add3A_191 = vector.broadcast %add3A_190 : i32 to vector<16xi32>
        %add3A_192 = arith.addi %add3A_189, %add3A_191 : vector<16xi32>
        %mul3A_193 = arith.constant 256 : i32
        %mul3A_194 = arith.muli %select_n3A, %mul3A_193 : i32
        %lt3A_195 = vector.broadcast %mul3A_194 : i32 to vector<16xi32>
        %lt3A_196 = arith.cmpi slt, %add3A_192, %lt3A_195 : vector<16xi32>
        tpu.vector_store_idx %arg11[%add3A_192], %broadcast_in_dim3A_5 masked %lt3A_196 : memref<2048xi32, #tpu.memory_space<vmem>>[vector<16xi32>], vector<16xi32>, vector<16xi1>
        %add3A_197 = vector.broadcast %scan3A_106 : i32 to vector<16xi32>
        %add3A_198 = arith.addi %add3A_197, %iota3A : vector<16xi32>
        %add3A_199 = arith.constant 128 : i32
        %add3A_200 = vector.broadcast %add3A_199 : i32 to vector<16xi32>
        %add3A_201 = arith.addi %add3A_198, %add3A_200 : vector<16xi32>
        %mul3A_202 = arith.constant 256 : i32
        %mul3A_203 = arith.muli %select_n3A, %mul3A_202 : i32
        %lt3A_204 = vector.broadcast %mul3A_203 : i32 to vector<16xi32>
        %lt3A_205 = arith.cmpi slt, %add3A_201, %lt3A_204 : vector<16xi32>
        tpu.vector_store_idx %arg11[%add3A_201], %broadcast_in_dim3A_5 masked %lt3A_205 : memref<2048xi32, #tpu.memory_space<vmem>>[vector<16xi32>], vector<16xi32>, vector<16xi1>
        %add3A_206 = vector.broadcast %scan3A_106 : i32 to vector<16xi32>
        %add3A_207 = arith.addi %add3A_206, %iota3A : vector<16xi32>
        %add3A_208 = arith.constant 144 : i32
        %add3A_209 = vector.broadcast %add3A_208 : i32 to vector<16xi32>
        %add3A_210 = arith.addi %add3A_207, %add3A_209 : vector<16xi32>
        %mul3A_211 = arith.constant 256 : i32
        %mul3A_212 = arith.muli %select_n3A, %mul3A_211 : i32
        %lt3A_213 = vector.broadcast %mul3A_212 : i32 to vector<16xi32>
        %lt3A_214 = arith.cmpi slt, %add3A_210, %lt3A_213 : vector<16xi32>
        tpu.vector_store_idx %arg11[%add3A_210], %broadcast_in_dim3A_5 masked %lt3A_214 : memref<2048xi32, #tpu.memory_space<vmem>>[vector<16xi32>], vector<16xi32>, vector<16xi1>
        %add3A_215 = vector.broadcast %scan3A_106 : i32 to vector<16xi32>
        %add3A_216 = arith.addi %add3A_215, %iota3A : vector<16xi32>
        %add3A_217 = arith.constant 160 : i32
        %add3A_218 = vector.broadcast %add3A_217 : i32 to vector<16xi32>
        %add3A_219 = arith.addi %add3A_216, %add3A_218 : vector<16xi32>
        %mul3A_220 = arith.constant 256 : i32
        %mul3A_221 = arith.muli %select_n3A, %mul3A_220 : i32
        %lt3A_222 = vector.broadcast %mul3A_221 : i32 to vector<16xi32>
        %lt3A_223 = arith.cmpi slt, %add3A_219, %lt3A_222 : vector<16xi32>
        tpu.vector_store_idx %arg11[%add3A_219], %broadcast_in_dim3A_5 masked %lt3A_223 : memref<2048xi32, #tpu.memory_space<vmem>>[vector<16xi32>], vector<16xi32>, vector<16xi1>
        %add3A_224 = vector.broadcast %scan3A_106 : i32 to vector<16xi32>
        %add3A_225 = arith.addi %add3A_224, %iota3A : vector<16xi32>
        %add3A_226 = arith.constant 176 : i32
        %add3A_227 = vector.broadcast %add3A_226 : i32 to vector<16xi32>
        %add3A_228 = arith.addi %add3A_225, %add3A_227 : vector<16xi32>
        %mul3A_229 = arith.constant 256 : i32
        %mul3A_230 = arith.muli %select_n3A, %mul3A_229 : i32
        %lt3A_231 = vector.broadcast %mul3A_230 : i32 to vector<16xi32>
        %lt3A_232 = arith.cmpi slt, %add3A_228, %lt3A_231 : vector<16xi32>
        tpu.vector_store_idx %arg11[%add3A_228], %broadcast_in_dim3A_5 masked %lt3A_232 : memref<2048xi32, #tpu.memory_space<vmem>>[vector<16xi32>], vector<16xi32>, vector<16xi1>
        %add3A_233 = vector.broadcast %scan3A_106 : i32 to vector<16xi32>
        %add3A_234 = arith.addi %add3A_233, %iota3A : vector<16xi32>
        %add3A_235 = arith.constant 192 : i32
        %add3A_236 = vector.broadcast %add3A_235 : i32 to vector<16xi32>
        %add3A_237 = arith.addi %add3A_234, %add3A_236 : vector<16xi32>
        %mul3A_238 = arith.constant 256 : i32
        %mul3A_239 = arith.muli %select_n3A, %mul3A_238 : i32
        %lt3A_240 = vector.broadcast %mul3A_239 : i32 to vector<16xi32>
        %lt3A_241 = arith.cmpi slt, %add3A_237, %lt3A_240 : vector<16xi32>
        tpu.vector_store_idx %arg11[%add3A_237], %broadcast_in_dim3A_5 masked %lt3A_241 : memref<2048xi32, #tpu.memory_space<vmem>>[vector<16xi32>], vector<16xi32>, vector<16xi1>
        %add3A_242 = vector.broadcast %scan3A_106 : i32 to vector<16xi32>
        %add3A_243 = arith.addi %add3A_242, %iota3A : vector<16xi32>
        %add3A_244 = arith.constant 208 : i32
        %add3A_245 = vector.broadcast %add3A_244 : i32 to vector<16xi32>
        %add3A_246 = arith.addi %add3A_243, %add3A_245 : vector<16xi32>
        %mul3A_247 = arith.constant 256 : i32
        %mul3A_248 = arith.muli %select_n3A, %mul3A_247 : i32
        %lt3A_249 = vector.broadcast %mul3A_248 : i32 to vector<16xi32>
        %lt3A_250 = arith.cmpi slt, %add3A_246, %lt3A_249 : vector<16xi32>
        tpu.vector_store_idx %arg11[%add3A_246], %broadcast_in_dim3A_5 masked %lt3A_250 : memref<2048xi32, #tpu.memory_space<vmem>>[vector<16xi32>], vector<16xi32>, vector<16xi1>
        %add3A_251 = vector.broadcast %scan3A_106 : i32 to vector<16xi32>
        %add3A_252 = arith.addi %add3A_251, %iota3A : vector<16xi32>
        %add3A_253 = arith.constant 224 : i32
        %add3A_254 = vector.broadcast %add3A_253 : i32 to vector<16xi32>
        %add3A_255 = arith.addi %add3A_252, %add3A_254 : vector<16xi32>
        %mul3A_256 = arith.constant 256 : i32
        %mul3A_257 = arith.muli %select_n3A, %mul3A_256 : i32
        %lt3A_258 = vector.broadcast %mul3A_257 : i32 to vector<16xi32>
        %lt3A_259 = arith.cmpi slt, %add3A_255, %lt3A_258 : vector<16xi32>
        tpu.vector_store_idx %arg11[%add3A_255], %broadcast_in_dim3A_5 masked %lt3A_259 : memref<2048xi32, #tpu.memory_space<vmem>>[vector<16xi32>], vector<16xi32>, vector<16xi1>
        %add3A_260 = vector.broadcast %scan3A_106 : i32 to vector<16xi32>
        %add3A_261 = arith.addi %add3A_260, %iota3A : vector<16xi32>
        %add3A_262 = arith.constant 240 : i32
        %add3A_263 = vector.broadcast %add3A_262 : i32 to vector<16xi32>
        %add3A_264 = arith.addi %add3A_261, %add3A_263 : vector<16xi32>
        %mul3A_265 = arith.constant 256 : i32
        %mul3A_266 = arith.muli %select_n3A, %mul3A_265 : i32
        %lt3A_267 = vector.broadcast %mul3A_266 : i32 to vector<16xi32>
        %lt3A_268 = arith.cmpi slt, %add3A_264, %lt3A_267 : vector<16xi32>
        tpu.vector_store_idx %arg11[%add3A_264], %broadcast_in_dim3A_5 masked %lt3A_268 : memref<2048xi32, #tpu.memory_space<vmem>>[vector<16xi32>], vector<16xi32>, vector<16xi1>
        %while3A = arith.constant 0 : i32
        %while3A_269 = arith.constant 0 : i32
        %while3A_270 = arith.subi %select_n3A, %while3A : i32
        %while3A_271 = arith.addi %while3A, %while3A_270 : i32
        %while3A_272 = arith.constant 1 : i32
        %while3A_273 = arith.divsi %while3A_270, %while3A_272 : i32
        %while3A_274 = arith.muli %while3A_273, %while3A_272 : i32
        %while3A_275 = arith.addi %while3A, %while3A_274 : i32
        %while3A_276 = arith.constant 1 : i32
        %while3A_277 = scf.for %while3A_299 = %while3A to %while3A_275 step %while3A_276 iter_args(%while3A_300 = %while3A_269) -> (i32)  : i32 {
          %mul3A_301 = arith.constant 256 : i32
          %mul3A_302 = arith.muli %while3A_299, %mul3A_301 : i32
          %mul3A_303 = arith.constant 2048 : i32
          %mul3A_304 = arith.muli %arg1, %mul3A_303 : i32
          %mul3A_305 = arith.constant 256 : i32
          %mul3A_306 = arith.muli %while3A_299, %mul3A_305 : i32
          %add3A_307 = arith.addi %mul3A_304, %mul3A_306 : i32
          "tpu.region"() ({
            %run_scoped3A = tpu.sem_alloc : memref<!tpu.dma_semaphore, #tpu.memory_space<semaphore_mem>>
            %dma_start3A = tpu.memref_slice %arg10[%mul3A_302] : memref<2048xi32, #tpu.memory_space<vmem>> -> memref<256xi32, #tpu.memory_space<vmem>>
            %dma_start3A_316 = tpu.memref_slice %arg24[%add3A_307] : memref<32768xi32, #tpu.memory_space<vmem_shared>> -> memref<256xi32, #tpu.memory_space<vmem_shared>>
            %dma_start3A_317 = tpu.memref_slice %arg24[%add3A_307] : memref<32768xi32, #tpu.memory_space<vmem_shared>> -> memref<256xi32, #tpu.memory_space<vmem_shared>>
            %dma_start3A_318 = tpu.memref_slice %arg10[%mul3A_302] : memref<2048xi32, #tpu.memory_space<vmem>> -> memref<256xi32, #tpu.memory_space<vmem>>
            tpu.enqueue_dma source(%dma_start3A_318 : memref<256xi32, #tpu.memory_space<vmem>>) target(%dma_start3A_317 : memref<256xi32, #tpu.memory_space<vmem_shared>>) target_semaphore(%run_scoped3A : memref<!tpu.dma_semaphore, #tpu.memory_space<semaphore_mem>>)
            %dma_wait3A = tpu.memref_slice %arg10[%mul3A_302] : memref<2048xi32, #tpu.memory_space<vmem>> -> memref<256xi32, #tpu.memory_space<vmem>>
            %dma_wait3A_319 = tpu.memref_slice %arg24[%add3A_307] : memref<32768xi32, #tpu.memory_space<vmem_shared>> -> memref<256xi32, #tpu.memory_space<vmem_shared>>
            %dma_wait3A_320 = tpu.memref_slice %arg24[%add3A_307] : memref<32768xi32, #tpu.memory_space<vmem_shared>> -> memref<256xi32, #tpu.memory_space<vmem_shared>>
            %dma_wait3A_321 = tpu.memref_slice %arg10[%mul3A_302] : memref<2048xi32, #tpu.memory_space<vmem>> -> memref<256xi32, #tpu.memory_space<vmem>>
            tpu.wait_dma2 semaphore(%run_scoped3A : memref<!tpu.dma_semaphore, #tpu.memory_space<semaphore_mem>>) src(%dma_wait3A_321 : memref<256xi32, #tpu.memory_space<vmem>>) dst(%dma_wait3A_320 : memref<256xi32, #tpu.memory_space<vmem_shared>>)
            tpu.yield
          }) : () -> ()
          %mul3A_308 = arith.constant 256 : i32
          %mul3A_309 = arith.muli %while3A_299, %mul3A_308 : i32
          %mul3A_310 = arith.constant 2048 : i32
          %mul3A_311 = arith.muli %arg1, %mul3A_310 : i32
          %mul3A_312 = arith.constant 256 : i32
          %mul3A_313 = arith.muli %while3A_299, %mul3A_312 : i32
          %add3A_314 = arith.addi %mul3A_311, %mul3A_313 : i32
          "tpu.region"() ({
            %run_scoped3A = tpu.sem_alloc : memref<!tpu.dma_semaphore, #tpu.memory_space<semaphore_mem>>
            %dma_start3A = tpu.memref_slice %arg11[%mul3A_309] : memref<2048xi32, #tpu.memory_space<vmem>> -> memref<256xi32, #tpu.memory_space<vmem>>
            %dma_start3A_316 = tpu.memref_slice %arg23[%add3A_314] : memref<32768xi32, #tpu.memory_space<vmem_shared>> -> memref<256xi32, #tpu.memory_space<vmem_shared>>
            %dma_start3A_317 = tpu.memref_slice %arg23[%add3A_314] : memref<32768xi32, #tpu.memory_space<vmem_shared>> -> memref<256xi32, #tpu.memory_space<vmem_shared>>
            %dma_start3A_318 = tpu.memref_slice %arg11[%mul3A_309] : memref<2048xi32, #tpu.memory_space<vmem>> -> memref<256xi32, #tpu.memory_space<vmem>>
            tpu.enqueue_dma source(%dma_start3A_318 : memref<256xi32, #tpu.memory_space<vmem>>) target(%dma_start3A_317 : memref<256xi32, #tpu.memory_space<vmem_shared>>) target_semaphore(%run_scoped3A : memref<!tpu.dma_semaphore, #tpu.memory_space<semaphore_mem>>)
            %dma_wait3A = tpu.memref_slice %arg11[%mul3A_309] : memref<2048xi32, #tpu.memory_space<vmem>> -> memref<256xi32, #tpu.memory_space<vmem>>
            %dma_wait3A_319 = tpu.memref_slice %arg23[%add3A_314] : memref<32768xi32, #tpu.memory_space<vmem_shared>> -> memref<256xi32, #tpu.memory_space<vmem_shared>>
            %dma_wait3A_320 = tpu.memref_slice %arg23[%add3A_314] : memref<32768xi32, #tpu.memory_space<vmem_shared>> -> memref<256xi32, #tpu.memory_space<vmem_shared>>
            %dma_wait3A_321 = tpu.memref_slice %arg11[%mul3A_309] : memref<2048xi32, #tpu.memory_space<vmem>> -> memref<256xi32, #tpu.memory_space<vmem>>
            tpu.wait_dma2 semaphore(%run_scoped3A : memref<!tpu.dma_semaphore, #tpu.memory_space<semaphore_mem>>) src(%dma_wait3A_321 : memref<256xi32, #tpu.memory_space<vmem>>) dst(%dma_wait3A_320 : memref<256xi32, #tpu.memory_space<vmem_shared>>)
            tpu.yield
          }) : () -> ()
          %while3A_315 = arith.constant 0 : i32
          scf.yield %while3A_315 : i32
        }
        %while3A_278 = arith.constant 1 : i32
        %while3A_279 = scf.for %while3A_299 = %while3A_275 to %while3A_271 step %while3A_278 iter_args(%while3A_300 = %while3A_277) -> (i32)  : i32 {
          %mul3A_301 = arith.constant 256 : i32
          %mul3A_302 = arith.muli %while3A_299, %mul3A_301 : i32
          %mul3A_303 = arith.constant 2048 : i32
          %mul3A_304 = arith.muli %arg1, %mul3A_303 : i32
          %mul3A_305 = arith.constant 256 : i32
          %mul3A_306 = arith.muli %while3A_299, %mul3A_305 : i32
          %add3A_307 = arith.addi %mul3A_304, %mul3A_306 : i32
          "tpu.region"() ({
            %run_scoped3A = tpu.sem_alloc : memref<!tpu.dma_semaphore, #tpu.memory_space<semaphore_mem>>
            %dma_start3A = tpu.memref_slice %arg10[%mul3A_302] : memref<2048xi32, #tpu.memory_space<vmem>> -> memref<256xi32, #tpu.memory_space<vmem>>
            %dma_start3A_316 = tpu.memref_slice %arg24[%add3A_307] : memref<32768xi32, #tpu.memory_space<vmem_shared>> -> memref<256xi32, #tpu.memory_space<vmem_shared>>
            %dma_start3A_317 = tpu.memref_slice %arg24[%add3A_307] : memref<32768xi32, #tpu.memory_space<vmem_shared>> -> memref<256xi32, #tpu.memory_space<vmem_shared>>
            %dma_start3A_318 = tpu.memref_slice %arg10[%mul3A_302] : memref<2048xi32, #tpu.memory_space<vmem>> -> memref<256xi32, #tpu.memory_space<vmem>>
            tpu.enqueue_dma source(%dma_start3A_318 : memref<256xi32, #tpu.memory_space<vmem>>) target(%dma_start3A_317 : memref<256xi32, #tpu.memory_space<vmem_shared>>) target_semaphore(%run_scoped3A : memref<!tpu.dma_semaphore, #tpu.memory_space<semaphore_mem>>)
            %dma_wait3A = tpu.memref_slice %arg10[%mul3A_302] : memref<2048xi32, #tpu.memory_space<vmem>> -> memref<256xi32, #tpu.memory_space<vmem>>
            %dma_wait3A_319 = tpu.memref_slice %arg24[%add3A_307] : memref<32768xi32, #tpu.memory_space<vmem_shared>> -> memref<256xi32, #tpu.memory_space<vmem_shared>>
            %dma_wait3A_320 = tpu.memref_slice %arg24[%add3A_307] : memref<32768xi32, #tpu.memory_space<vmem_shared>> -> memref<256xi32, #tpu.memory_space<vmem_shared>>
            %dma_wait3A_321 = tpu.memref_slice %arg10[%mul3A_302] : memref<2048xi32, #tpu.memory_space<vmem>> -> memref<256xi32, #tpu.memory_space<vmem>>
            tpu.wait_dma2 semaphore(%run_scoped3A : memref<!tpu.dma_semaphore, #tpu.memory_space<semaphore_mem>>) src(%dma_wait3A_321 : memref<256xi32, #tpu.memory_space<vmem>>) dst(%dma_wait3A_320 : memref<256xi32, #tpu.memory_space<vmem_shared>>)
            tpu.yield
          }) : () -> ()
          %mul3A_308 = arith.constant 256 : i32
          %mul3A_309 = arith.muli %while3A_299, %mul3A_308 : i32
          %mul3A_310 = arith.constant 2048 : i32
          %mul3A_311 = arith.muli %arg1, %mul3A_310 : i32
          %mul3A_312 = arith.constant 256 : i32
          %mul3A_313 = arith.muli %while3A_299, %mul3A_312 : i32
          %add3A_314 = arith.addi %mul3A_311, %mul3A_313 : i32
          "tpu.region"() ({
            %run_scoped3A = tpu.sem_alloc : memref<!tpu.dma_semaphore, #tpu.memory_space<semaphore_mem>>
            %dma_start3A = tpu.memref_slice %arg11[%mul3A_309] : memref<2048xi32, #tpu.memory_space<vmem>> -> memref<256xi32, #tpu.memory_space<vmem>>
            %dma_start3A_316 = tpu.memref_slice %arg23[%add3A_314] : memref<32768xi32, #tpu.memory_space<vmem_shared>> -> memref<256xi32, #tpu.memory_space<vmem_shared>>
            %dma_start3A_317 = tpu.memref_slice %arg23[%add3A_314] : memref<32768xi32, #tpu.memory_space<vmem_shared>> -> memref<256xi32, #tpu.memory_space<vmem_shared>>
            %dma_start3A_318 = tpu.memref_slice %arg11[%mul3A_309] : memref<2048xi32, #tpu.memory_space<vmem>> -> memref<256xi32, #tpu.memory_space<vmem>>
            tpu.enqueue_dma source(%dma_start3A_318 : memref<256xi32, #tpu.memory_space<vmem>>) target(%dma_start3A_317 : memref<256xi32, #tpu.memory_space<vmem_shared>>) target_semaphore(%run_scoped3A : memref<!tpu.dma_semaphore, #tpu.memory_space<semaphore_mem>>)
            %dma_wait3A = tpu.memref_slice %arg11[%mul3A_309] : memref<2048xi32, #tpu.memory_space<vmem>> -> memref<256xi32, #tpu.memory_space<vmem>>
            %dma_wait3A_319 = tpu.memref_slice %arg23[%add3A_314] : memref<32768xi32, #tpu.memory_space<vmem_shared>> -> memref<256xi32, #tpu.memory_space<vmem_shared>>
            %dma_wait3A_320 = tpu.memref_slice %arg23[%add3A_314] : memref<32768xi32, #tpu.memory_space<vmem_shared>> -> memref<256xi32, #tpu.memory_space<vmem_shared>>
            %dma_wait3A_321 = tpu.memref_slice %arg11[%mul3A_309] : memref<2048xi32, #tpu.memory_space<vmem>> -> memref<256xi32, #tpu.memory_space<vmem>>
            tpu.wait_dma2 semaphore(%run_scoped3A : memref<!tpu.dma_semaphore, #tpu.memory_space<semaphore_mem>>) src(%dma_wait3A_321 : memref<256xi32, #tpu.memory_space<vmem>>) dst(%dma_wait3A_320 : memref<256xi32, #tpu.memory_space<vmem_shared>>)
            tpu.yield
          }) : () -> ()
          %while3A_315 = arith.constant 0 : i32
          scf.yield %while3A_315 : i32
        }
        %mul3A_280 = arith.constant 0 : i32
        %mul3A_281 = vector.broadcast %mul3A_280 : i32 to vector<16xi32>
        %mul3A_282 = arith.muli %iota3A, %mul3A_281 : vector<16xi32>
        %add3A_283 = vector.broadcast %scan3A_106 : i32 to vector<16xi32>
        %add3A_284 = arith.addi %mul3A_282, %add3A_283 : vector<16xi32>
        %swap3A_285 = arith.constant 0 : index
        %swap3A_286 = tpu.vector_load %arg20[%swap3A_285] {strides = array<i32>} : memref<16xi32, #tpu.memory_space<vmem>>, vector<16xi32>,
        tpu.vector_store %arg20[%swap3A_285], %add3A_284 {strides = array<i32>} : memref<16xi32, #tpu.memory_space<vmem>>, vector<16xi32>,
        %mul3A_287 = arith.constant 8 : i32
        %mul3A_288 = arith.muli %arg1, %mul3A_287 : i32
        "tpu.region"() ({
          %run_scoped3A = tpu.sem_alloc : memref<!tpu.dma_semaphore, #tpu.memory_space<semaphore_mem>>
          %dma_start3A = arith.constant 0 : i32
          %dma_start3A_299 = tpu.memref_slice %arg20[%dma_start3A] : memref<16xi32, #tpu.memory_space<vmem>> -> memref<8xi32, #tpu.memory_space<vmem>>
          %dma_start3A_300 = tpu.memref_slice %arg25[%mul3A_288] : memref<128xi32, #tpu.memory_space<vmem_shared>> -> memref<8xi32, #tpu.memory_space<vmem_shared>>
          %dma_start3A_301 = tpu.memref_slice %arg25[%mul3A_288] : memref<128xi32, #tpu.memory_space<vmem_shared>> -> memref<8xi32, #tpu.memory_space<vmem_shared>>
          %dma_start3A_302 = arith.constant 0 : i32
          %dma_start3A_303 = tpu.memref_slice %arg20[%dma_start3A_302] : memref<16xi32, #tpu.memory_space<vmem>> -> memref<8xi32, #tpu.memory_space<vmem>>
          tpu.enqueue_dma source(%dma_start3A_303 : memref<8xi32, #tpu.memory_space<vmem>>) target(%dma_start3A_301 : memref<8xi32, #tpu.memory_space<vmem_shared>>) target_semaphore(%run_scoped3A : memref<!tpu.dma_semaphore, #tpu.memory_space<semaphore_mem>>)
          %dma_wait3A = arith.constant 0 : i32
          %dma_wait3A_304 = tpu.memref_slice %arg20[%dma_wait3A] : memref<16xi32, #tpu.memory_space<vmem>> -> memref<8xi32, #tpu.memory_space<vmem>>
          %dma_wait3A_305 = tpu.memref_slice %arg25[%mul3A_288] : memref<128xi32, #tpu.memory_space<vmem_shared>> -> memref<8xi32, #tpu.memory_space<vmem_shared>>
          %dma_wait3A_306 = tpu.memref_slice %arg25[%mul3A_288] : memref<128xi32, #tpu.memory_space<vmem_shared>> -> memref<8xi32, #tpu.memory_space<vmem_shared>>
          %dma_wait3A_307 = arith.constant 0 : i32
          %dma_wait3A_308 = tpu.memref_slice %arg20[%dma_wait3A_307] : memref<16xi32, #tpu.memory_space<vmem>> -> memref<8xi32, #tpu.memory_space<vmem>>
          tpu.wait_dma2 semaphore(%run_scoped3A : memref<!tpu.dma_semaphore, #tpu.memory_space<semaphore_mem>>) src(%dma_wait3A_308 : memref<8xi32, #tpu.memory_space<vmem>>) dst(%dma_wait3A_306 : memref<8xi32, #tpu.memory_space<vmem_shared>>)
          tpu.yield
        }) : () -> ()
        %barrier3A_289 = arith.constant 0 : index
        tpu.barrier barrier_id(%barrier3A_289)
        "tpu.region"() ({
          %run_scoped3A = tpu.sem_alloc : memref<!tpu.dma_semaphore, #tpu.memory_space<semaphore_mem>>
          tpu.enqueue_dma source(%arg25 : memref<128xi32, #tpu.memory_space<vmem_shared>>) target(%arg21 : memref<128xi32, #tpu.memory_space<vmem>>) target_semaphore(%run_scoped3A : memref<!tpu.dma_semaphore, #tpu.memory_space<semaphore_mem>>)
          tpu.wait_dma2 semaphore(%run_scoped3A : memref<!tpu.dma_semaphore, #tpu.memory_space<semaphore_mem>>) src(%arg25 : memref<128xi32, #tpu.memory_space<vmem_shared>>) dst(%arg21 : memref<128xi32, #tpu.memory_space<vmem>>)
          tpu.yield
        }) : () -> ()
        %scan3A_290 = arith.constant 0 : i32
        %scan3A_291 = arith.constant 0 : i32
        %scan3A_292 = arith.constant 16 : i32
        %scan3A_293 = arith.addi %scan3A_291, %scan3A_292 : i32
        %scan3A_294 = arith.constant 1 : i32
        %scan3A_295 = scf.for %scan3A_299 = %scan3A_291 to %scan3A_293 step %scan3A_294 iter_args(%scan3A_300 = %scan3A_290) -> (i32)  : i32 {
          %mul3A_301 = arith.constant 0 : i32
          %mul3A_302 = vector.broadcast %mul3A_301 : i32 to vector<16xi32>
          %mul3A_303 = arith.muli %iota3A, %mul3A_302 : vector<16xi32>
          %mul3A_304 = arith.constant 8 : i32
          %mul3A_305 = arith.muli %scan3A_299, %mul3A_304 : i32
          %add3A_306 = vector.broadcast %mul3A_305 : i32 to vector<16xi32>
          %add3A_307 = arith.addi %mul3A_303, %add3A_306 : vector<16xi32>
          %gather3A = tpu.vector_load_idx %arg21[%add3A_307] : memref<128xi32, #tpu.memory_space<vmem>>[vector<16xi32>], vector<16xi32>,
          %eq3A = arith.constant 0 : i32
          %eq3A_308 = vector.broadcast %eq3A : i32 to vector<16xi32>
          %eq3A_309 = arith.cmpi eq, %iota3A, %eq3A_308 : vector<16xi32>
          %jit3A_310 = arith.constant 0 : i32
          %broadcast_in_dim3A_311 = vector.broadcast %jit3A_310 : i32 to vector<16xi32>
          %select_n3A_312 = arith.select %eq3A_309, %gather3A, %broadcast_in_dim3A_311 : vector<16xi1>, vector<16xi32>
          %reduce_sum3A = arith.constant true
          %reduce_sum3A_313 = vector.broadcast %reduce_sum3A : i1 to vector<16xi1>
          %reduce_sum3A_314 = tpu.scan <sum>, %select_n3A_312 masked %reduce_sum3A_313 : vector<16xi32>, vector<16xi1> -> vector<16xi32>
          %reduce_sum3A_315 = vector.extract %reduce_sum3A_314[15] : i32 from vector<16xi32>
          %add3A_316 = arith.constant 255 : i32
          %add3A_317 = arith.addi %reduce_sum3A_315, %add3A_316 : i32
          %jit3A_318 = arith.constant 256 : i32
          %div3A_319 = arith.divsi %add3A_317, %jit3A_318 : i32
          %sign3A_320 = arith.constant 0 : i32
          %sign3A_321 = arith.cmpi sgt, %add3A_317, %sign3A_320 : i32
          %sign3A_322 = arith.extui %sign3A_321 : i1 to i32
          %sign3A_323 = arith.constant 0 : i32
          %sign3A_324 = arith.cmpi slt, %add3A_317, %sign3A_323 : i32
          %sign3A_325 = arith.extui %sign3A_324 : i1 to i32
          %sign3A_326 = arith.subi %sign3A_322, %sign3A_325 : i32
          %sign3A_327 = arith.constant 0 : i32
          %sign3A_328 = arith.cmpi sgt, %jit3A_318, %sign3A_327 : i32
          %sign3A_329 = arith.extui %sign3A_328 : i1 to i32
          %sign3A_330 = arith.constant 0 : i32
          %sign3A_331 = arith.cmpi slt, %jit3A_318, %sign3A_330 : i32
          %sign3A_332 = arith.extui %sign3A_331 : i1 to i32
          %sign3A_333 = arith.subi %sign3A_329, %sign3A_332 : i32
          %ne3A_334 = arith.cmpi ne, %sign3A_326, %sign3A_333 : i32
          %rem3A_335 = arith.remsi %add3A_317, %jit3A_318 : i32
          %ne3A_336 = arith.constant 0 : i32
          %ne3A_337 = arith.cmpi ne, %rem3A_335, %ne3A_336 : i32
          %and3A_338 = arith.andi %ne3A_334, %ne3A_337 : i1
          %sub3A_339 = arith.constant 1 : i32
          %sub3A_340 = arith.subi %div3A_319, %sub3A_339 : i32
          %select_n3A_341 = arith.select %and3A_338, %sub3A_340, %div3A_319 : i32
          %while3A_342 = arith.constant 0 : i32
          %while3A_343 = arith.constant 0 : i32
          %while3A_344 = arith.subi %select_n3A_341, %while3A_342 : i32
          %while3A_345 = arith.addi %while3A_342, %while3A_344 : i32
          %while3A_346 = arith.constant 1 : i32
          %while3A_347 = arith.divsi %while3A_344, %while3A_346 : i32
          %while3A_348 = arith.muli %while3A_347, %while3A_346 : i32
          %while3A_349 = arith.addi %while3A_342, %while3A_348 : i32
          %while3A_350 = arith.constant 1 : i32
          %while3A_351 = scf.for %while3A_355 = %while3A_342 to %while3A_349 step %while3A_350 iter_args(%while3A_356 = %while3A_343) -> (i32)  : i32 {
            %mul3A_357 = arith.constant 2048 : i32
            %mul3A_358 = arith.muli %scan3A_299, %mul3A_357 : i32
            %mul3A_359 = arith.constant 256 : i32
            %mul3A_360 = arith.muli %while3A_355, %mul3A_359 : i32
            %add3A_361 = arith.addi %mul3A_358, %mul3A_360 : i32
            "tpu.region"() ({
              %run_scoped3A = tpu.sem_alloc : memref<!tpu.dma_semaphore, #tpu.memory_space<semaphore_mem>>
              %dma_start3A = tpu.memref_slice %arg23[%add3A_361] : memref<32768xi32, #tpu.memory_space<vmem_shared>> -> memref<256xi32, #tpu.memory_space<vmem_shared>>
              %dma_start3A_413 = tpu.memref_slice %arg23[%add3A_361] : memref<32768xi32, #tpu.memory_space<vmem_shared>> -> memref<256xi32, #tpu.memory_space<vmem_shared>>
              tpu.enqueue_dma source(%dma_start3A_413 : memref<256xi32, #tpu.memory_space<vmem_shared>>) target(%arg12 : memref<256xi32, #tpu.memory_space<vmem>>) target_semaphore(%run_scoped3A : memref<!tpu.dma_semaphore, #tpu.memory_space<semaphore_mem>>)
              %dma_wait3A = tpu.memref_slice %arg23[%add3A_361] : memref<32768xi32, #tpu.memory_space<vmem_shared>> -> memref<256xi32, #tpu.memory_space<vmem_shared>>
              %dma_wait3A_414 = tpu.memref_slice %arg23[%add3A_361] : memref<32768xi32, #tpu.memory_space<vmem_shared>> -> memref<256xi32, #tpu.memory_space<vmem_shared>>
              tpu.wait_dma2 semaphore(%run_scoped3A : memref<!tpu.dma_semaphore, #tpu.memory_space<semaphore_mem>>) src(%dma_wait3A_414 : memref<256xi32, #tpu.memory_space<vmem_shared>>) dst(%arg12 : memref<256xi32, #tpu.memory_space<vmem>>)
              tpu.yield
            }) : () -> ()
            %mul3A_362 = arith.constant 2048 : i32
            %mul3A_363 = arith.muli %scan3A_299, %mul3A_362 : i32
            %mul3A_364 = arith.constant 256 : i32
            %mul3A_365 = arith.muli %while3A_355, %mul3A_364 : i32
            %add3A_366 = arith.addi %mul3A_363, %mul3A_365 : i32
            "tpu.region"() ({
              %run_scoped3A = tpu.sem_alloc : memref<!tpu.dma_semaphore, #tpu.memory_space<semaphore_mem>>
              %dma_start3A = tpu.memref_slice %arg24[%add3A_366] : memref<32768xi32, #tpu.memory_space<vmem_shared>> -> memref<256xi32, #tpu.memory_space<vmem_shared>>
              %dma_start3A_413 = tpu.memref_slice %arg24[%add3A_366] : memref<32768xi32, #tpu.memory_space<vmem_shared>> -> memref<256xi32, #tpu.memory_space<vmem_shared>>
              tpu.enqueue_dma source(%dma_start3A_413 : memref<256xi32, #tpu.memory_space<vmem_shared>>) target(%arg13 : memref<256xi32, #tpu.memory_space<vmem>>) target_semaphore(%run_scoped3A : memref<!tpu.dma_semaphore, #tpu.memory_space<semaphore_mem>>)
              %dma_wait3A = tpu.memref_slice %arg24[%add3A_366] : memref<32768xi32, #tpu.memory_space<vmem_shared>> -> memref<256xi32, #tpu.memory_space<vmem_shared>>
              %dma_wait3A_414 = tpu.memref_slice %arg24[%add3A_366] : memref<32768xi32, #tpu.memory_space<vmem_shared>> -> memref<256xi32, #tpu.memory_space<vmem_shared>>
              tpu.wait_dma2 semaphore(%run_scoped3A : memref<!tpu.dma_semaphore, #tpu.memory_space<semaphore_mem>>) src(%dma_wait3A_414 : memref<256xi32, #tpu.memory_space<vmem_shared>>) dst(%arg13 : memref<256xi32, #tpu.memory_space<vmem>>)
              tpu.yield
            }) : () -> ()
            %scan3A_367 = arith.constant 0 : i32
            %scan3A_368 = arith.constant 0 : i32
            %scan3A_369 = arith.constant 16 : i32
            %scan3A_370 = arith.addi %scan3A_368, %scan3A_369 : i32
            %scan3A_371 = arith.constant 1 : i32
            %scan3A_372 = scf.for %scan3A_413 = %scan3A_368 to %scan3A_370 step %scan3A_371 iter_args(%scan3A_414 = %scan3A_367) -> (i32)  : i32 {
              %mul3A_415 = arith.constant 16 : i32
              %mul3A_416 = arith.muli %scan3A_413, %mul3A_415 : i32
              %get3A = arith.index_cast %mul3A_416 : i32 to index
              %get3A_417 = tpu.vector_load %arg12[%get3A] {strides = array<i32>} : memref<256xi32, #tpu.memory_space<vmem>>, vector<16xi32>,
              %mul3A_418 = arith.constant 16 : i32
              %mul3A_419 = arith.muli %scan3A_413, %mul3A_418 : i32
              %get3A_420 = arith.index_cast %mul3A_419 : i32 to index
              %get3A_421 = tpu.vector_load %arg13[%get3A_420] {strides = array<i32>} : memref<256xi32, #tpu.memory_space<vmem>>, vector<16xi32>,
              %ge3A = vector.broadcast %mul3A_9 : i32 to vector<16xi32>
              %ge3A_422 = arith.cmpi sge, %get3A_417, %ge3A : vector<16xi32>
              %add3A_423 = arith.constant 256 : i32
              %add3A_424 = arith.addi %mul3A_9, %add3A_423 : i32
              %lt3A_425 = vector.broadcast %add3A_424 : i32 to vector<16xi32>
              %lt3A_426 = arith.cmpi slt, %get3A_417, %lt3A_425 : vector<16xi32>
              %and3A_427 = arith.andi %ge3A_422, %lt3A_426 : vector<16xi1>
              %sub3A_428 = vector.broadcast %mul3A_9 : i32 to vector<16xi32>
              %sub3A_429 = arith.subi %get3A_417, %sub3A_428 : vector<16xi32>
              %convert_element_type3A = arith.extui %and3A_427 : vector<16xi1> to vector<16xi32>
              %broadcast_in_dim3A_430 = arith.constant true
              %broadcast_in_dim3A_431 = vector.broadcast %broadcast_in_dim3A_430 : i1 to vector<16xi1>
              %masked_cumsum3A = tpu.scan <sum>, %convert_element_type3A masked %broadcast_in_dim3A_431 : vector<16xi32>, vector<16xi1> -> vector<16xi32>
              %add3A_432 = vector.broadcast %scan3A_414 : i32 to vector<16xi32>
              %add3A_433 = arith.addi %add3A_432, %masked_cumsum3A : vector<16xi32>
              %sub3A_434 = arith.subi %add3A_433, %convert_element_type3A : vector<16xi32>
              tpu.vector_store_idx %arg14[%sub3A_434], %sub3A_429 masked %and3A_427 : memref<256xi32, #tpu.memory_space<vmem>>[vector<16xi32>], vector<16xi32>, vector<16xi1>
              tpu.vector_store_idx %arg15[%sub3A_434], %get3A_421 masked %and3A_427 : memref<256xi32, #tpu.memory_space<vmem>>[vector<16xi32>], vector<16xi32>, vector<16xi1>
              tpu.vector_store_idx %arg19[%sub3A_429], %broadcast_in_dim3A_3 masked %and3A_427 {add = true} : memref<256xf32, #tpu.memory_space<vmem>>[vector<16xi32>], vector<16xf32>, vector<16xi1>
              %reduce_sum3A_435 = arith.constant true
              %reduce_sum3A_436 = vector.broadcast %reduce_sum3A_435 : i1 to vector<16xi1>
              %reduce_sum3A_437 = tpu.scan <sum>, %convert_element_type3A masked %reduce_sum3A_436 : vector<16xi32>, vector<16xi1> -> vector<16xi32>
              %reduce_sum3A_438 = vector.extract %reduce_sum3A_437[15] : i32 from vector<16xi32>
              %add3A_439 = arith.addi %scan3A_414, %reduce_sum3A_438 : i32
              scf.yield %add3A_439 : i32
            }
            %scan3A_373 = arith.constant 16 : i32
            %add3A_374 = arith.constant 15 : i32
            %add3A_375 = arith.addi %scan3A_372, %add3A_374 : i32
            %jit3A_376 = arith.constant 16 : i32
            %div3A_377 = arith.divsi %add3A_375, %jit3A_376 : i32
            %sign3A_378 = arith.constant 0 : i32
            %sign3A_379 = arith.cmpi sgt, %add3A_375, %sign3A_378 : i32
            %sign3A_380 = arith.extui %sign3A_379 : i1 to i32
            %sign3A_381 = arith.constant 0 : i32
            %sign3A_382 = arith.cmpi slt, %add3A_375, %sign3A_381 : i32
            %sign3A_383 = arith.extui %sign3A_382 : i1 to i32
            %sign3A_384 = arith.subi %sign3A_380, %sign3A_383 : i32
            %sign3A_385 = arith.constant 0 : i32
            %sign3A_386 = arith.cmpi sgt, %jit3A_376, %sign3A_385 : i32
            %sign3A_387 = arith.extui %sign3A_386 : i1 to i32
            %sign3A_388 = arith.constant 0 : i32
            %sign3A_389 = arith.cmpi slt, %jit3A_376, %sign3A_388 : i32
            %sign3A_390 = arith.extui %sign3A_389 : i1 to i32
            %sign3A_391 = arith.subi %sign3A_387, %sign3A_390 : i32
            %ne3A_392 = arith.cmpi ne, %sign3A_384, %sign3A_391 : i32
            %rem3A_393 = arith.remsi %add3A_375, %jit3A_376 : i32
            %ne3A_394 = arith.constant 0 : i32
            %ne3A_395 = arith.cmpi ne, %rem3A_393, %ne3A_394 : i32
            %and3A_396 = arith.andi %ne3A_392, %ne3A_395 : i1
            %sub3A_397 = arith.constant 1 : i32
            %sub3A_398 = arith.subi %div3A_377, %sub3A_397 : i32
            %select_n3A_399 = arith.select %and3A_396, %sub3A_398, %div3A_377 : i32
            %while3A_400 = arith.constant 0 : i32
            %while3A_401 = arith.constant 0 : i32
            %while3A_402 = arith.subi %select_n3A_399, %while3A_400 : i32
            %while3A_403 = arith.addi %while3A_400, %while3A_402 : i32
            %while3A_404 = arith.constant 1 : i32
            %while3A_405 = arith.divsi %while3A_402, %while3A_404 : i32
            %while3A_406 = arith.muli %while3A_405, %while3A_404 : i32
            %while3A_407 = arith.addi %while3A_400, %while3A_406 : i32
            %while3A_408 = arith.constant 1 : i32
            %while3A_409 = scf.for %while3A_413 = %while3A_400 to %while3A_407 step %while3A_408 iter_args(%while3A_414 = %while3A_401) -> (i32)  : i32 {
              %mul3A_415 = arith.constant 16 : i32
              %mul3A_416 = arith.muli %while3A_413, %mul3A_415 : i32
              %add3A_417 = vector.broadcast %mul3A_416 : i32 to vector<16xi32>
              %add3A_418 = arith.addi %add3A_417, %iota3A : vector<16xi32>
              %lt3A_419 = vector.broadcast %scan3A_372 : i32 to vector<16xi32>
              %lt3A_420 = arith.cmpi slt, %add3A_418, %lt3A_419 : vector<16xi32>
              %mul3A_421 = arith.constant 16 : i32
              %mul3A_422 = arith.muli %while3A_413, %mul3A_421 : i32
              %get3A = arith.index_cast %mul3A_422 : i32 to index
              %get3A_423 = tpu.vector_load %arg15[%get3A] {strides = array<i32>} : memref<256xi32, #tpu.memory_space<vmem>>, vector<16xi32>,
              %broadcast_in_dim3A_424 = arith.constant 0 : i32
              %broadcast_in_dim3A_425 = vector.broadcast %broadcast_in_dim3A_424 : i32 to vector<16xi32>
              %select_n3A_426 = arith.select %lt3A_420, %get3A_423, %broadcast_in_dim3A_425 : vector<16xi1>, vector<16xi32>
              %swap3A_427 = arith.constant 0 : index
              %swap3A_428 = tpu.vector_load %arg16[%swap3A_427] {strides = array<i32>} : memref<16xi32, #tpu.memory_space<vmem>>, vector<16xi32>,
              tpu.vector_store %arg16[%swap3A_427], %select_n3A_426 {strides = array<i32>} : memref<16xi32, #tpu.memory_space<vmem>>, vector<16xi32>,
              %dma_start3A = arith.constant 0 : i32
              %dma_start3A_429 = arith.constant 0 : i32
              %dma_start3A_430 = tpu.memref_slice %arg4[%dma_start3A, %dma_start3A_429] : memref<10000x256xf32, #tpu.memory_space<hbm>> -> memref<10000x256xf32, #tpu.memory_space<hbm>>
              tpu.enqueue_indirect_dma source(%dma_start3A_430 : memref<10000x256xf32, #tpu.memory_space<hbm>>) target(%arg17 : memref<16x256xf32, #tpu.memory_space<vmem>>) offsets(%arg16 : memref<16xi32, #tpu.memory_space<vmem>>) semaphore(%arg26 : memref<!tpu.dma_semaphore, #tpu.memory_space<semaphore_mem>>)
              %dma_wait3A = arith.constant 0 : i32
              %dma_wait3A_431 = arith.constant 0 : i32
              %dma_wait3A_432 = tpu.memref_slice %arg4[%dma_wait3A, %dma_wait3A_431] : memref<10000x256xf32, #tpu.memory_space<hbm>> -> memref<10000x256xf32, #tpu.memory_space<hbm>>
              tpu.wait_indirect_dma semaphore(%arg26 : memref<!tpu.dma_semaphore, #tpu.memory_space<semaphore_mem>>) src(%dma_wait3A_432 : memref<10000x256xf32, #tpu.memory_space<hbm>>) dst(%arg17 : memref<16x256xf32, #tpu.memory_space<vmem>>)
              %mul3A_433 = arith.constant 16 : i32
              %mul3A_434 = arith.muli %while3A_413, %mul3A_433 : i32
              %get3A_435 = arith.index_cast %mul3A_434 : i32 to index
              %get3A_436 = tpu.vector_load %arg14[%get3A_435] {strides = array<i32>} : memref<256xi32, #tpu.memory_space<vmem>>, vector<16xi32>,
              %scan3A_437 = arith.constant 0 : i32
              %scan3A_438 = arith.constant 0 : i32
              %scan3A_439 = arith.constant 16 : i32
              %scan3A_440 = arith.addi %scan3A_438, %scan3A_439 : i32
              %scan3A_441 = arith.constant 1 : i32
              %scan3A_442 = scf.for %scan3A_445 = %scan3A_438 to %scan3A_440 step %scan3A_441 iter_args(%scan3A_446 = %scan3A_437) -> (i32)  : i32 {
                %mul3A_447 = arith.constant 0 : i32
                %mul3A_448 = vector.broadcast %mul3A_447 : i32 to vector<16xi32>
                %mul3A_449 = arith.muli %iota3A, %mul3A_448 : vector<16xi32>
                %mul3A_450 = arith.constant 16 : i32
                %mul3A_451 = arith.muli %scan3A_445, %mul3A_450 : i32
                %add3A_452 = arith.constant 0 : i32
                %add3A_453 = arith.addi %mul3A_451, %add3A_452 : i32
                %add3A_454 = vector.broadcast %add3A_453 : i32 to vector<16xi32>
                %add3A_455 = arith.addi %mul3A_449, %add3A_454 : vector<16xi32>
                %gather3A_456 = tpu.vector_load_idx %arg17[%iota3A, %add3A_455] : memref<16x256xf32, #tpu.memory_space<vmem>>[vector<16xi32>, vector<16xi32>], vector<16xf32>,
                tpu.vector_store_idx %arg18[%get3A_436, %add3A_455], %gather3A_456 masked %lt3A_420 {add = true} : memref<256x256xf32, #tpu.memory_space<vmem>>[vector<16xi32>, vector<16xi32>], vector<16xf32>, vector<16xi1>
                %mul3A_457 = arith.constant 0 : i32
                %mul3A_458 = vector.broadcast %mul3A_457 : i32 to vector<16xi32>
                %mul3A_459 = arith.muli %iota3A, %mul3A_458 : vector<16xi32>
                %mul3A_460 = arith.constant 16 : i32
                %mul3A_461 = arith.muli %scan3A_445, %mul3A_460 : i32
                %add3A_462 = arith.constant 1 : i32
                %add3A_463 = arith.addi %mul3A_461, %add3A_462 : i32
                %add3A_464 = vector.broadcast %add3A_463 : i32 to vector<16xi32>
                %add3A_465 = arith.addi %mul3A_459, %add3A_464 : vector<16xi32>
                %gather3A_466 = tpu.vector_load_idx %arg17[%iota3A, %add3A_465] : memref<16x256xf32, #tpu.memory_space<vmem>>[vector<16xi32>, vector<16xi32>], vector<16xf32>,
                tpu.vector_store_idx %arg18[%get3A_436, %add3A_465], %gather3A_466 masked %lt3A_420 {add = true} : memref<256x256xf32, #tpu.memory_space<vmem>>[vector<16xi32>, vector<16xi32>], vector<16xf32>, vector<16xi1>
                %mul3A_467 = arith.constant 0 : i32
                %mul3A_468 = vector.broadcast %mul3A_467 : i32 to vector<16xi32>
                %mul3A_469 = arith.muli %iota3A, %mul3A_468 : vector<16xi32>
                %mul3A_470 = arith.constant 16 : i32
                %mul3A_471 = arith.muli %scan3A_445, %mul3A_470 : i32
                %add3A_472 = arith.constant 2 : i32
                %add3A_473 = arith.addi %mul3A_471, %add3A_472 : i32
                %add3A_474 = vector.broadcast %add3A_473 : i32 to vector<16xi32>
                %add3A_475 = arith.addi %mul3A_469, %add3A_474 : vector<16xi32>
                %gather3A_476 = tpu.vector_load_idx %arg17[%iota3A, %add3A_475] : memref<16x256xf32, #tpu.memory_space<vmem>>[vector<16xi32>, vector<16xi32>], vector<16xf32>,
                tpu.vector_store_idx %arg18[%get3A_436, %add3A_475], %gather3A_476 masked %lt3A_420 {add = true} : memref<256x256xf32, #tpu.memory_space<vmem>>[vector<16xi32>, vector<16xi32>], vector<16xf32>, vector<16xi1>
                %mul3A_477 = arith.constant 0 : i32
                %mul3A_478 = vector.broadcast %mul3A_477 : i32 to vector<16xi32>
                %mul3A_479 = arith.muli %iota3A, %mul3A_478 : vector<16xi32>
                %mul3A_480 = arith.constant 16 : i32
                %mul3A_481 = arith.muli %scan3A_445, %mul3A_480 : i32
                %add3A_482 = arith.constant 3 : i32
                %add3A_483 = arith.addi %mul3A_481, %add3A_482 : i32
                %add3A_484 = vector.broadcast %add3A_483 : i32 to vector<16xi32>
                %add3A_485 = arith.addi %mul3A_479, %add3A_484 : vector<16xi32>
                %gather3A_486 = tpu.vector_load_idx %arg17[%iota3A, %add3A_485] : memref<16x256xf32, #tpu.memory_space<vmem>>[vector<16xi32>, vector<16xi32>], vector<16xf32>,
                tpu.vector_store_idx %arg18[%get3A_436, %add3A_485], %gather3A_486 masked %lt3A_420 {add = true} : memref<256x256xf32, #tpu.memory_space<vmem>>[vector<16xi32>, vector<16xi32>], vector<16xf32>, vector<16xi1>
                %mul3A_487 = arith.constant 0 : i32
                %mul3A_488 = vector.broadcast %mul3A_487 : i32 to vector<16xi32>
                %mul3A_489 = arith.muli %iota3A, %mul3A_488 : vector<16xi32>
                %mul3A_490 = arith.constant 16 : i32
                %mul3A_491 = arith.muli %scan3A_445, %mul3A_490 : i32
                %add3A_492 = arith.constant 4 : i32
                %add3A_493 = arith.addi %mul3A_491, %add3A_492 : i32
                %add3A_494 = vector.broadcast %add3A_493 : i32 to vector<16xi32>
                %add3A_495 = arith.addi %mul3A_489, %add3A_494 : vector<16xi32>
                %gather3A_496 = tpu.vector_load_idx %arg17[%iota3A, %add3A_495] : memref<16x256xf32, #tpu.memory_space<vmem>>[vector<16xi32>, vector<16xi32>], vector<16xf32>,
                tpu.vector_store_idx %arg18[%get3A_436, %add3A_495], %gather3A_496 masked %lt3A_420 {add = true} : memref<256x256xf32, #tpu.memory_space<vmem>>[vector<16xi32>, vector<16xi32>], vector<16xf32>, vector<16xi1>
                %mul3A_497 = arith.constant 0 : i32
                %mul3A_498 = vector.broadcast %mul3A_497 : i32 to vector<16xi32>
                %mul3A_499 = arith.muli %iota3A, %mul3A_498 : vector<16xi32>
                %mul3A_500 = arith.constant 16 : i32
                %mul3A_501 = arith.muli %scan3A_445, %mul3A_500 : i32
                %add3A_502 = arith.constant 5 : i32
                %add3A_503 = arith.addi %mul3A_501, %add3A_502 : i32
                %add3A_504 = vector.broadcast %add3A_503 : i32 to vector<16xi32>
                %add3A_505 = arith.addi %mul3A_499, %add3A_504 : vector<16xi32>
                %gather3A_506 = tpu.vector_load_idx %arg17[%iota3A, %add3A_505] : memref<16x256xf32, #tpu.memory_space<vmem>>[vector<16xi32>, vector<16xi32>], vector<16xf32>,
                tpu.vector_store_idx %arg18[%get3A_436, %add3A_505], %gather3A_506 masked %lt3A_420 {add = true} : memref<256x256xf32, #tpu.memory_space<vmem>>[vector<16xi32>, vector<16xi32>], vector<16xf32>, vector<16xi1>
                %mul3A_507 = arith.constant 0 : i32
                %mul3A_508 = vector.broadcast %mul3A_507 : i32 to vector<16xi32>
                %mul3A_509 = arith.muli %iota3A, %mul3A_508 : vector<16xi32>
                %mul3A_510 = arith.constant 16 : i32
                %mul3A_511 = arith.muli %scan3A_445, %mul3A_510 : i32
                %add3A_512 = arith.constant 6 : i32
                %add3A_513 = arith.addi %mul3A_511, %add3A_512 : i32
                %add3A_514 = vector.broadcast %add3A_513 : i32 to vector<16xi32>
                %add3A_515 = arith.addi %mul3A_509, %add3A_514 : vector<16xi32>
                %gather3A_516 = tpu.vector_load_idx %arg17[%iota3A, %add3A_515] : memref<16x256xf32, #tpu.memory_space<vmem>>[vector<16xi32>, vector<16xi32>], vector<16xf32>,
                tpu.vector_store_idx %arg18[%get3A_436, %add3A_515], %gather3A_516 masked %lt3A_420 {add = true} : memref<256x256xf32, #tpu.memory_space<vmem>>[vector<16xi32>, vector<16xi32>], vector<16xf32>, vector<16xi1>
                %mul3A_517 = arith.constant 0 : i32
                %mul3A_518 = vector.broadcast %mul3A_517 : i32 to vector<16xi32>
                %mul3A_519 = arith.muli %iota3A, %mul3A_518 : vector<16xi32>
                %mul3A_520 = arith.constant 16 : i32
                %mul3A_521 = arith.muli %scan3A_445, %mul3A_520 : i32
                %add3A_522 = arith.constant 7 : i32
                %add3A_523 = arith.addi %mul3A_521, %add3A_522 : i32
                %add3A_524 = vector.broadcast %add3A_523 : i32 to vector<16xi32>
                %add3A_525 = arith.addi %mul3A_519, %add3A_524 : vector<16xi32>
                %gather3A_526 = tpu.vector_load_idx %arg17[%iota3A, %add3A_525] : memref<16x256xf32, #tpu.memory_space<vmem>>[vector<16xi32>, vector<16xi32>], vector<16xf32>,
                tpu.vector_store_idx %arg18[%get3A_436, %add3A_525], %gather3A_526 masked %lt3A_420 {add = true} : memref<256x256xf32, #tpu.memory_space<vmem>>[vector<16xi32>, vector<16xi32>], vector<16xf32>, vector<16xi1>
                %mul3A_527 = arith.constant 0 : i32
                %mul3A_528 = vector.broadcast %mul3A_527 : i32 to vector<16xi32>
                %mul3A_529 = arith.muli %iota3A, %mul3A_528 : vector<16xi32>
                %mul3A_530 = arith.constant 16 : i32
                %mul3A_531 = arith.muli %scan3A_445, %mul3A_530 : i32
                %add3A_532 = arith.constant 8 : i32
                %add3A_533 = arith.addi %mul3A_531, %add3A_532 : i32
                %add3A_534 = vector.broadcast %add3A_533 : i32 to vector<16xi32>
                %add3A_535 = arith.addi %mul3A_529, %add3A_534 : vector<16xi32>
                %gather3A_536 = tpu.vector_load_idx %arg17[%iota3A, %add3A_535] : memref<16x256xf32, #tpu.memory_space<vmem>>[vector<16xi32>, vector<16xi32>], vector<16xf32>,
                tpu.vector_store_idx %arg18[%get3A_436, %add3A_535], %gather3A_536 masked %lt3A_420 {add = true} : memref<256x256xf32, #tpu.memory_space<vmem>>[vector<16xi32>, vector<16xi32>], vector<16xf32>, vector<16xi1>
                %mul3A_537 = arith.constant 0 : i32
                %mul3A_538 = vector.broadcast %mul3A_537 : i32 to vector<16xi32>
                %mul3A_539 = arith.muli %iota3A, %mul3A_538 : vector<16xi32>
                %mul3A_540 = arith.constant 16 : i32
                %mul3A_541 = arith.muli %scan3A_445, %mul3A_540 : i32
                %add3A_542 = arith.constant 9 : i32
                %add3A_543 = arith.addi %mul3A_541, %add3A_542 : i32
                %add3A_544 = vector.broadcast %add3A_543 : i32 to vector<16xi32>
                %add3A_545 = arith.addi %mul3A_539, %add3A_544 : vector<16xi32>
                %gather3A_546 = tpu.vector_load_idx %arg17[%iota3A, %add3A_545] : memref<16x256xf32, #tpu.memory_space<vmem>>[vector<16xi32>, vector<16xi32>], vector<16xf32>,
                tpu.vector_store_idx %arg18[%get3A_436, %add3A_545], %gather3A_546 masked %lt3A_420 {add = true} : memref<256x256xf32, #tpu.memory_space<vmem>>[vector<16xi32>, vector<16xi32>], vector<16xf32>, vector<16xi1>
                %mul3A_547 = arith.constant 0 : i32
                %mul3A_548 = vector.broadcast %mul3A_547 : i32 to vector<16xi32>
                %mul3A_549 = arith.muli %iota3A, %mul3A_548 : vector<16xi32>
                %mul3A_550 = arith.constant 16 : i32
                %mul3A_551 = arith.muli %scan3A_445, %mul3A_550 : i32
                %add3A_552 = arith.constant 10 : i32
                %add3A_553 = arith.addi %mul3A_551, %add3A_552 : i32
                %add3A_554 = vector.broadcast %add3A_553 : i32 to vector<16xi32>
                %add3A_555 = arith.addi %mul3A_549, %add3A_554 : vector<16xi32>
                %gather3A_556 = tpu.vector_load_idx %arg17[%iota3A, %add3A_555] : memref<16x256xf32, #tpu.memory_space<vmem>>[vector<16xi32>, vector<16xi32>], vector<16xf32>,
                tpu.vector_store_idx %arg18[%get3A_436, %add3A_555], %gather3A_556 masked %lt3A_420 {add = true} : memref<256x256xf32, #tpu.memory_space<vmem>>[vector<16xi32>, vector<16xi32>], vector<16xf32>, vector<16xi1>
                %mul3A_557 = arith.constant 0 : i32
                %mul3A_558 = vector.broadcast %mul3A_557 : i32 to vector<16xi32>
                %mul3A_559 = arith.muli %iota3A, %mul3A_558 : vector<16xi32>
                %mul3A_560 = arith.constant 16 : i32
                %mul3A_561 = arith.muli %scan3A_445, %mul3A_560 : i32
                %add3A_562 = arith.constant 11 : i32
                %add3A_563 = arith.addi %mul3A_561, %add3A_562 : i32
                %add3A_564 = vector.broadcast %add3A_563 : i32 to vector<16xi32>
                %add3A_565 = arith.addi %mul3A_559, %add3A_564 : vector<16xi32>
                %gather3A_566 = tpu.vector_load_idx %arg17[%iota3A, %add3A_565] : memref<16x256xf32, #tpu.memory_space<vmem>>[vector<16xi32>, vector<16xi32>], vector<16xf32>,
                tpu.vector_store_idx %arg18[%get3A_436, %add3A_565], %gather3A_566 masked %lt3A_420 {add = true} : memref<256x256xf32, #tpu.memory_space<vmem>>[vector<16xi32>, vector<16xi32>], vector<16xf32>, vector<16xi1>
                %mul3A_567 = arith.constant 0 : i32
                %mul3A_568 = vector.broadcast %mul3A_567 : i32 to vector<16xi32>
                %mul3A_569 = arith.muli %iota3A, %mul3A_568 : vector<16xi32>
                %mul3A_570 = arith.constant 16 : i32
                %mul3A_571 = arith.muli %scan3A_445, %mul3A_570 : i32
                %add3A_572 = arith.constant 12 : i32
                %add3A_573 = arith.addi %mul3A_571, %add3A_572 : i32
                %add3A_574 = vector.broadcast %add3A_573 : i32 to vector<16xi32>
                %add3A_575 = arith.addi %mul3A_569, %add3A_574 : vector<16xi32>
                %gather3A_576 = tpu.vector_load_idx %arg17[%iota3A, %add3A_575] : memref<16x256xf32, #tpu.memory_space<vmem>>[vector<16xi32>, vector<16xi32>], vector<16xf32>,
                tpu.vector_store_idx %arg18[%get3A_436, %add3A_575], %gather3A_576 masked %lt3A_420 {add = true} : memref<256x256xf32, #tpu.memory_space<vmem>>[vector<16xi32>, vector<16xi32>], vector<16xf32>, vector<16xi1>
                %mul3A_577 = arith.constant 0 : i32
                %mul3A_578 = vector.broadcast %mul3A_577 : i32 to vector<16xi32>
                %mul3A_579 = arith.muli %iota3A, %mul3A_578 : vector<16xi32>
                %mul3A_580 = arith.constant 16 : i32
                %mul3A_581 = arith.muli %scan3A_445, %mul3A_580 : i32
                %add3A_582 = arith.constant 13 : i32
                %add3A_583 = arith.addi %mul3A_581, %add3A_582 : i32
                %add3A_584 = vector.broadcast %add3A_583 : i32 to vector<16xi32>
                %add3A_585 = arith.addi %mul3A_579, %add3A_584 : vector<16xi32>
                %gather3A_586 = tpu.vector_load_idx %arg17[%iota3A, %add3A_585] : memref<16x256xf32, #tpu.memory_space<vmem>>[vector<16xi32>, vector<16xi32>], vector<16xf32>,
                tpu.vector_store_idx %arg18[%get3A_436, %add3A_585], %gather3A_586 masked %lt3A_420 {add = true} : memref<256x256xf32, #tpu.memory_space<vmem>>[vector<16xi32>, vector<16xi32>], vector<16xf32>, vector<16xi1>
                %mul3A_587 = arith.constant 0 : i32
                %mul3A_588 = vector.broadcast %mul3A_587 : i32 to vector<16xi32>
                %mul3A_589 = arith.muli %iota3A, %mul3A_588 : vector<16xi32>
                %mul3A_590 = arith.constant 16 : i32
                %mul3A_591 = arith.muli %scan3A_445, %mul3A_590 : i32
                %add3A_592 = arith.constant 14 : i32
                %add3A_593 = arith.addi %mul3A_591, %add3A_592 : i32
                %add3A_594 = vector.broadcast %add3A_593 : i32 to vector<16xi32>
                %add3A_595 = arith.addi %mul3A_589, %add3A_594 : vector<16xi32>
                %gather3A_596 = tpu.vector_load_idx %arg17[%iota3A, %add3A_595] : memref<16x256xf32, #tpu.memory_space<vmem>>[vector<16xi32>, vector<16xi32>], vector<16xf32>,
                tpu.vector_store_idx %arg18[%get3A_436, %add3A_595], %gather3A_596 masked %lt3A_420 {add = true} : memref<256x256xf32, #tpu.memory_space<vmem>>[vector<16xi32>, vector<16xi32>], vector<16xf32>, vector<16xi1>
                %mul3A_597 = arith.constant 0 : i32
                %mul3A_598 = vector.broadcast %mul3A_597 : i32 to vector<16xi32>
                %mul3A_599 = arith.muli %iota3A, %mul3A_598 : vector<16xi32>
                %mul3A_600 = arith.constant 16 : i32
                %mul3A_601 = arith.muli %scan3A_445, %mul3A_600 : i32
                %add3A_602 = arith.constant 15 : i32
                %add3A_603 = arith.addi %mul3A_601, %add3A_602 : i32
                %add3A_604 = vector.broadcast %add3A_603 : i32 to vector<16xi32>
                %add3A_605 = arith.addi %mul3A_599, %add3A_604 : vector<16xi32>
                %gather3A_606 = tpu.vector_load_idx %arg17[%iota3A, %add3A_605] : memref<16x256xf32, #tpu.memory_space<vmem>>[vector<16xi32>, vector<16xi32>], vector<16xf32>,
                tpu.vector_store_idx %arg18[%get3A_436, %add3A_605], %gather3A_606 masked %lt3A_420 {add = true} : memref<256x256xf32, #tpu.memory_space<vmem>>[vector<16xi32>, vector<16xi32>], vector<16xf32>, vector<16xi1>
                %scan3A_607 = arith.constant 0 : i32
                scf.yield %scan3A_607 : i32
              }
              %scan3A_443 = arith.constant 16 : i32
              %while3A_444 = arith.constant 0 : i32
              scf.yield %while3A_444 : i32
            }
            %while3A_410 = arith.constant 1 : i32
            %while3A_411 = scf.for %while3A_413 = %while3A_407 to %while3A_403 step %while3A_410 iter_args(%while3A_414 = %while3A_409) -> (i32)  : i32 {
              %mul3A_415 = arith.constant 16 : i32
              %mul3A_416 = arith.muli %while3A_413, %mul3A_415 : i32
              %add3A_417 = vector.broadcast %mul3A_416 : i32 to vector<16xi32>
              %add3A_418 = arith.addi %add3A_417, %iota3A : vector<16xi32>
              %lt3A_419 = vector.broadcast %scan3A_372 : i32 to vector<16xi32>
              %lt3A_420 = arith.cmpi slt, %add3A_418, %lt3A_419 : vector<16xi32>
              %mul3A_421 = arith.constant 16 : i32
              %mul3A_422 = arith.muli %while3A_413, %mul3A_421 : i32
              %get3A = arith.index_cast %mul3A_422 : i32 to index
              %get3A_423 = tpu.vector_load %arg15[%get3A] {strides = array<i32>} : memref<256xi32, #tpu.memory_space<vmem>>, vector<16xi32>,
              %broadcast_in_dim3A_424 = arith.constant 0 : i32
              %broadcast_in_dim3A_425 = vector.broadcast %broadcast_in_dim3A_424 : i32 to vector<16xi32>
              %select_n3A_426 = arith.select %lt3A_420, %get3A_423, %broadcast_in_dim3A_425 : vector<16xi1>, vector<16xi32>
              %swap3A_427 = arith.constant 0 : index
              %swap3A_428 = tpu.vector_load %arg16[%swap3A_427] {strides = array<i32>} : memref<16xi32, #tpu.memory_space<vmem>>, vector<16xi32>,
              tpu.vector_store %arg16[%swap3A_427], %select_n3A_426 {strides = array<i32>} : memref<16xi32, #tpu.memory_space<vmem>>, vector<16xi32>,
              %dma_start3A = arith.constant 0 : i32
              %dma_start3A_429 = arith.constant 0 : i32
              %dma_start3A_430 = tpu.memref_slice %arg4[%dma_start3A, %dma_start3A_429] : memref<10000x256xf32, #tpu.memory_space<hbm>> -> memref<10000x256xf32, #tpu.memory_space<hbm>>
              tpu.enqueue_indirect_dma source(%dma_start3A_430 : memref<10000x256xf32, #tpu.memory_space<hbm>>) target(%arg17 : memref<16x256xf32, #tpu.memory_space<vmem>>) offsets(%arg16 : memref<16xi32, #tpu.memory_space<vmem>>) semaphore(%arg26 : memref<!tpu.dma_semaphore, #tpu.memory_space<semaphore_mem>>)
              %dma_wait3A = arith.constant 0 : i32
              %dma_wait3A_431 = arith.constant 0 : i32
              %dma_wait3A_432 = tpu.memref_slice %arg4[%dma_wait3A, %dma_wait3A_431] : memref<10000x256xf32, #tpu.memory_space<hbm>> -> memref<10000x256xf32, #tpu.memory_space<hbm>>
              tpu.wait_indirect_dma semaphore(%arg26 : memref<!tpu.dma_semaphore, #tpu.memory_space<semaphore_mem>>) src(%dma_wait3A_432 : memref<10000x256xf32, #tpu.memory_space<hbm>>) dst(%arg17 : memref<16x256xf32, #tpu.memory_space<vmem>>)
              %mul3A_433 = arith.constant 16 : i32
              %mul3A_434 = arith.muli %while3A_413, %mul3A_433 : i32
              %get3A_435 = arith.index_cast %mul3A_434 : i32 to index
              %get3A_436 = tpu.vector_load %arg14[%get3A_435] {strides = array<i32>} : memref<256xi32, #tpu.memory_space<vmem>>, vector<16xi32>,
              %scan3A_437 = arith.constant 0 : i32
              %scan3A_438 = arith.constant 0 : i32
              %scan3A_439 = arith.constant 16 : i32
              %scan3A_440 = arith.addi %scan3A_438, %scan3A_439 : i32
              %scan3A_441 = arith.constant 1 : i32
              %scan3A_442 = scf.for %scan3A_445 = %scan3A_438 to %scan3A_440 step %scan3A_441 iter_args(%scan3A_446 = %scan3A_437) -> (i32)  : i32 {
                %mul3A_447 = arith.constant 0 : i32
                %mul3A_448 = vector.broadcast %mul3A_447 : i32 to vector<16xi32>
                %mul3A_449 = arith.muli %iota3A, %mul3A_448 : vector<16xi32>
                %mul3A_450 = arith.constant 16 : i32
                %mul3A_451 = arith.muli %scan3A_445, %mul3A_450 : i32
                %add3A_452 = arith.constant 0 : i32
                %add3A_453 = arith.addi %mul3A_451, %add3A_452 : i32
                %add3A_454 = vector.broadcast %add3A_453 : i32 to vector<16xi32>
                %add3A_455 = arith.addi %mul3A_449, %add3A_454 : vector<16xi32>
                %gather3A_456 = tpu.vector_load_idx %arg17[%iota3A, %add3A_455] : memref<16x256xf32, #tpu.memory_space<vmem>>[vector<16xi32>, vector<16xi32>], vector<16xf32>,
                tpu.vector_store_idx %arg18[%get3A_436, %add3A_455], %gather3A_456 masked %lt3A_420 {add = true} : memref<256x256xf32, #tpu.memory_space<vmem>>[vector<16xi32>, vector<16xi32>], vector<16xf32>, vector<16xi1>
                %mul3A_457 = arith.constant 0 : i32
                %mul3A_458 = vector.broadcast %mul3A_457 : i32 to vector<16xi32>
                %mul3A_459 = arith.muli %iota3A, %mul3A_458 : vector<16xi32>
                %mul3A_460 = arith.constant 16 : i32
                %mul3A_461 = arith.muli %scan3A_445, %mul3A_460 : i32
                %add3A_462 = arith.constant 1 : i32
                %add3A_463 = arith.addi %mul3A_461, %add3A_462 : i32
                %add3A_464 = vector.broadcast %add3A_463 : i32 to vector<16xi32>
                %add3A_465 = arith.addi %mul3A_459, %add3A_464 : vector<16xi32>
                %gather3A_466 = tpu.vector_load_idx %arg17[%iota3A, %add3A_465] : memref<16x256xf32, #tpu.memory_space<vmem>>[vector<16xi32>, vector<16xi32>], vector<16xf32>,
                tpu.vector_store_idx %arg18[%get3A_436, %add3A_465], %gather3A_466 masked %lt3A_420 {add = true} : memref<256x256xf32, #tpu.memory_space<vmem>>[vector<16xi32>, vector<16xi32>], vector<16xf32>, vector<16xi1>
                %mul3A_467 = arith.constant 0 : i32
                %mul3A_468 = vector.broadcast %mul3A_467 : i32 to vector<16xi32>
                %mul3A_469 = arith.muli %iota3A, %mul3A_468 : vector<16xi32>
                %mul3A_470 = arith.constant 16 : i32
                %mul3A_471 = arith.muli %scan3A_445, %mul3A_470 : i32
                %add3A_472 = arith.constant 2 : i32
                %add3A_473 = arith.addi %mul3A_471, %add3A_472 : i32
                %add3A_474 = vector.broadcast %add3A_473 : i32 to vector<16xi32>
                %add3A_475 = arith.addi %mul3A_469, %add3A_474 : vector<16xi32>
                %gather3A_476 = tpu.vector_load_idx %arg17[%iota3A, %add3A_475] : memref<16x256xf32, #tpu.memory_space<vmem>>[vector<16xi32>, vector<16xi32>], vector<16xf32>,
                tpu.vector_store_idx %arg18[%get3A_436, %add3A_475], %gather3A_476 masked %lt3A_420 {add = true} : memref<256x256xf32, #tpu.memory_space<vmem>>[vector<16xi32>, vector<16xi32>], vector<16xf32>, vector<16xi1>
                %mul3A_477 = arith.constant 0 : i32
                %mul3A_478 = vector.broadcast %mul3A_477 : i32 to vector<16xi32>
                %mul3A_479 = arith.muli %iota3A, %mul3A_478 : vector<16xi32>
                %mul3A_480 = arith.constant 16 : i32
                %mul3A_481 = arith.muli %scan3A_445, %mul3A_480 : i32
                %add3A_482 = arith.constant 3 : i32
                %add3A_483 = arith.addi %mul3A_481, %add3A_482 : i32
                %add3A_484 = vector.broadcast %add3A_483 : i32 to vector<16xi32>
                %add3A_485 = arith.addi %mul3A_479, %add3A_484 : vector<16xi32>
                %gather3A_486 = tpu.vector_load_idx %arg17[%iota3A, %add3A_485] : memref<16x256xf32, #tpu.memory_space<vmem>>[vector<16xi32>, vector<16xi32>], vector<16xf32>,
                tpu.vector_store_idx %arg18[%get3A_436, %add3A_485], %gather3A_486 masked %lt3A_420 {add = true} : memref<256x256xf32, #tpu.memory_space<vmem>>[vector<16xi32>, vector<16xi32>], vector<16xf32>, vector<16xi1>
                %mul3A_487 = arith.constant 0 : i32
                %mul3A_488 = vector.broadcast %mul3A_487 : i32 to vector<16xi32>
                %mul3A_489 = arith.muli %iota3A, %mul3A_488 : vector<16xi32>
                %mul3A_490 = arith.constant 16 : i32
                %mul3A_491 = arith.muli %scan3A_445, %mul3A_490 : i32
                %add3A_492 = arith.constant 4 : i32
                %add3A_493 = arith.addi %mul3A_491, %add3A_492 : i32
                %add3A_494 = vector.broadcast %add3A_493 : i32 to vector<16xi32>
                %add3A_495 = arith.addi %mul3A_489, %add3A_494 : vector<16xi32>
                %gather3A_496 = tpu.vector_load_idx %arg17[%iota3A, %add3A_495] : memref<16x256xf32, #tpu.memory_space<vmem>>[vector<16xi32>, vector<16xi32>], vector<16xf32>,
                tpu.vector_store_idx %arg18[%get3A_436, %add3A_495], %gather3A_496 masked %lt3A_420 {add = true} : memref<256x256xf32, #tpu.memory_space<vmem>>[vector<16xi32>, vector<16xi32>], vector<16xf32>, vector<16xi1>
                %mul3A_497 = arith.constant 0 : i32
                %mul3A_498 = vector.broadcast %mul3A_497 : i32 to vector<16xi32>
                %mul3A_499 = arith.muli %iota3A, %mul3A_498 : vector<16xi32>
                %mul3A_500 = arith.constant 16 : i32
                %mul3A_501 = arith.muli %scan3A_445, %mul3A_500 : i32
                %add3A_502 = arith.constant 5 : i32
                %add3A_503 = arith.addi %mul3A_501, %add3A_502 : i32
                %add3A_504 = vector.broadcast %add3A_503 : i32 to vector<16xi32>
                %add3A_505 = arith.addi %mul3A_499, %add3A_504 : vector<16xi32>
                %gather3A_506 = tpu.vector_load_idx %arg17[%iota3A, %add3A_505] : memref<16x256xf32, #tpu.memory_space<vmem>>[vector<16xi32>, vector<16xi32>], vector<16xf32>,
                tpu.vector_store_idx %arg18[%get3A_436, %add3A_505], %gather3A_506 masked %lt3A_420 {add = true} : memref<256x256xf32, #tpu.memory_space<vmem>>[vector<16xi32>, vector<16xi32>], vector<16xf32>, vector<16xi1>
                %mul3A_507 = arith.constant 0 : i32
                %mul3A_508 = vector.broadcast %mul3A_507 : i32 to vector<16xi32>
                %mul3A_509 = arith.muli %iota3A, %mul3A_508 : vector<16xi32>
                %mul3A_510 = arith.constant 16 : i32
                %mul3A_511 = arith.muli %scan3A_445, %mul3A_510 : i32
                %add3A_512 = arith.constant 6 : i32
                %add3A_513 = arith.addi %mul3A_511, %add3A_512 : i32
                %add3A_514 = vector.broadcast %add3A_513 : i32 to vector<16xi32>
                %add3A_515 = arith.addi %mul3A_509, %add3A_514 : vector<16xi32>
                %gather3A_516 = tpu.vector_load_idx %arg17[%iota3A, %add3A_515] : memref<16x256xf32, #tpu.memory_space<vmem>>[vector<16xi32>, vector<16xi32>], vector<16xf32>,
                tpu.vector_store_idx %arg18[%get3A_436, %add3A_515], %gather3A_516 masked %lt3A_420 {add = true} : memref<256x256xf32, #tpu.memory_space<vmem>>[vector<16xi32>, vector<16xi32>], vector<16xf32>, vector<16xi1>
                %mul3A_517 = arith.constant 0 : i32
                %mul3A_518 = vector.broadcast %mul3A_517 : i32 to vector<16xi32>
                %mul3A_519 = arith.muli %iota3A, %mul3A_518 : vector<16xi32>
                %mul3A_520 = arith.constant 16 : i32
                %mul3A_521 = arith.muli %scan3A_445, %mul3A_520 : i32
                %add3A_522 = arith.constant 7 : i32
                %add3A_523 = arith.addi %mul3A_521, %add3A_522 : i32
                %add3A_524 = vector.broadcast %add3A_523 : i32 to vector<16xi32>
                %add3A_525 = arith.addi %mul3A_519, %add3A_524 : vector<16xi32>
                %gather3A_526 = tpu.vector_load_idx %arg17[%iota3A, %add3A_525] : memref<16x256xf32, #tpu.memory_space<vmem>>[vector<16xi32>, vector<16xi32>], vector<16xf32>,
                tpu.vector_store_idx %arg18[%get3A_436, %add3A_525], %gather3A_526 masked %lt3A_420 {add = true} : memref<256x256xf32, #tpu.memory_space<vmem>>[vector<16xi32>, vector<16xi32>], vector<16xf32>, vector<16xi1>
                %mul3A_527 = arith.constant 0 : i32
                %mul3A_528 = vector.broadcast %mul3A_527 : i32 to vector<16xi32>
                %mul3A_529 = arith.muli %iota3A, %mul3A_528 : vector<16xi32>
                %mul3A_530 = arith.constant 16 : i32
                %mul3A_531 = arith.muli %scan3A_445, %mul3A_530 : i32
                %add3A_532 = arith.constant 8 : i32
                %add3A_533 = arith.addi %mul3A_531, %add3A_532 : i32
                %add3A_534 = vector.broadcast %add3A_533 : i32 to vector<16xi32>
                %add3A_535 = arith.addi %mul3A_529, %add3A_534 : vector<16xi32>
                %gather3A_536 = tpu.vector_load_idx %arg17[%iota3A, %add3A_535] : memref<16x256xf32, #tpu.memory_space<vmem>>[vector<16xi32>, vector<16xi32>], vector<16xf32>,
                tpu.vector_store_idx %arg18[%get3A_436, %add3A_535], %gather3A_536 masked %lt3A_420 {add = true} : memref<256x256xf32, #tpu.memory_space<vmem>>[vector<16xi32>, vector<16xi32>], vector<16xf32>, vector<16xi1>
                %mul3A_537 = arith.constant 0 : i32
                %mul3A_538 = vector.broadcast %mul3A_537 : i32 to vector<16xi32>
                %mul3A_539 = arith.muli %iota3A, %mul3A_538 : vector<16xi32>
                %mul3A_540 = arith.constant 16 : i32
                %mul3A_541 = arith.muli %scan3A_445, %mul3A_540 : i32
                %add3A_542 = arith.constant 9 : i32
                %add3A_543 = arith.addi %mul3A_541, %add3A_542 : i32
                %add3A_544 = vector.broadcast %add3A_543 : i32 to vector<16xi32>
                %add3A_545 = arith.addi %mul3A_539, %add3A_544 : vector<16xi32>
                %gather3A_546 = tpu.vector_load_idx %arg17[%iota3A, %add3A_545] : memref<16x256xf32, #tpu.memory_space<vmem>>[vector<16xi32>, vector<16xi32>], vector<16xf32>,
                tpu.vector_store_idx %arg18[%get3A_436, %add3A_545], %gather3A_546 masked %lt3A_420 {add = true} : memref<256x256xf32, #tpu.memory_space<vmem>>[vector<16xi32>, vector<16xi32>], vector<16xf32>, vector<16xi1>
                %mul3A_547 = arith.constant 0 : i32
                %mul3A_548 = vector.broadcast %mul3A_547 : i32 to vector<16xi32>
                %mul3A_549 = arith.muli %iota3A, %mul3A_548 : vector<16xi32>
                %mul3A_550 = arith.constant 16 : i32
                %mul3A_551 = arith.muli %scan3A_445, %mul3A_550 : i32
                %add3A_552 = arith.constant 10 : i32
                %add3A_553 = arith.addi %mul3A_551, %add3A_552 : i32
                %add3A_554 = vector.broadcast %add3A_553 : i32 to vector<16xi32>
                %add3A_555 = arith.addi %mul3A_549, %add3A_554 : vector<16xi32>
                %gather3A_556 = tpu.vector_load_idx %arg17[%iota3A, %add3A_555] : memref<16x256xf32, #tpu.memory_space<vmem>>[vector<16xi32>, vector<16xi32>], vector<16xf32>,
                tpu.vector_store_idx %arg18[%get3A_436, %add3A_555], %gather3A_556 masked %lt3A_420 {add = true} : memref<256x256xf32, #tpu.memory_space<vmem>>[vector<16xi32>, vector<16xi32>], vector<16xf32>, vector<16xi1>
                %mul3A_557 = arith.constant 0 : i32
                %mul3A_558 = vector.broadcast %mul3A_557 : i32 to vector<16xi32>
                %mul3A_559 = arith.muli %iota3A, %mul3A_558 : vector<16xi32>
                %mul3A_560 = arith.constant 16 : i32
                %mul3A_561 = arith.muli %scan3A_445, %mul3A_560 : i32
                %add3A_562 = arith.constant 11 : i32
                %add3A_563 = arith.addi %mul3A_561, %add3A_562 : i32
                %add3A_564 = vector.broadcast %add3A_563 : i32 to vector<16xi32>
                %add3A_565 = arith.addi %mul3A_559, %add3A_564 : vector<16xi32>
                %gather3A_566 = tpu.vector_load_idx %arg17[%iota3A, %add3A_565] : memref<16x256xf32, #tpu.memory_space<vmem>>[vector<16xi32>, vector<16xi32>], vector<16xf32>,
                tpu.vector_store_idx %arg18[%get3A_436, %add3A_565], %gather3A_566 masked %lt3A_420 {add = true} : memref<256x256xf32, #tpu.memory_space<vmem>>[vector<16xi32>, vector<16xi32>], vector<16xf32>, vector<16xi1>
                %mul3A_567 = arith.constant 0 : i32
                %mul3A_568 = vector.broadcast %mul3A_567 : i32 to vector<16xi32>
                %mul3A_569 = arith.muli %iota3A, %mul3A_568 : vector<16xi32>
                %mul3A_570 = arith.constant 16 : i32
                %mul3A_571 = arith.muli %scan3A_445, %mul3A_570 : i32
                %add3A_572 = arith.constant 12 : i32
                %add3A_573 = arith.addi %mul3A_571, %add3A_572 : i32
                %add3A_574 = vector.broadcast %add3A_573 : i32 to vector<16xi32>
                %add3A_575 = arith.addi %mul3A_569, %add3A_574 : vector<16xi32>
                %gather3A_576 = tpu.vector_load_idx %arg17[%iota3A, %add3A_575] : memref<16x256xf32, #tpu.memory_space<vmem>>[vector<16xi32>, vector<16xi32>], vector<16xf32>,
                tpu.vector_store_idx %arg18[%get3A_436, %add3A_575], %gather3A_576 masked %lt3A_420 {add = true} : memref<256x256xf32, #tpu.memory_space<vmem>>[vector<16xi32>, vector<16xi32>], vector<16xf32>, vector<16xi1>
                %mul3A_577 = arith.constant 0 : i32
                %mul3A_578 = vector.broadcast %mul3A_577 : i32 to vector<16xi32>
                %mul3A_579 = arith.muli %iota3A, %mul3A_578 : vector<16xi32>
                %mul3A_580 = arith.constant 16 : i32
                %mul3A_581 = arith.muli %scan3A_445, %mul3A_580 : i32
                %add3A_582 = arith.constant 13 : i32
                %add3A_583 = arith.addi %mul3A_581, %add3A_582 : i32
                %add3A_584 = vector.broadcast %add3A_583 : i32 to vector<16xi32>
                %add3A_585 = arith.addi %mul3A_579, %add3A_584 : vector<16xi32>
                %gather3A_586 = tpu.vector_load_idx %arg17[%iota3A, %add3A_585] : memref<16x256xf32, #tpu.memory_space<vmem>>[vector<16xi32>, vector<16xi32>], vector<16xf32>,
                tpu.vector_store_idx %arg18[%get3A_436, %add3A_585], %gather3A_586 masked %lt3A_420 {add = true} : memref<256x256xf32, #tpu.memory_space<vmem>>[vector<16xi32>, vector<16xi32>], vector<16xf32>, vector<16xi1>
                %mul3A_587 = arith.constant 0 : i32
                %mul3A_588 = vector.broadcast %mul3A_587 : i32 to vector<16xi32>
                %mul3A_589 = arith.muli %iota3A, %mul3A_588 : vector<16xi32>
                %mul3A_590 = arith.constant 16 : i32
                %mul3A_591 = arith.muli %scan3A_445, %mul3A_590 : i32
                %add3A_592 = arith.constant 14 : i32
                %add3A_593 = arith.addi %mul3A_591, %add3A_592 : i32
                %add3A_594 = vector.broadcast %add3A_593 : i32 to vector<16xi32>
                %add3A_595 = arith.addi %mul3A_589, %add3A_594 : vector<16xi32>
                %gather3A_596 = tpu.vector_load_idx %arg17[%iota3A, %add3A_595] : memref<16x256xf32, #tpu.memory_space<vmem>>[vector<16xi32>, vector<16xi32>], vector<16xf32>,
                tpu.vector_store_idx %arg18[%get3A_436, %add3A_595], %gather3A_596 masked %lt3A_420 {add = true} : memref<256x256xf32, #tpu.memory_space<vmem>>[vector<16xi32>, vector<16xi32>], vector<16xf32>, vector<16xi1>
                %mul3A_597 = arith.constant 0 : i32
                %mul3A_598 = vector.broadcast %mul3A_597 : i32 to vector<16xi32>
                %mul3A_599 = arith.muli %iota3A, %mul3A_598 : vector<16xi32>
                %mul3A_600 = arith.constant 16 : i32
                %mul3A_601 = arith.muli %scan3A_445, %mul3A_600 : i32
                %add3A_602 = arith.constant 15 : i32
                %add3A_603 = arith.addi %mul3A_601, %add3A_602 : i32
                %add3A_604 = vector.broadcast %add3A_603 : i32 to vector<16xi32>
                %add3A_605 = arith.addi %mul3A_599, %add3A_604 : vector<16xi32>
                %gather3A_606 = tpu.vector_load_idx %arg17[%iota3A, %add3A_605] : memref<16x256xf32, #tpu.memory_space<vmem>>[vector<16xi32>, vector<16xi32>], vector<16xf32>,
                tpu.vector_store_idx %arg18[%get3A_436, %add3A_605], %gather3A_606 masked %lt3A_420 {add = true} : memref<256x256xf32, #tpu.memory_space<vmem>>[vector<16xi32>, vector<16xi32>], vector<16xf32>, vector<16xi1>
                %scan3A_607 = arith.constant 0 : i32
                scf.yield %scan3A_607 : i32
              }
              %scan3A_443 = arith.constant 16 : i32
              %while3A_444 = arith.constant 0 : i32
              scf.yield %while3A_444 : i32
            }
            %while3A_412 = arith.constant 0 : i32
            scf.yield %while3A_412 : i32
          }
          %while3A_352 = arith.constant 1 : i32
          %while3A_353 = scf.for %while3A_355 = %while3A_349 to %while3A_345 step %while3A_352 iter_args(%while3A_356 = %while3A_351) -> (i32)  : i32 {
            %mul3A_357 = arith.constant 2048 : i32
            %mul3A_358 = arith.muli %scan3A_299, %mul3A_357 : i32
            %mul3A_359 = arith.constant 256 : i32
            %mul3A_360 = arith.muli %while3A_355, %mul3A_359 : i32
            %add3A_361 = arith.addi %mul3A_358, %mul3A_360 : i32
            "tpu.region"() ({
              %run_scoped3A = tpu.sem_alloc : memref<!tpu.dma_semaphore, #tpu.memory_space<semaphore_mem>>
              %dma_start3A = tpu.memref_slice %arg23[%add3A_361] : memref<32768xi32, #tpu.memory_space<vmem_shared>> -> memref<256xi32, #tpu.memory_space<vmem_shared>>
              %dma_start3A_413 = tpu.memref_slice %arg23[%add3A_361] : memref<32768xi32, #tpu.memory_space<vmem_shared>> -> memref<256xi32, #tpu.memory_space<vmem_shared>>
              tpu.enqueue_dma source(%dma_start3A_413 : memref<256xi32, #tpu.memory_space<vmem_shared>>) target(%arg12 : memref<256xi32, #tpu.memory_space<vmem>>) target_semaphore(%run_scoped3A : memref<!tpu.dma_semaphore, #tpu.memory_space<semaphore_mem>>)
              %dma_wait3A = tpu.memref_slice %arg23[%add3A_361] : memref<32768xi32, #tpu.memory_space<vmem_shared>> -> memref<256xi32, #tpu.memory_space<vmem_shared>>
              %dma_wait3A_414 = tpu.memref_slice %arg23[%add3A_361] : memref<32768xi32, #tpu.memory_space<vmem_shared>> -> memref<256xi32, #tpu.memory_space<vmem_shared>>
              tpu.wait_dma2 semaphore(%run_scoped3A : memref<!tpu.dma_semaphore, #tpu.memory_space<semaphore_mem>>) src(%dma_wait3A_414 : memref<256xi32, #tpu.memory_space<vmem_shared>>) dst(%arg12 : memref<256xi32, #tpu.memory_space<vmem>>)
              tpu.yield
            }) : () -> ()
            %mul3A_362 = arith.constant 2048 : i32
            %mul3A_363 = arith.muli %scan3A_299, %mul3A_362 : i32
            %mul3A_364 = arith.constant 256 : i32
            %mul3A_365 = arith.muli %while3A_355, %mul3A_364 : i32
            %add3A_366 = arith.addi %mul3A_363, %mul3A_365 : i32
            "tpu.region"() ({
              %run_scoped3A = tpu.sem_alloc : memref<!tpu.dma_semaphore, #tpu.memory_space<semaphore_mem>>
              %dma_start3A = tpu.memref_slice %arg24[%add3A_366] : memref<32768xi32, #tpu.memory_space<vmem_shared>> -> memref<256xi32, #tpu.memory_space<vmem_shared>>
              %dma_start3A_413 = tpu.memref_slice %arg24[%add3A_366] : memref<32768xi32, #tpu.memory_space<vmem_shared>> -> memref<256xi32, #tpu.memory_space<vmem_shared>>
              tpu.enqueue_dma source(%dma_start3A_413 : memref<256xi32, #tpu.memory_space<vmem_shared>>) target(%arg13 : memref<256xi32, #tpu.memory_space<vmem>>) target_semaphore(%run_scoped3A : memref<!tpu.dma_semaphore, #tpu.memory_space<semaphore_mem>>)
              %dma_wait3A = tpu.memref_slice %arg24[%add3A_366] : memref<32768xi32, #tpu.memory_space<vmem_shared>> -> memref<256xi32, #tpu.memory_space<vmem_shared>>
              %dma_wait3A_414 = tpu.memref_slice %arg24[%add3A_366] : memref<32768xi32, #tpu.memory_space<vmem_shared>> -> memref<256xi32, #tpu.memory_space<vmem_shared>>
              tpu.wait_dma2 semaphore(%run_scoped3A : memref<!tpu.dma_semaphore, #tpu.memory_space<semaphore_mem>>) src(%dma_wait3A_414 : memref<256xi32, #tpu.memory_space<vmem_shared>>) dst(%arg13 : memref<256xi32, #tpu.memory_space<vmem>>)
              tpu.yield
            }) : () -> ()
            %scan3A_367 = arith.constant 0 : i32
            %scan3A_368 = arith.constant 0 : i32
            %scan3A_369 = arith.constant 16 : i32
            %scan3A_370 = arith.addi %scan3A_368, %scan3A_369 : i32
            %scan3A_371 = arith.constant 1 : i32
            %scan3A_372 = scf.for %scan3A_413 = %scan3A_368 to %scan3A_370 step %scan3A_371 iter_args(%scan3A_414 = %scan3A_367) -> (i32)  : i32 {
              %mul3A_415 = arith.constant 16 : i32
              %mul3A_416 = arith.muli %scan3A_413, %mul3A_415 : i32
              %get3A = arith.index_cast %mul3A_416 : i32 to index
              %get3A_417 = tpu.vector_load %arg12[%get3A] {strides = array<i32>} : memref<256xi32, #tpu.memory_space<vmem>>, vector<16xi32>,
              %mul3A_418 = arith.constant 16 : i32
              %mul3A_419 = arith.muli %scan3A_413, %mul3A_418 : i32
              %get3A_420 = arith.index_cast %mul3A_419 : i32 to index
              %get3A_421 = tpu.vector_load %arg13[%get3A_420] {strides = array<i32>} : memref<256xi32, #tpu.memory_space<vmem>>, vector<16xi32>,
              %ge3A = vector.broadcast %mul3A_9 : i32 to vector<16xi32>
              %ge3A_422 = arith.cmpi sge, %get3A_417, %ge3A : vector<16xi32>
              %add3A_423 = arith.constant 256 : i32
              %add3A_424 = arith.addi %mul3A_9, %add3A_423 : i32
              %lt3A_425 = vector.broadcast %add3A_424 : i32 to vector<16xi32>
              %lt3A_426 = arith.cmpi slt, %get3A_417, %lt3A_425 : vector<16xi32>
              %and3A_427 = arith.andi %ge3A_422, %lt3A_426 : vector<16xi1>
              %sub3A_428 = vector.broadcast %mul3A_9 : i32 to vector<16xi32>
              %sub3A_429 = arith.subi %get3A_417, %sub3A_428 : vector<16xi32>
              %convert_element_type3A = arith.extui %and3A_427 : vector<16xi1> to vector<16xi32>
              %broadcast_in_dim3A_430 = arith.constant true
              %broadcast_in_dim3A_431 = vector.broadcast %broadcast_in_dim3A_430 : i1 to vector<16xi1>
              %masked_cumsum3A = tpu.scan <sum>, %convert_element_type3A masked %broadcast_in_dim3A_431 : vector<16xi32>, vector<16xi1> -> vector<16xi32>
              %add3A_432 = vector.broadcast %scan3A_414 : i32 to vector<16xi32>
              %add3A_433 = arith.addi %add3A_432, %masked_cumsum3A : vector<16xi32>
              %sub3A_434 = arith.subi %add3A_433, %convert_element_type3A : vector<16xi32>
              tpu.vector_store_idx %arg14[%sub3A_434], %sub3A_429 masked %and3A_427 : memref<256xi32, #tpu.memory_space<vmem>>[vector<16xi32>], vector<16xi32>, vector<16xi1>
              tpu.vector_store_idx %arg15[%sub3A_434], %get3A_421 masked %and3A_427 : memref<256xi32, #tpu.memory_space<vmem>>[vector<16xi32>], vector<16xi32>, vector<16xi1>
              tpu.vector_store_idx %arg19[%sub3A_429], %broadcast_in_dim3A_3 masked %and3A_427 {add = true} : memref<256xf32, #tpu.memory_space<vmem>>[vector<16xi32>], vector<16xf32>, vector<16xi1>
              %reduce_sum3A_435 = arith.constant true
              %reduce_sum3A_436 = vector.broadcast %reduce_sum3A_435 : i1 to vector<16xi1>
              %reduce_sum3A_437 = tpu.scan <sum>, %convert_element_type3A masked %reduce_sum3A_436 : vector<16xi32>, vector<16xi1> -> vector<16xi32>
              %reduce_sum3A_438 = vector.extract %reduce_sum3A_437[15] : i32 from vector<16xi32>
              %add3A_439 = arith.addi %scan3A_414, %reduce_sum3A_438 : i32
              scf.yield %add3A_439 : i32
            }
            %scan3A_373 = arith.constant 16 : i32
            %add3A_374 = arith.constant 15 : i32
            %add3A_375 = arith.addi %scan3A_372, %add3A_374 : i32
            %jit3A_376 = arith.constant 16 : i32
            %div3A_377 = arith.divsi %add3A_375, %jit3A_376 : i32
            %sign3A_378 = arith.constant 0 : i32
            %sign3A_379 = arith.cmpi sgt, %add3A_375, %sign3A_378 : i32
            %sign3A_380 = arith.extui %sign3A_379 : i1 to i32
            %sign3A_381 = arith.constant 0 : i32
            %sign3A_382 = arith.cmpi slt, %add3A_375, %sign3A_381 : i32
            %sign3A_383 = arith.extui %sign3A_382 : i1 to i32
            %sign3A_384 = arith.subi %sign3A_380, %sign3A_383 : i32
            %sign3A_385 = arith.constant 0 : i32
            %sign3A_386 = arith.cmpi sgt, %jit3A_376, %sign3A_385 : i32
            %sign3A_387 = arith.extui %sign3A_386 : i1 to i32
            %sign3A_388 = arith.constant 0 : i32
            %sign3A_389 = arith.cmpi slt, %jit3A_376, %sign3A_388 : i32
            %sign3A_390 = arith.extui %sign3A_389 : i1 to i32
            %sign3A_391 = arith.subi %sign3A_387, %sign3A_390 : i32
            %ne3A_392 = arith.cmpi ne, %sign3A_384, %sign3A_391 : i32
            %rem3A_393 = arith.remsi %add3A_375, %jit3A_376 : i32
            %ne3A_394 = arith.constant 0 : i32
            %ne3A_395 = arith.cmpi ne, %rem3A_393, %ne3A_394 : i32
            %and3A_396 = arith.andi %ne3A_392, %ne3A_395 : i1
            %sub3A_397 = arith.constant 1 : i32
            %sub3A_398 = arith.subi %div3A_377, %sub3A_397 : i32
            %select_n3A_399 = arith.select %and3A_396, %sub3A_398, %div3A_377 : i32
            %while3A_400 = arith.constant 0 : i32
            %while3A_401 = arith.constant 0 : i32
            %while3A_402 = arith.subi %select_n3A_399, %while3A_400 : i32
            %while3A_403 = arith.addi %while3A_400, %while3A_402 : i32
            %while3A_404 = arith.constant 1 : i32
            %while3A_405 = arith.divsi %while3A_402, %while3A_404 : i32
            %while3A_406 = arith.muli %while3A_405, %while3A_404 : i32
            %while3A_407 = arith.addi %while3A_400, %while3A_406 : i32
            %while3A_408 = arith.constant 1 : i32
            %while3A_409 = scf.for %while3A_413 = %while3A_400 to %while3A_407 step %while3A_408 iter_args(%while3A_414 = %while3A_401) -> (i32)  : i32 {
              %mul3A_415 = arith.constant 16 : i32
              %mul3A_416 = arith.muli %while3A_413, %mul3A_415 : i32
              %add3A_417 = vector.broadcast %mul3A_416 : i32 to vector<16xi32>
              %add3A_418 = arith.addi %add3A_417, %iota3A : vector<16xi32>
              %lt3A_419 = vector.broadcast %scan3A_372 : i32 to vector<16xi32>
              %lt3A_420 = arith.cmpi slt, %add3A_418, %lt3A_419 : vector<16xi32>
              %mul3A_421 = arith.constant 16 : i32
              %mul3A_422 = arith.muli %while3A_413, %mul3A_421 : i32
              %get3A = arith.index_cast %mul3A_422 : i32 to index
              %get3A_423 = tpu.vector_load %arg15[%get3A] {strides = array<i32>} : memref<256xi32, #tpu.memory_space<vmem>>, vector<16xi32>,
              %broadcast_in_dim3A_424 = arith.constant 0 : i32
              %broadcast_in_dim3A_425 = vector.broadcast %broadcast_in_dim3A_424 : i32 to vector<16xi32>
              %select_n3A_426 = arith.select %lt3A_420, %get3A_423, %broadcast_in_dim3A_425 : vector<16xi1>, vector<16xi32>
              %swap3A_427 = arith.constant 0 : index
              %swap3A_428 = tpu.vector_load %arg16[%swap3A_427] {strides = array<i32>} : memref<16xi32, #tpu.memory_space<vmem>>, vector<16xi32>,
              tpu.vector_store %arg16[%swap3A_427], %select_n3A_426 {strides = array<i32>} : memref<16xi32, #tpu.memory_space<vmem>>, vector<16xi32>,
              %dma_start3A = arith.constant 0 : i32
              %dma_start3A_429 = arith.constant 0 : i32
              %dma_start3A_430 = tpu.memref_slice %arg4[%dma_start3A, %dma_start3A_429] : memref<10000x256xf32, #tpu.memory_space<hbm>> -> memref<10000x256xf32, #tpu.memory_space<hbm>>
              tpu.enqueue_indirect_dma source(%dma_start3A_430 : memref<10000x256xf32, #tpu.memory_space<hbm>>) target(%arg17 : memref<16x256xf32, #tpu.memory_space<vmem>>) offsets(%arg16 : memref<16xi32, #tpu.memory_space<vmem>>) semaphore(%arg26 : memref<!tpu.dma_semaphore, #tpu.memory_space<semaphore_mem>>)
              %dma_wait3A = arith.constant 0 : i32
              %dma_wait3A_431 = arith.constant 0 : i32
              %dma_wait3A_432 = tpu.memref_slice %arg4[%dma_wait3A, %dma_wait3A_431] : memref<10000x256xf32, #tpu.memory_space<hbm>> -> memref<10000x256xf32, #tpu.memory_space<hbm>>
              tpu.wait_indirect_dma semaphore(%arg26 : memref<!tpu.dma_semaphore, #tpu.memory_space<semaphore_mem>>) src(%dma_wait3A_432 : memref<10000x256xf32, #tpu.memory_space<hbm>>) dst(%arg17 : memref<16x256xf32, #tpu.memory_space<vmem>>)
              %mul3A_433 = arith.constant 16 : i32
              %mul3A_434 = arith.muli %while3A_413, %mul3A_433 : i32
              %get3A_435 = arith.index_cast %mul3A_434 : i32 to index
              %get3A_436 = tpu.vector_load %arg14[%get3A_435] {strides = array<i32>} : memref<256xi32, #tpu.memory_space<vmem>>, vector<16xi32>,
              %scan3A_437 = arith.constant 0 : i32
              %scan3A_438 = arith.constant 0 : i32
              %scan3A_439 = arith.constant 16 : i32
              %scan3A_440 = arith.addi %scan3A_438, %scan3A_439 : i32
              %scan3A_441 = arith.constant 1 : i32
              %scan3A_442 = scf.for %scan3A_445 = %scan3A_438 to %scan3A_440 step %scan3A_441 iter_args(%scan3A_446 = %scan3A_437) -> (i32)  : i32 {
                %mul3A_447 = arith.constant 0 : i32
                %mul3A_448 = vector.broadcast %mul3A_447 : i32 to vector<16xi32>
                %mul3A_449 = arith.muli %iota3A, %mul3A_448 : vector<16xi32>
                %mul3A_450 = arith.constant 16 : i32
                %mul3A_451 = arith.muli %scan3A_445, %mul3A_450 : i32
                %add3A_452 = arith.constant 0 : i32
                %add3A_453 = arith.addi %mul3A_451, %add3A_452 : i32
                %add3A_454 = vector.broadcast %add3A_453 : i32 to vector<16xi32>
                %add3A_455 = arith.addi %mul3A_449, %add3A_454 : vector<16xi32>
                %gather3A_456 = tpu.vector_load_idx %arg17[%iota3A, %add3A_455] : memref<16x256xf32, #tpu.memory_space<vmem>>[vector<16xi32>, vector<16xi32>], vector<16xf32>,
                tpu.vector_store_idx %arg18[%get3A_436, %add3A_455], %gather3A_456 masked %lt3A_420 {add = true} : memref<256x256xf32, #tpu.memory_space<vmem>>[vector<16xi32>, vector<16xi32>], vector<16xf32>, vector<16xi1>
                %mul3A_457 = arith.constant 0 : i32
                %mul3A_458 = vector.broadcast %mul3A_457 : i32 to vector<16xi32>
                %mul3A_459 = arith.muli %iota3A, %mul3A_458 : vector<16xi32>
                %mul3A_460 = arith.constant 16 : i32
                %mul3A_461 = arith.muli %scan3A_445, %mul3A_460 : i32
                %add3A_462 = arith.constant 1 : i32
                %add3A_463 = arith.addi %mul3A_461, %add3A_462 : i32
                %add3A_464 = vector.broadcast %add3A_463 : i32 to vector<16xi32>
                %add3A_465 = arith.addi %mul3A_459, %add3A_464 : vector<16xi32>
                %gather3A_466 = tpu.vector_load_idx %arg17[%iota3A, %add3A_465] : memref<16x256xf32, #tpu.memory_space<vmem>>[vector<16xi32>, vector<16xi32>], vector<16xf32>,
                tpu.vector_store_idx %arg18[%get3A_436, %add3A_465], %gather3A_466 masked %lt3A_420 {add = true} : memref<256x256xf32, #tpu.memory_space<vmem>>[vector<16xi32>, vector<16xi32>], vector<16xf32>, vector<16xi1>
                %mul3A_467 = arith.constant 0 : i32
                %mul3A_468 = vector.broadcast %mul3A_467 : i32 to vector<16xi32>
                %mul3A_469 = arith.muli %iota3A, %mul3A_468 : vector<16xi32>
                %mul3A_470 = arith.constant 16 : i32
                %mul3A_471 = arith.muli %scan3A_445, %mul3A_470 : i32
                %add3A_472 = arith.constant 2 : i32
                %add3A_473 = arith.addi %mul3A_471, %add3A_472 : i32
                %add3A_474 = vector.broadcast %add3A_473 : i32 to vector<16xi32>
                %add3A_475 = arith.addi %mul3A_469, %add3A_474 : vector<16xi32>
                %gather3A_476 = tpu.vector_load_idx %arg17[%iota3A, %add3A_475] : memref<16x256xf32, #tpu.memory_space<vmem>>[vector<16xi32>, vector<16xi32>], vector<16xf32>,
                tpu.vector_store_idx %arg18[%get3A_436, %add3A_475], %gather3A_476 masked %lt3A_420 {add = true} : memref<256x256xf32, #tpu.memory_space<vmem>>[vector<16xi32>, vector<16xi32>], vector<16xf32>, vector<16xi1>
                %mul3A_477 = arith.constant 0 : i32
                %mul3A_478 = vector.broadcast %mul3A_477 : i32 to vector<16xi32>
                %mul3A_479 = arith.muli %iota3A, %mul3A_478 : vector<16xi32>
                %mul3A_480 = arith.constant 16 : i32
                %mul3A_481 = arith.muli %scan3A_445, %mul3A_480 : i32
                %add3A_482 = arith.constant 3 : i32
                %add3A_483 = arith.addi %mul3A_481, %add3A_482 : i32
                %add3A_484 = vector.broadcast %add3A_483 : i32 to vector<16xi32>
                %add3A_485 = arith.addi %mul3A_479, %add3A_484 : vector<16xi32>
                %gather3A_486 = tpu.vector_load_idx %arg17[%iota3A, %add3A_485] : memref<16x256xf32, #tpu.memory_space<vmem>>[vector<16xi32>, vector<16xi32>], vector<16xf32>,
                tpu.vector_store_idx %arg18[%get3A_436, %add3A_485], %gather3A_486 masked %lt3A_420 {add = true} : memref<256x256xf32, #tpu.memory_space<vmem>>[vector<16xi32>, vector<16xi32>], vector<16xf32>, vector<16xi1>
                %mul3A_487 = arith.constant 0 : i32
                %mul3A_488 = vector.broadcast %mul3A_487 : i32 to vector<16xi32>
                %mul3A_489 = arith.muli %iota3A, %mul3A_488 : vector<16xi32>
                %mul3A_490 = arith.constant 16 : i32
                %mul3A_491 = arith.muli %scan3A_445, %mul3A_490 : i32
                %add3A_492 = arith.constant 4 : i32
                %add3A_493 = arith.addi %mul3A_491, %add3A_492 : i32
                %add3A_494 = vector.broadcast %add3A_493 : i32 to vector<16xi32>
                %add3A_495 = arith.addi %mul3A_489, %add3A_494 : vector<16xi32>
                %gather3A_496 = tpu.vector_load_idx %arg17[%iota3A, %add3A_495] : memref<16x256xf32, #tpu.memory_space<vmem>>[vector<16xi32>, vector<16xi32>], vector<16xf32>,
                tpu.vector_store_idx %arg18[%get3A_436, %add3A_495], %gather3A_496 masked %lt3A_420 {add = true} : memref<256x256xf32, #tpu.memory_space<vmem>>[vector<16xi32>, vector<16xi32>], vector<16xf32>, vector<16xi1>
                %mul3A_497 = arith.constant 0 : i32
                %mul3A_498 = vector.broadcast %mul3A_497 : i32 to vector<16xi32>
                %mul3A_499 = arith.muli %iota3A, %mul3A_498 : vector<16xi32>
                %mul3A_500 = arith.constant 16 : i32
                %mul3A_501 = arith.muli %scan3A_445, %mul3A_500 : i32
                %add3A_502 = arith.constant 5 : i32
                %add3A_503 = arith.addi %mul3A_501, %add3A_502 : i32
                %add3A_504 = vector.broadcast %add3A_503 : i32 to vector<16xi32>
                %add3A_505 = arith.addi %mul3A_499, %add3A_504 : vector<16xi32>
                %gather3A_506 = tpu.vector_load_idx %arg17[%iota3A, %add3A_505] : memref<16x256xf32, #tpu.memory_space<vmem>>[vector<16xi32>, vector<16xi32>], vector<16xf32>,
                tpu.vector_store_idx %arg18[%get3A_436, %add3A_505], %gather3A_506 masked %lt3A_420 {add = true} : memref<256x256xf32, #tpu.memory_space<vmem>>[vector<16xi32>, vector<16xi32>], vector<16xf32>, vector<16xi1>
                %mul3A_507 = arith.constant 0 : i32
                %mul3A_508 = vector.broadcast %mul3A_507 : i32 to vector<16xi32>
                %mul3A_509 = arith.muli %iota3A, %mul3A_508 : vector<16xi32>
                %mul3A_510 = arith.constant 16 : i32
                %mul3A_511 = arith.muli %scan3A_445, %mul3A_510 : i32
                %add3A_512 = arith.constant 6 : i32
                %add3A_513 = arith.addi %mul3A_511, %add3A_512 : i32
                %add3A_514 = vector.broadcast %add3A_513 : i32 to vector<16xi32>
                %add3A_515 = arith.addi %mul3A_509, %add3A_514 : vector<16xi32>
                %gather3A_516 = tpu.vector_load_idx %arg17[%iota3A, %add3A_515] : memref<16x256xf32, #tpu.memory_space<vmem>>[vector<16xi32>, vector<16xi32>], vector<16xf32>,
                tpu.vector_store_idx %arg18[%get3A_436, %add3A_515], %gather3A_516 masked %lt3A_420 {add = true} : memref<256x256xf32, #tpu.memory_space<vmem>>[vector<16xi32>, vector<16xi32>], vector<16xf32>, vector<16xi1>
                %mul3A_517 = arith.constant 0 : i32
                %mul3A_518 = vector.broadcast %mul3A_517 : i32 to vector<16xi32>
                %mul3A_519 = arith.muli %iota3A, %mul3A_518 : vector<16xi32>
                %mul3A_520 = arith.constant 16 : i32
                %mul3A_521 = arith.muli %scan3A_445, %mul3A_520 : i32
                %add3A_522 = arith.constant 7 : i32
                %add3A_523 = arith.addi %mul3A_521, %add3A_522 : i32
                %add3A_524 = vector.broadcast %add3A_523 : i32 to vector<16xi32>
                %add3A_525 = arith.addi %mul3A_519, %add3A_524 : vector<16xi32>
                %gather3A_526 = tpu.vector_load_idx %arg17[%iota3A, %add3A_525] : memref<16x256xf32, #tpu.memory_space<vmem>>[vector<16xi32>, vector<16xi32>], vector<16xf32>,
                tpu.vector_store_idx %arg18[%get3A_436, %add3A_525], %gather3A_526 masked %lt3A_420 {add = true} : memref<256x256xf32, #tpu.memory_space<vmem>>[vector<16xi32>, vector<16xi32>], vector<16xf32>, vector<16xi1>
                %mul3A_527 = arith.constant 0 : i32
                %mul3A_528 = vector.broadcast %mul3A_527 : i32 to vector<16xi32>
                %mul3A_529 = arith.muli %iota3A, %mul3A_528 : vector<16xi32>
                %mul3A_530 = arith.constant 16 : i32
                %mul3A_531 = arith.muli %scan3A_445, %mul3A_530 : i32
                %add3A_532 = arith.constant 8 : i32
                %add3A_533 = arith.addi %mul3A_531, %add3A_532 : i32
                %add3A_534 = vector.broadcast %add3A_533 : i32 to vector<16xi32>
                %add3A_535 = arith.addi %mul3A_529, %add3A_534 : vector<16xi32>
                %gather3A_536 = tpu.vector_load_idx %arg17[%iota3A, %add3A_535] : memref<16x256xf32, #tpu.memory_space<vmem>>[vector<16xi32>, vector<16xi32>], vector<16xf32>,
                tpu.vector_store_idx %arg18[%get3A_436, %add3A_535], %gather3A_536 masked %lt3A_420 {add = true} : memref<256x256xf32, #tpu.memory_space<vmem>>[vector<16xi32>, vector<16xi32>], vector<16xf32>, vector<16xi1>
                %mul3A_537 = arith.constant 0 : i32
                %mul3A_538 = vector.broadcast %mul3A_537 : i32 to vector<16xi32>
                %mul3A_539 = arith.muli %iota3A, %mul3A_538 : vector<16xi32>
                %mul3A_540 = arith.constant 16 : i32
                %mul3A_541 = arith.muli %scan3A_445, %mul3A_540 : i32
                %add3A_542 = arith.constant 9 : i32
                %add3A_543 = arith.addi %mul3A_541, %add3A_542 : i32
                %add3A_544 = vector.broadcast %add3A_543 : i32 to vector<16xi32>
                %add3A_545 = arith.addi %mul3A_539, %add3A_544 : vector<16xi32>
                %gather3A_546 = tpu.vector_load_idx %arg17[%iota3A, %add3A_545] : memref<16x256xf32, #tpu.memory_space<vmem>>[vector<16xi32>, vector<16xi32>], vector<16xf32>,
                tpu.vector_store_idx %arg18[%get3A_436, %add3A_545], %gather3A_546 masked %lt3A_420 {add = true} : memref<256x256xf32, #tpu.memory_space<vmem>>[vector<16xi32>, vector<16xi32>], vector<16xf32>, vector<16xi1>
                %mul3A_547 = arith.constant 0 : i32
                %mul3A_548 = vector.broadcast %mul3A_547 : i32 to vector<16xi32>
                %mul3A_549 = arith.muli %iota3A, %mul3A_548 : vector<16xi32>
                %mul3A_550 = arith.constant 16 : i32
                %mul3A_551 = arith.muli %scan3A_445, %mul3A_550 : i32
                %add3A_552 = arith.constant 10 : i32
                %add3A_553 = arith.addi %mul3A_551, %add3A_552 : i32
                %add3A_554 = vector.broadcast %add3A_553 : i32 to vector<16xi32>
                %add3A_555 = arith.addi %mul3A_549, %add3A_554 : vector<16xi32>
                %gather3A_556 = tpu.vector_load_idx %arg17[%iota3A, %add3A_555] : memref<16x256xf32, #tpu.memory_space<vmem>>[vector<16xi32>, vector<16xi32>], vector<16xf32>,
                tpu.vector_store_idx %arg18[%get3A_436, %add3A_555], %gather3A_556 masked %lt3A_420 {add = true} : memref<256x256xf32, #tpu.memory_space<vmem>>[vector<16xi32>, vector<16xi32>], vector<16xf32>, vector<16xi1>
                %mul3A_557 = arith.constant 0 : i32
                %mul3A_558 = vector.broadcast %mul3A_557 : i32 to vector<16xi32>
                %mul3A_559 = arith.muli %iota3A, %mul3A_558 : vector<16xi32>
                %mul3A_560 = arith.constant 16 : i32
                %mul3A_561 = arith.muli %scan3A_445, %mul3A_560 : i32
                %add3A_562 = arith.constant 11 : i32
                %add3A_563 = arith.addi %mul3A_561, %add3A_562 : i32
                %add3A_564 = vector.broadcast %add3A_563 : i32 to vector<16xi32>
                %add3A_565 = arith.addi %mul3A_559, %add3A_564 : vector<16xi32>
                %gather3A_566 = tpu.vector_load_idx %arg17[%iota3A, %add3A_565] : memref<16x256xf32, #tpu.memory_space<vmem>>[vector<16xi32>, vector<16xi32>], vector<16xf32>,
                tpu.vector_store_idx %arg18[%get3A_436, %add3A_565], %gather3A_566 masked %lt3A_420 {add = true} : memref<256x256xf32, #tpu.memory_space<vmem>>[vector<16xi32>, vector<16xi32>], vector<16xf32>, vector<16xi1>
                %mul3A_567 = arith.constant 0 : i32
                %mul3A_568 = vector.broadcast %mul3A_567 : i32 to vector<16xi32>
                %mul3A_569 = arith.muli %iota3A, %mul3A_568 : vector<16xi32>
                %mul3A_570 = arith.constant 16 : i32
                %mul3A_571 = arith.muli %scan3A_445, %mul3A_570 : i32
                %add3A_572 = arith.constant 12 : i32
                %add3A_573 = arith.addi %mul3A_571, %add3A_572 : i32
                %add3A_574 = vector.broadcast %add3A_573 : i32 to vector<16xi32>
                %add3A_575 = arith.addi %mul3A_569, %add3A_574 : vector<16xi32>
                %gather3A_576 = tpu.vector_load_idx %arg17[%iota3A, %add3A_575] : memref<16x256xf32, #tpu.memory_space<vmem>>[vector<16xi32>, vector<16xi32>], vector<16xf32>,
                tpu.vector_store_idx %arg18[%get3A_436, %add3A_575], %gather3A_576 masked %lt3A_420 {add = true} : memref<256x256xf32, #tpu.memory_space<vmem>>[vector<16xi32>, vector<16xi32>], vector<16xf32>, vector<16xi1>
                %mul3A_577 = arith.constant 0 : i32
                %mul3A_578 = vector.broadcast %mul3A_577 : i32 to vector<16xi32>
                %mul3A_579 = arith.muli %iota3A, %mul3A_578 : vector<16xi32>
                %mul3A_580 = arith.constant 16 : i32
                %mul3A_581 = arith.muli %scan3A_445, %mul3A_580 : i32
                %add3A_582 = arith.constant 13 : i32
                %add3A_583 = arith.addi %mul3A_581, %add3A_582 : i32
                %add3A_584 = vector.broadcast %add3A_583 : i32 to vector<16xi32>
                %add3A_585 = arith.addi %mul3A_579, %add3A_584 : vector<16xi32>
                %gather3A_586 = tpu.vector_load_idx %arg17[%iota3A, %add3A_585] : memref<16x256xf32, #tpu.memory_space<vmem>>[vector<16xi32>, vector<16xi32>], vector<16xf32>,
                tpu.vector_store_idx %arg18[%get3A_436, %add3A_585], %gather3A_586 masked %lt3A_420 {add = true} : memref<256x256xf32, #tpu.memory_space<vmem>>[vector<16xi32>, vector<16xi32>], vector<16xf32>, vector<16xi1>
                %mul3A_587 = arith.constant 0 : i32
                %mul3A_588 = vector.broadcast %mul3A_587 : i32 to vector<16xi32>
                %mul3A_589 = arith.muli %iota3A, %mul3A_588 : vector<16xi32>
                %mul3A_590 = arith.constant 16 : i32
                %mul3A_591 = arith.muli %scan3A_445, %mul3A_590 : i32
                %add3A_592 = arith.constant 14 : i32
                %add3A_593 = arith.addi %mul3A_591, %add3A_592 : i32
                %add3A_594 = vector.broadcast %add3A_593 : i32 to vector<16xi32>
                %add3A_595 = arith.addi %mul3A_589, %add3A_594 : vector<16xi32>
                %gather3A_596 = tpu.vector_load_idx %arg17[%iota3A, %add3A_595] : memref<16x256xf32, #tpu.memory_space<vmem>>[vector<16xi32>, vector<16xi32>], vector<16xf32>,
                tpu.vector_store_idx %arg18[%get3A_436, %add3A_595], %gather3A_596 masked %lt3A_420 {add = true} : memref<256x256xf32, #tpu.memory_space<vmem>>[vector<16xi32>, vector<16xi32>], vector<16xf32>, vector<16xi1>
                %mul3A_597 = arith.constant 0 : i32
                %mul3A_598 = vector.broadcast %mul3A_597 : i32 to vector<16xi32>
                %mul3A_599 = arith.muli %iota3A, %mul3A_598 : vector<16xi32>
                %mul3A_600 = arith.constant 16 : i32
                %mul3A_601 = arith.muli %scan3A_445, %mul3A_600 : i32
                %add3A_602 = arith.constant 15 : i32
                %add3A_603 = arith.addi %mul3A_601, %add3A_602 : i32
                %add3A_604 = vector.broadcast %add3A_603 : i32 to vector<16xi32>
                %add3A_605 = arith.addi %mul3A_599, %add3A_604 : vector<16xi32>
                %gather3A_606 = tpu.vector_load_idx %arg17[%iota3A, %add3A_605] : memref<16x256xf32, #tpu.memory_space<vmem>>[vector<16xi32>, vector<16xi32>], vector<16xf32>,
                tpu.vector_store_idx %arg18[%get3A_436, %add3A_605], %gather3A_606 masked %lt3A_420 {add = true} : memref<256x256xf32, #tpu.memory_space<vmem>>[vector<16xi32>, vector<16xi32>], vector<16xf32>, vector<16xi1>
                %scan3A_607 = arith.constant 0 : i32
                scf.yield %scan3A_607 : i32
              }
              %scan3A_443 = arith.constant 16 : i32
              %while3A_444 = arith.constant 0 : i32
              scf.yield %while3A_444 : i32
            }
            %while3A_410 = arith.constant 1 : i32
            %while3A_411 = scf.for %while3A_413 = %while3A_407 to %while3A_403 step %while3A_410 iter_args(%while3A_414 = %while3A_409) -> (i32)  : i32 {
              %mul3A_415 = arith.constant 16 : i32
              %mul3A_416 = arith.muli %while3A_413, %mul3A_415 : i32
              %add3A_417 = vector.broadcast %mul3A_416 : i32 to vector<16xi32>
              %add3A_418 = arith.addi %add3A_417, %iota3A : vector<16xi32>
              %lt3A_419 = vector.broadcast %scan3A_372 : i32 to vector<16xi32>
              %lt3A_420 = arith.cmpi slt, %add3A_418, %lt3A_419 : vector<16xi32>
              %mul3A_421 = arith.constant 16 : i32
              %mul3A_422 = arith.muli %while3A_413, %mul3A_421 : i32
              %get3A = arith.index_cast %mul3A_422 : i32 to index
              %get3A_423 = tpu.vector_load %arg15[%get3A] {strides = array<i32>} : memref<256xi32, #tpu.memory_space<vmem>>, vector<16xi32>,
              %broadcast_in_dim3A_424 = arith.constant 0 : i32
              %broadcast_in_dim3A_425 = vector.broadcast %broadcast_in_dim3A_424 : i32 to vector<16xi32>
              %select_n3A_426 = arith.select %lt3A_420, %get3A_423, %broadcast_in_dim3A_425 : vector<16xi1>, vector<16xi32>
              %swap3A_427 = arith.constant 0 : index
              %swap3A_428 = tpu.vector_load %arg16[%swap3A_427] {strides = array<i32>} : memref<16xi32, #tpu.memory_space<vmem>>, vector<16xi32>,
              tpu.vector_store %arg16[%swap3A_427], %select_n3A_426 {strides = array<i32>} : memref<16xi32, #tpu.memory_space<vmem>>, vector<16xi32>,
              %dma_start3A = arith.constant 0 : i32
              %dma_start3A_429 = arith.constant 0 : i32
              %dma_start3A_430 = tpu.memref_slice %arg4[%dma_start3A, %dma_start3A_429] : memref<10000x256xf32, #tpu.memory_space<hbm>> -> memref<10000x256xf32, #tpu.memory_space<hbm>>
              tpu.enqueue_indirect_dma source(%dma_start3A_430 : memref<10000x256xf32, #tpu.memory_space<hbm>>) target(%arg17 : memref<16x256xf32, #tpu.memory_space<vmem>>) offsets(%arg16 : memref<16xi32, #tpu.memory_space<vmem>>) semaphore(%arg26 : memref<!tpu.dma_semaphore, #tpu.memory_space<semaphore_mem>>)
              %dma_wait3A = arith.constant 0 : i32
              %dma_wait3A_431 = arith.constant 0 : i32
              %dma_wait3A_432 = tpu.memref_slice %arg4[%dma_wait3A, %dma_wait3A_431] : memref<10000x256xf32, #tpu.memory_space<hbm>> -> memref<10000x256xf32, #tpu.memory_space<hbm>>
              tpu.wait_indirect_dma semaphore(%arg26 : memref<!tpu.dma_semaphore, #tpu.memory_space<semaphore_mem>>) src(%dma_wait3A_432 : memref<10000x256xf32, #tpu.memory_space<hbm>>) dst(%arg17 : memref<16x256xf32, #tpu.memory_space<vmem>>)
              %mul3A_433 = arith.constant 16 : i32
              %mul3A_434 = arith.muli %while3A_413, %mul3A_433 : i32
              %get3A_435 = arith.index_cast %mul3A_434 : i32 to index
              %get3A_436 = tpu.vector_load %arg14[%get3A_435] {strides = array<i32>} : memref<256xi32, #tpu.memory_space<vmem>>, vector<16xi32>,
              %scan3A_437 = arith.constant 0 : i32
              %scan3A_438 = arith.constant 0 : i32
              %scan3A_439 = arith.constant 16 : i32
              %scan3A_440 = arith.addi %scan3A_438, %scan3A_439 : i32
              %scan3A_441 = arith.constant 1 : i32
              %scan3A_442 = scf.for %scan3A_445 = %scan3A_438 to %scan3A_440 step %scan3A_441 iter_args(%scan3A_446 = %scan3A_437) -> (i32)  : i32 {
                %mul3A_447 = arith.constant 0 : i32
                %mul3A_448 = vector.broadcast %mul3A_447 : i32 to vector<16xi32>
                %mul3A_449 = arith.muli %iota3A, %mul3A_448 : vector<16xi32>
                %mul3A_450 = arith.constant 16 : i32
                %mul3A_451 = arith.muli %scan3A_445, %mul3A_450 : i32
                %add3A_452 = arith.constant 0 : i32
                %add3A_453 = arith.addi %mul3A_451, %add3A_452 : i32
                %add3A_454 = vector.broadcast %add3A_453 : i32 to vector<16xi32>
                %add3A_455 = arith.addi %mul3A_449, %add3A_454 : vector<16xi32>
                %gather3A_456 = tpu.vector_load_idx %arg17[%iota3A, %add3A_455] : memref<16x256xf32, #tpu.memory_space<vmem>>[vector<16xi32>, vector<16xi32>], vector<16xf32>,
                tpu.vector_store_idx %arg18[%get3A_436, %add3A_455], %gather3A_456 masked %lt3A_420 {add = true} : memref<256x256xf32, #tpu.memory_space<vmem>>[vector<16xi32>, vector<16xi32>], vector<16xf32>, vector<16xi1>
                %mul3A_457 = arith.constant 0 : i32
                %mul3A_458 = vector.broadcast %mul3A_457 : i32 to vector<16xi32>
                %mul3A_459 = arith.muli %iota3A, %mul3A_458 : vector<16xi32>
                %mul3A_460 = arith.constant 16 : i32
                %mul3A_461 = arith.muli %scan3A_445, %mul3A_460 : i32
                %add3A_462 = arith.constant 1 : i32
                %add3A_463 = arith.addi %mul3A_461, %add3A_462 : i32
                %add3A_464 = vector.broadcast %add3A_463 : i32 to vector<16xi32>
                %add3A_465 = arith.addi %mul3A_459, %add3A_464 : vector<16xi32>
                %gather3A_466 = tpu.vector_load_idx %arg17[%iota3A, %add3A_465] : memref<16x256xf32, #tpu.memory_space<vmem>>[vector<16xi32>, vector<16xi32>], vector<16xf32>,
                tpu.vector_store_idx %arg18[%get3A_436, %add3A_465], %gather3A_466 masked %lt3A_420 {add = true} : memref<256x256xf32, #tpu.memory_space<vmem>>[vector<16xi32>, vector<16xi32>], vector<16xf32>, vector<16xi1>
                %mul3A_467 = arith.constant 0 : i32
                %mul3A_468 = vector.broadcast %mul3A_467 : i32 to vector<16xi32>
                %mul3A_469 = arith.muli %iota3A, %mul3A_468 : vector<16xi32>
                %mul3A_470 = arith.constant 16 : i32
                %mul3A_471 = arith.muli %scan3A_445, %mul3A_470 : i32
                %add3A_472 = arith.constant 2 : i32
                %add3A_473 = arith.addi %mul3A_471, %add3A_472 : i32
                %add3A_474 = vector.broadcast %add3A_473 : i32 to vector<16xi32>
                %add3A_475 = arith.addi %mul3A_469, %add3A_474 : vector<16xi32>
                %gather3A_476 = tpu.vector_load_idx %arg17[%iota3A, %add3A_475] : memref<16x256xf32, #tpu.memory_space<vmem>>[vector<16xi32>, vector<16xi32>], vector<16xf32>,
                tpu.vector_store_idx %arg18[%get3A_436, %add3A_475], %gather3A_476 masked %lt3A_420 {add = true} : memref<256x256xf32, #tpu.memory_space<vmem>>[vector<16xi32>, vector<16xi32>], vector<16xf32>, vector<16xi1>
                %mul3A_477 = arith.constant 0 : i32
                %mul3A_478 = vector.broadcast %mul3A_477 : i32 to vector<16xi32>
                %mul3A_479 = arith.muli %iota3A, %mul3A_478 : vector<16xi32>
                %mul3A_480 = arith.constant 16 : i32
                %mul3A_481 = arith.muli %scan3A_445, %mul3A_480 : i32
                %add3A_482 = arith.constant 3 : i32
                %add3A_483 = arith.addi %mul3A_481, %add3A_482 : i32
                %add3A_484 = vector.broadcast %add3A_483 : i32 to vector<16xi32>
                %add3A_485 = arith.addi %mul3A_479, %add3A_484 : vector<16xi32>
                %gather3A_486 = tpu.vector_load_idx %arg17[%iota3A, %add3A_485] : memref<16x256xf32, #tpu.memory_space<vmem>>[vector<16xi32>, vector<16xi32>], vector<16xf32>,
                tpu.vector_store_idx %arg18[%get3A_436, %add3A_485], %gather3A_486 masked %lt3A_420 {add = true} : memref<256x256xf32, #tpu.memory_space<vmem>>[vector<16xi32>, vector<16xi32>], vector<16xf32>, vector<16xi1>
                %mul3A_487 = arith.constant 0 : i32
                %mul3A_488 = vector.broadcast %mul3A_487 : i32 to vector<16xi32>
                %mul3A_489 = arith.muli %iota3A, %mul3A_488 : vector<16xi32>
                %mul3A_490 = arith.constant 16 : i32
                %mul3A_491 = arith.muli %scan3A_445, %mul3A_490 : i32
                %add3A_492 = arith.constant 4 : i32
                %add3A_493 = arith.addi %mul3A_491, %add3A_492 : i32
                %add3A_494 = vector.broadcast %add3A_493 : i32 to vector<16xi32>
                %add3A_495 = arith.addi %mul3A_489, %add3A_494 : vector<16xi32>
                %gather3A_496 = tpu.vector_load_idx %arg17[%iota3A, %add3A_495] : memref<16x256xf32, #tpu.memory_space<vmem>>[vector<16xi32>, vector<16xi32>], vector<16xf32>,
                tpu.vector_store_idx %arg18[%get3A_436, %add3A_495], %gather3A_496 masked %lt3A_420 {add = true} : memref<256x256xf32, #tpu.memory_space<vmem>>[vector<16xi32>, vector<16xi32>], vector<16xf32>, vector<16xi1>
                %mul3A_497 = arith.constant 0 : i32
                %mul3A_498 = vector.broadcast %mul3A_497 : i32 to vector<16xi32>
                %mul3A_499 = arith.muli %iota3A, %mul3A_498 : vector<16xi32>
                %mul3A_500 = arith.constant 16 : i32
                %mul3A_501 = arith.muli %scan3A_445, %mul3A_500 : i32
                %add3A_502 = arith.constant 5 : i32
                %add3A_503 = arith.addi %mul3A_501, %add3A_502 : i32
                %add3A_504 = vector.broadcast %add3A_503 : i32 to vector<16xi32>
                %add3A_505 = arith.addi %mul3A_499, %add3A_504 : vector<16xi32>
                %gather3A_506 = tpu.vector_load_idx %arg17[%iota3A, %add3A_505] : memref<16x256xf32, #tpu.memory_space<vmem>>[vector<16xi32>, vector<16xi32>], vector<16xf32>,
                tpu.vector_store_idx %arg18[%get3A_436, %add3A_505], %gather3A_506 masked %lt3A_420 {add = true} : memref<256x256xf32, #tpu.memory_space<vmem>>[vector<16xi32>, vector<16xi32>], vector<16xf32>, vector<16xi1>
                %mul3A_507 = arith.constant 0 : i32
                %mul3A_508 = vector.broadcast %mul3A_507 : i32 to vector<16xi32>
                %mul3A_509 = arith.muli %iota3A, %mul3A_508 : vector<16xi32>
                %mul3A_510 = arith.constant 16 : i32
                %mul3A_511 = arith.muli %scan3A_445, %mul3A_510 : i32
                %add3A_512 = arith.constant 6 : i32
                %add3A_513 = arith.addi %mul3A_511, %add3A_512 : i32
                %add3A_514 = vector.broadcast %add3A_513 : i32 to vector<16xi32>
                %add3A_515 = arith.addi %mul3A_509, %add3A_514 : vector<16xi32>
                %gather3A_516 = tpu.vector_load_idx %arg17[%iota3A, %add3A_515] : memref<16x256xf32, #tpu.memory_space<vmem>>[vector<16xi32>, vector<16xi32>], vector<16xf32>,
                tpu.vector_store_idx %arg18[%get3A_436, %add3A_515], %gather3A_516 masked %lt3A_420 {add = true} : memref<256x256xf32, #tpu.memory_space<vmem>>[vector<16xi32>, vector<16xi32>], vector<16xf32>, vector<16xi1>
                %mul3A_517 = arith.constant 0 : i32
                %mul3A_518 = vector.broadcast %mul3A_517 : i32 to vector<16xi32>
                %mul3A_519 = arith.muli %iota3A, %mul3A_518 : vector<16xi32>
                %mul3A_520 = arith.constant 16 : i32
                %mul3A_521 = arith.muli %scan3A_445, %mul3A_520 : i32
                %add3A_522 = arith.constant 7 : i32
                %add3A_523 = arith.addi %mul3A_521, %add3A_522 : i32
                %add3A_524 = vector.broadcast %add3A_523 : i32 to vector<16xi32>
                %add3A_525 = arith.addi %mul3A_519, %add3A_524 : vector<16xi32>
                %gather3A_526 = tpu.vector_load_idx %arg17[%iota3A, %add3A_525] : memref<16x256xf32, #tpu.memory_space<vmem>>[vector<16xi32>, vector<16xi32>], vector<16xf32>,
                tpu.vector_store_idx %arg18[%get3A_436, %add3A_525], %gather3A_526 masked %lt3A_420 {add = true} : memref<256x256xf32, #tpu.memory_space<vmem>>[vector<16xi32>, vector<16xi32>], vector<16xf32>, vector<16xi1>
                %mul3A_527 = arith.constant 0 : i32
                %mul3A_528 = vector.broadcast %mul3A_527 : i32 to vector<16xi32>
                %mul3A_529 = arith.muli %iota3A, %mul3A_528 : vector<16xi32>
                %mul3A_530 = arith.constant 16 : i32
                %mul3A_531 = arith.muli %scan3A_445, %mul3A_530 : i32
                %add3A_532 = arith.constant 8 : i32
                %add3A_533 = arith.addi %mul3A_531, %add3A_532 : i32
                %add3A_534 = vector.broadcast %add3A_533 : i32 to vector<16xi32>
                %add3A_535 = arith.addi %mul3A_529, %add3A_534 : vector<16xi32>
                %gather3A_536 = tpu.vector_load_idx %arg17[%iota3A, %add3A_535] : memref<16x256xf32, #tpu.memory_space<vmem>>[vector<16xi32>, vector<16xi32>], vector<16xf32>,
                tpu.vector_store_idx %arg18[%get3A_436, %add3A_535], %gather3A_536 masked %lt3A_420 {add = true} : memref<256x256xf32, #tpu.memory_space<vmem>>[vector<16xi32>, vector<16xi32>], vector<16xf32>, vector<16xi1>
                %mul3A_537 = arith.constant 0 : i32
                %mul3A_538 = vector.broadcast %mul3A_537 : i32 to vector<16xi32>
                %mul3A_539 = arith.muli %iota3A, %mul3A_538 : vector<16xi32>
                %mul3A_540 = arith.constant 16 : i32
                %mul3A_541 = arith.muli %scan3A_445, %mul3A_540 : i32
                %add3A_542 = arith.constant 9 : i32
                %add3A_543 = arith.addi %mul3A_541, %add3A_542 : i32
                %add3A_544 = vector.broadcast %add3A_543 : i32 to vector<16xi32>
                %add3A_545 = arith.addi %mul3A_539, %add3A_544 : vector<16xi32>
                %gather3A_546 = tpu.vector_load_idx %arg17[%iota3A, %add3A_545] : memref<16x256xf32, #tpu.memory_space<vmem>>[vector<16xi32>, vector<16xi32>], vector<16xf32>,
                tpu.vector_store_idx %arg18[%get3A_436, %add3A_545], %gather3A_546 masked %lt3A_420 {add = true} : memref<256x256xf32, #tpu.memory_space<vmem>>[vector<16xi32>, vector<16xi32>], vector<16xf32>, vector<16xi1>
                %mul3A_547 = arith.constant 0 : i32
                %mul3A_548 = vector.broadcast %mul3A_547 : i32 to vector<16xi32>
                %mul3A_549 = arith.muli %iota3A, %mul3A_548 : vector<16xi32>
                %mul3A_550 = arith.constant 16 : i32
                %mul3A_551 = arith.muli %scan3A_445, %mul3A_550 : i32
                %add3A_552 = arith.constant 10 : i32
                %add3A_553 = arith.addi %mul3A_551, %add3A_552 : i32
                %add3A_554 = vector.broadcast %add3A_553 : i32 to vector<16xi32>
                %add3A_555 = arith.addi %mul3A_549, %add3A_554 : vector<16xi32>
                %gather3A_556 = tpu.vector_load_idx %arg17[%iota3A, %add3A_555] : memref<16x256xf32, #tpu.memory_space<vmem>>[vector<16xi32>, vector<16xi32>], vector<16xf32>,
                tpu.vector_store_idx %arg18[%get3A_436, %add3A_555], %gather3A_556 masked %lt3A_420 {add = true} : memref<256x256xf32, #tpu.memory_space<vmem>>[vector<16xi32>, vector<16xi32>], vector<16xf32>, vector<16xi1>
                %mul3A_557 = arith.constant 0 : i32
                %mul3A_558 = vector.broadcast %mul3A_557 : i32 to vector<16xi32>
                %mul3A_559 = arith.muli %iota3A, %mul3A_558 : vector<16xi32>
                %mul3A_560 = arith.constant 16 : i32
                %mul3A_561 = arith.muli %scan3A_445, %mul3A_560 : i32
                %add3A_562 = arith.constant 11 : i32
                %add3A_563 = arith.addi %mul3A_561, %add3A_562 : i32
                %add3A_564 = vector.broadcast %add3A_563 : i32 to vector<16xi32>
                %add3A_565 = arith.addi %mul3A_559, %add3A_564 : vector<16xi32>
                %gather3A_566 = tpu.vector_load_idx %arg17[%iota3A, %add3A_565] : memref<16x256xf32, #tpu.memory_space<vmem>>[vector<16xi32>, vector<16xi32>], vector<16xf32>,
                tpu.vector_store_idx %arg18[%get3A_436, %add3A_565], %gather3A_566 masked %lt3A_420 {add = true} : memref<256x256xf32, #tpu.memory_space<vmem>>[vector<16xi32>, vector<16xi32>], vector<16xf32>, vector<16xi1>
                %mul3A_567 = arith.constant 0 : i32
                %mul3A_568 = vector.broadcast %mul3A_567 : i32 to vector<16xi32>
                %mul3A_569 = arith.muli %iota3A, %mul3A_568 : vector<16xi32>
                %mul3A_570 = arith.constant 16 : i32
                %mul3A_571 = arith.muli %scan3A_445, %mul3A_570 : i32
                %add3A_572 = arith.constant 12 : i32
                %add3A_573 = arith.addi %mul3A_571, %add3A_572 : i32
                %add3A_574 = vector.broadcast %add3A_573 : i32 to vector<16xi32>
                %add3A_575 = arith.addi %mul3A_569, %add3A_574 : vector<16xi32>
                %gather3A_576 = tpu.vector_load_idx %arg17[%iota3A, %add3A_575] : memref<16x256xf32, #tpu.memory_space<vmem>>[vector<16xi32>, vector<16xi32>], vector<16xf32>,
                tpu.vector_store_idx %arg18[%get3A_436, %add3A_575], %gather3A_576 masked %lt3A_420 {add = true} : memref<256x256xf32, #tpu.memory_space<vmem>>[vector<16xi32>, vector<16xi32>], vector<16xf32>, vector<16xi1>
                %mul3A_577 = arith.constant 0 : i32
                %mul3A_578 = vector.broadcast %mul3A_577 : i32 to vector<16xi32>
                %mul3A_579 = arith.muli %iota3A, %mul3A_578 : vector<16xi32>
                %mul3A_580 = arith.constant 16 : i32
                %mul3A_581 = arith.muli %scan3A_445, %mul3A_580 : i32
                %add3A_582 = arith.constant 13 : i32
                %add3A_583 = arith.addi %mul3A_581, %add3A_582 : i32
                %add3A_584 = vector.broadcast %add3A_583 : i32 to vector<16xi32>
                %add3A_585 = arith.addi %mul3A_579, %add3A_584 : vector<16xi32>
                %gather3A_586 = tpu.vector_load_idx %arg17[%iota3A, %add3A_585] : memref<16x256xf32, #tpu.memory_space<vmem>>[vector<16xi32>, vector<16xi32>], vector<16xf32>,
                tpu.vector_store_idx %arg18[%get3A_436, %add3A_585], %gather3A_586 masked %lt3A_420 {add = true} : memref<256x256xf32, #tpu.memory_space<vmem>>[vector<16xi32>, vector<16xi32>], vector<16xf32>, vector<16xi1>
                %mul3A_587 = arith.constant 0 : i32
                %mul3A_588 = vector.broadcast %mul3A_587 : i32 to vector<16xi32>
                %mul3A_589 = arith.muli %iota3A, %mul3A_588 : vector<16xi32>
                %mul3A_590 = arith.constant 16 : i32
                %mul3A_591 = arith.muli %scan3A_445, %mul3A_590 : i32
                %add3A_592 = arith.constant 14 : i32
                %add3A_593 = arith.addi %mul3A_591, %add3A_592 : i32
                %add3A_594 = vector.broadcast %add3A_593 : i32 to vector<16xi32>
                %add3A_595 = arith.addi %mul3A_589, %add3A_594 : vector<16xi32>
                %gather3A_596 = tpu.vector_load_idx %arg17[%iota3A, %add3A_595] : memref<16x256xf32, #tpu.memory_space<vmem>>[vector<16xi32>, vector<16xi32>], vector<16xf32>,
                tpu.vector_store_idx %arg18[%get3A_436, %add3A_595], %gather3A_596 masked %lt3A_420 {add = true} : memref<256x256xf32, #tpu.memory_space<vmem>>[vector<16xi32>, vector<16xi32>], vector<16xf32>, vector<16xi1>
                %mul3A_597 = arith.constant 0 : i32
                %mul3A_598 = vector.broadcast %mul3A_597 : i32 to vector<16xi32>
                %mul3A_599 = arith.muli %iota3A, %mul3A_598 : vector<16xi32>
                %mul3A_600 = arith.constant 16 : i32
                %mul3A_601 = arith.muli %scan3A_445, %mul3A_600 : i32
                %add3A_602 = arith.constant 15 : i32
                %add3A_603 = arith.addi %mul3A_601, %add3A_602 : i32
                %add3A_604 = vector.broadcast %add3A_603 : i32 to vector<16xi32>
                %add3A_605 = arith.addi %mul3A_599, %add3A_604 : vector<16xi32>
                %gather3A_606 = tpu.vector_load_idx %arg17[%iota3A, %add3A_605] : memref<16x256xf32, #tpu.memory_space<vmem>>[vector<16xi32>, vector<16xi32>], vector<16xf32>,
                tpu.vector_store_idx %arg18[%get3A_436, %add3A_605], %gather3A_606 masked %lt3A_420 {add = true} : memref<256x256xf32, #tpu.memory_space<vmem>>[vector<16xi32>, vector<16xi32>], vector<16xf32>, vector<16xi1>
                %scan3A_607 = arith.constant 0 : i32
                scf.yield %scan3A_607 : i32
              }
              %scan3A_443 = arith.constant 16 : i32
              %while3A_444 = arith.constant 0 : i32
              scf.yield %while3A_444 : i32
            }
            %while3A_412 = arith.constant 0 : i32
            scf.yield %while3A_412 : i32
          }
          %scan3A_354 = arith.constant 0 : i32
          scf.yield %scan3A_354 : i32
        }
        %scan3A_296 = arith.constant 16 : i32
        %barrier3A_297 = arith.constant 0 : index
        tpu.barrier barrier_id(%barrier3A_297)
        %scan3A_298 = arith.constant 0 : i32
        scf.yield %scan3A_298 : i32
      }
      %scan3A_91 = arith.constant 5 : i32
      %mul3A_92 = arith.constant 256 : i32
      %mul3A_93 = arith.muli %arg1, %mul3A_92 : i32
      %add3A_94 = arith.addi %add3A, %mul3A_93 : i32
      "tpu.region"() ({
        %run_scoped3A = tpu.sem_alloc : memref<!tpu.dma_semaphore, #tpu.memory_space<semaphore_mem>>
        %dma_start3A = arith.constant 0 : i32
        %dma_start3A_99 = tpu.memref_slice %arg6[%add3A_94, %dma_start3A] : memref<81920x256xf32, #tpu.memory_space<hbm>> -> memref<256x256xf32, #tpu.memory_space<hbm>>
        %dma_start3A_100 = arith.constant 0 : i32
        %dma_start3A_101 = tpu.memref_slice %arg6[%add3A_94, %dma_start3A_100] : memref<81920x256xf32, #tpu.memory_space<hbm>> -> memref<256x256xf32, #tpu.memory_space<hbm>>
        tpu.enqueue_dma source(%arg18 : memref<256x256xf32, #tpu.memory_space<vmem>>) target(%dma_start3A_101 : memref<256x256xf32, #tpu.memory_space<hbm>>) target_semaphore(%run_scoped3A : memref<!tpu.dma_semaphore, #tpu.memory_space<semaphore_mem>>)
        %dma_wait3A = arith.constant 0 : i32
        %dma_wait3A_102 = tpu.memref_slice %arg6[%add3A_94, %dma_wait3A] : memref<81920x256xf32, #tpu.memory_space<hbm>> -> memref<256x256xf32, #tpu.memory_space<hbm>>
        %dma_wait3A_103 = arith.constant 0 : i32
        %dma_wait3A_104 = tpu.memref_slice %arg6[%add3A_94, %dma_wait3A_103] : memref<81920x256xf32, #tpu.memory_space<hbm>> -> memref<256x256xf32, #tpu.memory_space<hbm>>
        tpu.wait_dma2 semaphore(%run_scoped3A : memref<!tpu.dma_semaphore, #tpu.memory_space<semaphore_mem>>) src(%arg18 : memref<256x256xf32, #tpu.memory_space<vmem>>) dst(%dma_wait3A_104 : memref<256x256xf32, #tpu.memory_space<hbm>>)
        tpu.yield
      }) : () -> ()
      %mul3A_95 = arith.constant 256 : i32
      %mul3A_96 = arith.muli %arg1, %mul3A_95 : i32
      %add3A_97 = arith.addi %add3A, %mul3A_96 : i32
      "tpu.region"() ({
        %run_scoped3A = tpu.sem_alloc : memref<!tpu.dma_semaphore, #tpu.memory_space<semaphore_mem>>
        %dma_start3A = tpu.memref_slice %arg7[%add3A_97] : memref<81920xf32, #tpu.memory_space<hbm>> -> memref<256xf32, #tpu.memory_space<hbm>>
        %dma_start3A_99 = tpu.memref_slice %arg7[%add3A_97] : memref<81920xf32, #tpu.memory_space<hbm>> -> memref<256xf32, #tpu.memory_space<hbm>>
        tpu.enqueue_dma source(%arg19 : memref<256xf32, #tpu.memory_space<vmem>>) target(%dma_start3A_99 : memref<256xf32, #tpu.memory_space<hbm>>) target_semaphore(%run_scoped3A : memref<!tpu.dma_semaphore, #tpu.memory_space<semaphore_mem>>)
        %dma_wait3A = tpu.memref_slice %arg7[%add3A_97] : memref<81920xf32, #tpu.memory_space<hbm>> -> memref<256xf32, #tpu.memory_space<hbm>>
        %dma_wait3A_100 = tpu.memref_slice %arg7[%add3A_97] : memref<81920xf32, #tpu.memory_space<hbm>> -> memref<256xf32, #tpu.memory_space<hbm>>
        tpu.wait_dma2 semaphore(%run_scoped3A : memref<!tpu.dma_semaphore, #tpu.memory_space<semaphore_mem>>) src(%arg19 : memref<256xf32, #tpu.memory_space<vmem>>) dst(%dma_wait3A_100 : memref<256xf32, #tpu.memory_space<hbm>>)
        tpu.yield
      }) : () -> ()
      %scan3A_98 = arith.constant 0 : i32
      scf.yield %scan3A_98 : i32
    }
    %scan3A_15 = arith.constant 10 : i32
    return
  }
}

</mosaic_0001>

<sc_bundles>
// kernel: _sc_agg.3.cloned.1.call-start
scs
__scs_entry_jumppad:
0x0: {  	(pc) =	sbr.rel $0x88, $3  }
0x1: {  	(tag) =	ssettag $0x0;
	lr =	simm.s32 $0x1  }
0x2: {  	[smem:$0x3F9E] =	sst lr;
	_ =	strace $0xD0000000  }
0x3: {  	_ = 	snop  }
0x4: {  	_ = 	snop  }
0x5: {  	_ = 	snop  }
0x6: {  	_ = 	snop  }
0x7: {  	_ = 	snop  }
__scs_overlays_trampoline_lowered:
0x8: {  	[smem:$0x3FAD] =	sst s0  }
0x9: {  	[smem:$0x3FAE] =	sst s1  }
0xa: {  	[smem:$0x3FAF] =	sst s2  }
0xb: {  	[smem:$0x3FB0] =	sst s3  }
0xc: {  	[smem:$0x3FB1] =	sst s4  }
0xd: {  	[smem:$0x3FB2] =	sst s5  }
0xe: {  	[smem:$0x3FB3] =	sst s6  }
0xf: {  	[smem:$0x3FB4] =	sst s7  }
0x10: {  	[smem:$0x3FB5] =	sst s8  }
0x11: {  	[smem:$0x3FB6] =	sst s9;
	s0 =	simm.s32 @!p0 $0x0  }
0x12: {  	s1 =	sld [smem:$0x3F9C];
	s0 =	simm.s32 @p0 $0x1  }
0x13: {  	[smem:$0x3FB7] =	sst s0;
	s0 =	simm.s32 @!p1 $0x0  }
0x14: {  	s2 =	sld [smem:$0x3F9B];
	s0 =	simm.s32 @p1 $0x1  }
0x15: {  	[smem:$0x3FB8] =	sst s0;
	s0 =	simm.s32 @!p2 $0x0  }
0x16: {  	s3 =	sld [smem:$0x3FDB];
	s0 =	simm.s32 @p2 $0x1  }
0x17: {  	s4 =	simm.s32 $0x1BF5;
	[smem:$0x3FBA] =	sst s0  }
0x18: {  	s0 =	sld [smem:$0x3F9D];
	_ =	swait.ge [sflag:s4], $0x0  }
0x19: {  	s7 =	sld [smem:$0x3F9E]  }
0x1a: {  	s8 =	sadd.s32 $0xFFFFE003, lr  }
0x1b: {  	s9 =	sadd.s32 $0xFFFFFEF7, lr;
	s5 =	simm.s32 $0xFFFFFFFF;
	p2 =	slt.u32 s8, $0xFFFFF086  }
0x1c: {  	p1 =	slt.u32 s9, $0xF7A;
	s5 =	simm.s32 @!p2 $0x0  }
0x1d: {  	s5 =	simm.s32 @p1 $0x1;
	p0 =	seq.s32 s7, s2  }
0x1e: {  	s7 =	smul.u32 @!p0 $0xF7A, s2;
	p2 =	seq.s32 @!p0 s5, $0x0  }
0x1f: {  	s9 =	smul.u32 $0xF7A, s1;
	s8 =	simm.s32 @!p0 $0x1BF5;
	p2 =	por !p2, p0  }
0x20: {  	[sflag:s8] =	ssyncset.s32 @!p0 $0xFFFFF086;
	s6 =	sadd.s32 @!p0 s3, s7;
	s7 =	simm.s32 @!p0 $0x108  }
0x21: {  	s3 =	sadd.s32 s3, s9;
	s6 =	sadd.s32 @!p0 $0x88, s6;
	s7 =	simm.s32 @p2 $0x1082  }
0x22: {  	[simem:s7], [sflag:s8] =	dma.local @!p0 [hbm:s6], $0xF7A  }
0x23: {  	s9 =	sor.u32 $0xD0000000, s2;
	s6 =	simm.s32 $0x108;
	_ =	swait.ge @!p0 [sflag:s8], $0x0  }
0x24: {  	s3 =	sadd.s32 $0x88, s3;
	s6 =	simm.s32 @!p1 $0x1082;
	[sflag:s4] =	ssyncset.s32 $0xFFFFF086  }
0x25: {  	[simem:s6], [sflag:s4] =	dma.local [hbm:s3], $0xF7A  }
0x26: {  	[smem:$0x3F9E] =	sst s1;
	(tag) =	ssettag s2;
	_ =	strace s9  }
0x27: {  	s1 =	sld [smem:$0x3FAE]  }
0x28: {  	s2 =	sld [smem:$0x3FAF]  }
0x29: {  	s4 =	sld [smem:$0x3FB1]  }
0x2a: {  	p0 =	seq.s32 s5, $0x0;
	s5 =	sld [smem:$0x3FB2]  }
0x2b: {  	s6 =	sld [smem:$0x3FB3]  }
0x2c: {  	s7 =	sld [smem:$0x3FB4]  }
0x2d: {  	s3 =	simm.s32 $0x108;
	s8 =	sld [smem:$0x3FB5]  }
0x2e: {  	s3 =	simm.s32 @!p0 $0x1082;
	s9 =	sld [smem:$0x3FB6]  }
0x2f: {  	lr =	sadd.s32 s0, s3;
	s0 =	sld [smem:$0x3FAD]  }
0x30: {  	s3 =	sld [smem:$0x3FB0]  }
0x31: {  	[smem:$0x3FB9] =	sst s10  }
0x32: {  	s10 =	sld [smem:$0x3FB7];
	_ =	sdelay $0x3  }
0x33: {  	p0 =	seq.s32 s10, $0x1;
	s10 =	sld [smem:$0x3FB9];
	_ =	sdelay $0x3  }
0x34: {  	[smem:$0x3FB9] =	sst s10  }
0x35: {  	s10 =	sld [smem:$0x3FB8];
	_ =	sdelay $0x3  }
0x36: {  	p1 =	seq.s32 s10, $0x1;
	s10 =	sld [smem:$0x3FB9];
	_ =	sdelay $0x3  }
0x37: {  	[smem:$0x3FB9] =	sst s10  }
0x38: {  	s10 =	sld [smem:$0x3FBA]  }
0x39: {  	_ = 	snop;
	(pc) =	sbr.ind lr, $3  }
0x3a: {  	_ = 	snop  }
0x3b: {  	_ = 	snop  }
0x3c: {  	p2 =	seq.s32 s10, $0x1;
	s10 =	sld [smem:$0x3FB9]  }
0x3d: {  	_ =	shalt  }
0x3e: {  	_ =	shalt  }
0x3f: {  	_ =	shalt  }
0x40: {  	_ =	shalt  }
0x41: {  	_ =	shalt  }
0x42: {  	_ =	shalt  }
0x43: {  	_ =	shalt  }
0x44: {  	_ =	shalt  }
0x45: {  	_ =	shalt  }
0x46: {  	_ =	shalt  }
0x47: {  	_ =	shalt  }
0x48: {  	_ =	shalt  }
0x49: {  	_ =	shalt  }
0x4a: {  	_ =	shalt  }
0x4b: {  	_ =	shalt  }
0x4c: {  	_ =	shalt  }
0x4d: {  	_ =	shalt  }
0x4e: {  	_ =	shalt  }
0x4f: {  	_ =	shalt  }
0x50: {  	_ =	shalt  }
0x51: {  	_ =	shalt  }
0x52: {  	_ =	shalt  }
0x53: {  	_ =	shalt  }
0x54: {  	_ =	shalt  }
0x55: {  	_ =	shalt  }
0x56: {  	_ =	shalt  }
0x57: {  	_ =	shalt  }
0x58: {  	_ =	shalt  }
0x59: {  	_ =	shalt  }
0x5a: {  	_ =	shalt  }
0x5b: {  	_ =	shalt  }
0x5c: {  	_ =	shalt  }
0x5d: {  	_ =	shalt  }
0x5e: {  	_ =	shalt  }
0x5f: {  	_ =	shalt  }
0x60: {  	_ =	shalt  }
0x61: {  	_ =	shalt  }
0x62: {  	_ =	shalt  }
0x63: {  	_ =	shalt  }
0x64: {  	_ =	shalt  }
0x65: {  	_ =	shalt  }
0x66: {  	_ =	shalt  }
0x67: {  	_ =	shalt  }
0x68: {  	_ =	shalt  }
0x69: {  	_ =	shalt  }
0x6a: {  	_ =	shalt  }
0x6b: {  	_ =	shalt  }
0x6c: {  	_ =	shalt  }
0x6d: {  	_ =	shalt  }
0x6e: {  	_ =	shalt  }
0x6f: {  	_ =	shalt  }
0x70: {  	_ =	shalt  }
0x71: {  	_ =	shalt  }
0x72: {  	_ =	shalt  }
0x73: {  	_ =	shalt  }
0x74: {  	_ =	shalt  }
0x75: {  	_ =	shalt  }
0x76: {  	_ =	shalt  }
0x77: {  	_ =	shalt  }
0x78: {  	_ =	shalt  }
0x79: {  	_ =	shalt  }
0x7a: {  	_ =	shalt  }
0x7b: {  	_ =	shalt  }
0x7c: {  	_ =	shalt  }
0x7d: {  	_ =	shalt  }
0x7e: {  	_ =	shalt  }
0x7f: {  	_ =	shalt  }
0x80: {  	_ =	shalt  }
0x81: {  	_ =	shalt  }
0x82: {  	_ =	shalt  }
0x83: {  	_ =	shalt  }
0x84: {  	_ =	shalt  }
0x85: {  	_ =	shalt  }
0x86: {  	_ =	shalt  }
0x87: {  	_ =	shalt  }
.Lfunc_end0:
.L_simem_size_0:
called_computation_lowered:
.L_overlay_start_0:
0x88: {  	s2 =	sld [smem:$0x3FD9]  }
0x89: {  	s3 =	sld [smem:$0x3FFE];
	_ =	sdelay $0x1  }
0x8a: {  	s1 =	srdreg.scid  }
0x8b: {  	s0 =	sand.u32 $0x1, s1  }
0x8c: {  	s14 =	sshll.u32 s0, $0xA;
	s2 =	sadd.s32 s3, s2  }
0x8d: {  	s2 =	sadd.s32 s2, s14  }
0x8e: {  	[smem:$0x3FC5] =	sst s2  }
0x8f: {  	_ = 	snop  }
0x90: {  	s2 =	sld [smem:$0x3FD0]  }
0x91: {  	s15 =	sld [smem:$0x3FC9]  }
0x92: {  	s4 =	sld [smem:$0x3FC8]  }
0x93: {  	s6 =	simm.s32 $0xA;
	s7 =	simm.s32 $0x10;
	s5 =	sld [smem:$0x3FC7]  }
0x94: {  	[smem:s7], [sflag:s6] =	dma.local [hbm:s2], $0x1  }
0x95: {  	_ =	swait.eq [sflag:s6], $0x1  }
0x96: {  	[sflag:s6] =	ssyncset.done $0x0  }
0x97: {  	s16 =	sld [smem:$0x10];
	[sflag:s6] =	ssyncadd.s32 $0xFFFFFFFF  }
0x98: {  	s17 =	sld [smem:$0x11];
	(tm) =	ssettm $0x1  }
0x99: {  	s18 =	sld [smem:$0x3FFB];
	_ =	sdelay $0x3  }
0x9a: {  	_ =	strace s18  }
0x9b: {  	s7 =	sld [smem:$0x3FFC];
	_ =	sdelay $0x3  }
0x9c: {  	_ =	strace s7  }
0x9d: {  	s7 =	sld [smem:$0x3FFD];
	_ =	sdelay $0x3  }
0x9e: {  	_ =	strace s7  }
0x9f: {  	_ =	strace $0x8FFFFFFF  }
0xa0: {  	s19 =	sld [smem:$0x3FDB];
	_ =	sdelay $0x1  }
0xa1: {  	s8 =	simm.s32 $_scs_section_size  }
0xa2: {  	s9 =	simm.s32 $_size__tile_overlayer_lowered;
	s10 =	simm.s32 $_tile_overlayer_lowered  }
0xa3: {  	s22 =	simm.s32 $0x1BFF;
	s21 =	sshll.u32 s10, $0x1;
	s7 =	sadd.s32 s8, s19  }
0xa4: {  	s11 =	simm.s32 $0x0;
	s20 =	sshll.u32 s9, $0x1;
	s9 =	sadd.s32 s21, s7  }
0xa5: {  	[timem:s11], [sflag:s22] =	dma.local [hbm:s9], s20  }
0xa6: {  	_ =	swait.ge [sflag:s22], s20  }
0xa7: {  	s8 =	ssub.s32 $0x0, s20;
	[sflag:s22] =	ssyncset.done $0x0  }
0xa8: {  	[sflag:s22] =	ssyncadd.s32 s8;
	_ =	sdelay $0x1  }
0xa9: {  	s23 =	simm.s32 $0x1B8B  }
0xaa: {  	_ =	swait.ge [sflag:s23], $0x1  }
0xab: {  	[sflag:s23] =	ssyncset.done $0x0  }
0xac: {  	s25 =	simm.s32 $0x1B8E;
	s24 =	sld [smem:$0x3FFE];
	[sflag:s23] =	ssyncadd.s32 $0xFFFFFFFF  }
0xad: {  	s26 =	simm.s32 $execute0_lowered;
	[smem:$0x3FD2] =	sst s25  }
0xae: {  	s9 =	sshll.u32 s26, $0x1;
	_ =	strace $0x80000046;
	[dreg:$0x1] =	wrdreg $0xFFFFFFFF  }
0xaf: {  	s28 =	simm.s32 $_size_execute0_lowered;
	s7 =	sadd.s32 s7, s9;
	[dreg:$0x0] =	wrdreg $0x0  }
0xb0: {  	s9 =	sshll.u32 s28, $0x1;
	[dreg:$0x2] =	wrdreg s7  }
0xb1: {  	[dreg:$0x3] =	wrdreg s9  }
0xb2: {  	[dreg:$0x4] =	wrdreg $0xC0  }
0xb3: {  	_ =	task [dreg:s11], $0x5FFFF  }
0xb4: {  	[dreg:$0x1] =	wrdreg $0xFFFFFFFF  }
0xb5: {  	[dreg:$0x0] =	wrdreg $0x60  }
0xb6: {  	[dreg:$0x2] =	wrdreg s15  }
0xb7: {  	[dreg:$0x3] =	wrdreg s4  }
0xb8: {  	[dreg:$0x4] =	wrdreg s5  }
0xb9: {  	[dreg:$0x5] =	wrdreg s24  }
0xba: {  	[dreg:$0x6] =	wrdreg s16  }
0xbb: {  	[dreg:$0x7] =	wrdreg s17  }
0xbc: {  	[dreg:$0x8] =	wrdreg $0x175800  }
0xbd: {  	[dreg:$0x9] =	wrdreg $0x181800  }
0xbe: {  	[dreg:$0xa] =	wrdreg $0x179800  }
0xbf: {  	[dreg:$0xb] =	wrdreg $0x189800  }
0xc0: {  	[dreg:$0xc] =	wrdreg $0x9  }
0xc1: {  	_ =	task.clear_ibuf [dreg:s11], $0xDFFFF;
	_ =	strace $0x90000046  }
0xc2: {  	s29 =	simm.s32 $0x9;
	_ =	strace $0x80000048  }
0xc3: {  	_ =	swait.ge [sflag:s29], $0x1  }
0xc4: {  	[sflag:s29] =	ssyncadd.s32 $0xFFFFFFFF  }
0xc5: {  	_ =	strace $0x90000048  }
0xc6: {  	_ =	sfence  }
0xc7: {  	s30 =	sld [smem:$0x0];
	_ =	sdelay $0x2  }
0xc8: {  	s31 =	sshll.u32 s1, $0xD;
	s1 =	sshrl.u32 s1, $0x2  }
0xc9: {  	s3 =	sand.u32 $0x4000, s31;
	s1 =	sadd.s32 s1, s30  }
0xca: {  	s0 =	sor.u32 s3, s0;
	s1 =	sshll.u32 s1, $0x11  }
0xcb: {  	s0 =	sor.u32 s1, s0  }
0xcc: {  	s0 =	sadd.s32 $0x8F2B, s0  }
0xcd: {  	[sflag:s0] =	ssyncadd.remote.s32 $0x1  }
0xce: {  	_ =	sfence.sel $0xFFFF  }
0xcf: {  	[dreg:$0x0] =	wrdreg $0xFFFFFFFF;
	(pc) =	sbr.abs _section_cstart, $3  }
0xd0: {  	[dreg:$0x1] =	wrdreg $0xFFFFFFFF  }
0xd1: {  	_ =	task.clear_ibuf [dreg:s11], $0x2FFFF;
	_ =	strace $0x9FFFFFFF  }
0xd2: {  	(tm) =	ssettm $0x7FFFFFFF  }
0xd3: {  	_ =	shalt  }
tec
execute0_lowered:
.L_overlay_start_1:
0x0: {  	(tag) =	ssettag $0x1  }
0x1: {  	s0 =	rddreg [dreg:$0x0]  }
0x2: {  	s2 =	rddreg [dreg:$0x1]  }
0x3: {  	s1 =	rddreg [dreg:$0x2]  }
0x4: {  	s3 =	rddreg [dreg:$0x3]  }
0x5: {  	v2 =	vimm.f32 $0.0e+00;
	v3 =	vimm.s32 $0x0;
	s12 =	rddreg [dreg:$0x6]  }
0x6: {  	v4 =	vlaneseq.u32;
	v5 =	vimm.s32 $0x1000;
	s6 =	rddreg [dreg:$0x7];
	v13 =	vimm.s32 $0xB80  }
0x7: {  	s11 =	stileid.u32;
	s7 =	rddreg [dreg:$0x8];
	vm0 =	vcmask $0x300;
	vm1 =	vcmask $0x2724;
	vm2 =	vcmask $0x3B38  }
0x8: {  	s13 =	rddreg [dreg:$0x9];
	s17 =	srdreg.scid;
	v6 =	vor.u32 $0x10, v4;
	v7 =	vor.u32 $0x20, v4;
	v8 =	vor.u32 $0x30, v4  }
0x9: {  	s10 =	simm.s32 $0x0;
	s28 =	simm.s32 $0x4F00;
	s29 =	simm.s32 $0x5700;
	v9 =	vor.u32 $0x40, v4;
	v10 =	vor.u32 $0x50, v4;
	v11 =	vor.u32 $0x60, v4  }
0xa: {  	s30 =	simm.s32 $0x1;
	s16 =	simm.s32 $0x6380;
	s5 =	sshll.u32 s11, $0x8;
	v12 =	vor.u32 $0x70, v4;
	v14 =	vsel vm0, $0x0, v13;
	vm0 =	vcmask $0x704  }
0xb: {  	v13 =	vor.u32 $0x80, v4;
	[smem:$0x7FF] =	sst s10;
	s8 =	smul.u32 $0x4E2, s11;
	s3 =	sadd.s32 $0x600, s3;
	v15 =	vsel vm0, $0x80, v14;
	vm0 =	vcmask $0xB08  }
0xc: {  	s22 =	sshll.u32 s11, $0x3;
	s24 =	sshll.u32 s11, $0xB;
	s26 =	sshll.u32 s11, $0x6;
	v24 =	vshrl.u32 v4, $0x3;
	v16 =	vsel vm0, $0x100, v15;
	vm0 =	vcmask $0xF0C  }
0xd: {  	s31 =	sshrl.u32 s12, $0x3;
	s4 =	sadd.s32 $0x100, s5;
	[dreg:$0xb] =	wrdreg s5;
	v0 =	vmov s5;
	v17 =	vsel vm0, $0x180, v16;
	vm0 =	vcmask $0x1310  }
0xe: {  	v14 =	vor.u32 $0x90, v4;
	s25 =	sadd.s32 s24, s6;
	_ =	strace $0x80000047;
	[dreg:$0xc] =	wrdreg s3;
	v18 =	vsel vm0, $0x200, v17;
	vm0 =	vcmask $0x1714  }
0xf: {  	s11 =	simm.s32 $0x6100;
	s12 =	simm.s32 $0x6200;
	v1 =	vmov s4;
	[dreg:$0x12] =	wrdreg s25;
	v19 =	vsel vm0, $0x280, v18;
	vm0 =	vcmask $0x1B18  }
0x10: {  	s4 =	sand.u32 $0x1, s17;
	v15 =	vor.u32 $0xA0, v4;
	s0 =	sadd.s32 s0, s8;
	[dreg:$0x14] =	wrdreg s31;
	v20 =	vsel vm0, $0x300, v19;
	vm0 =	vcmask $0x1F1C  }
0x11: {  	s20 =	sadd.s32 s2, s8;
	s8 =	simm.s32 $0x17500;
	[dreg:$0xd] =	wrdreg s0;
	v16 =	vor.u32 $0xB0, v4;
	v21 =	vsel vm0, $0x380, v20;
	vm0 =	vcmask $0x2320  }
0x12: {  	s3 =	simm.s32 $0x0;
	s18 =	ssub.s32 $0x2, s4;
	[dreg:$0xe] =	wrdreg s20;
	v17 =	vor.u32 $0xC0, v4;
	v18 =	vor.u32 $0xD0, v4;
	v21 =	vsel vm0, $0x800, v21  }
0x13: {  	s21 =	smul.u32 $0xA000, s4;
	s0 =	sadd.s32 s22, s13;
	s20 =	simm.s32 $0x6000;
	v19 =	vor.u32 $0xE0, v4;
	v22 =	vsel vm1, $0x880, v21;
	vm1 =	vcmask $0x2B28  }
.Ltmp0:
0x14: {  	s13 =	simm.s32 $0x17380;
	[dreg:$0x10] =	wrdreg s0;
	v20 =	vor.u32 $0xF0, v4;
	v23 =	vsel vm1, $0x900, v22;
	vm1 =	vcmask $0x2F2C;
	(pc) =	sbr.rel .LBB2_1-.Ltmp0, $4  }
0x15: {  	s9 =	sshrl.u32 s18, $0x1;
	s0 =	sor.u32 $0x1C02, s26;
	[dreg:$0xf] =	wrdreg s21;
	vm0 =	vmmov $0x1;
	v23 =	vsel vm1, $0x980, v23;
	vm1 =	vcmask $0x3330  }
0x16: {  	s19 =	ssub.s32 s18, s9;
	s18 =	sadd.s32 s24, s7;
	[dreg:$0x13] =	wrdreg s0;
	v21 =	vimm.f32 $1.000000000e+00;
	v25 =	vsel vm1, $0xA00, v23;
	vm1 =	vcmask $0x3734  }
0x17: {  	s0 =	simm.s32 $0x5F00;
	s21 =	simm.s32 $0x6B80;
	s23 =	smax.u32 s19, $0x1;
	v22 =	vand.u32 $0x7, v4;
	v23 =	vmul.u32 $0x8, v24;
	v25 =	vsel vm1, $0xA80, v25  }
0x18: {  	s19 =	simm.s32 $0x2;
	[dreg:$0x11] =	wrdreg s23;
	s23 =	simm.s32 $0x7380;
	v24 =	vor.u32 $0x8, v4;
	vm1 =	vmmov $0xffff;
	v25 =	vsel vm2, $0xB00, v25  }
.LBB2_23:
0x19: {  	s3 =	rddreg [dreg:$0x15]  }
0x1a: {  	s2 =	rddreg [dreg:$0x11];
	s3 =	sadd.s32 $0x1, s3  }
0x1b: {  	p0 =	sne.s32 s3, s2  }
.Ltmp1:
0x1c: {  	_ = 	snop;
	(pc) =	sbr.rel @!p0 .LBB2_24-.Ltmp1, $1  }
0x1d: {  	_ =	sdelay $0x3  }
.LBB2_1:
0x1e: {  	[dreg:$0x15] =	wrdreg s3  }
0x1f: {  	s2 =	rddreg [dreg:$0xd]  }
0x20: {  	[tilespmem:s10], [sflag:$0x2] =	stream.linear.gather [hbm4b:s2+s10], $0x2710, $0x38;
	[tilespmem:$0x18988] =	vst v63  }
0x21: {  	_ =	swait.ge [sflag:s19], $0x2710  }
0x22: {  	[sflag:s19] =	ssyncset.done $0x0  }
0x23: {  	s25 =	simm.s32 $0x2780;
	s24 =	rddreg [dreg:$0xe];
	[sflag:s19] =	ssyncadd.s32 $0xFFFFD8F0  }
0x24: {  	[tilespmem:s25], [sflag:$0x2] =	stream.linear.gather [hbm4b:s24+s10], $0x2710, $0x38;
	[tilespmem:$0x18988] =	vst v63  }
0x25: {  	_ =	swait.ge [sflag:s19], $0x2710  }
0x26: {  	s26 =	rddreg [dreg:$0xc]  }
0x27: {  	[sflag:s19] =	ssyncset.done $0x0;
	s31 =	rddreg [dreg:$0x13]  }
0x28: {  	s4 =	rddreg [dreg:$0x14];
	[sflag:s19] =	ssyncadd.s32 $0xFFFFD8F0  }
0x29: {  	[spmem:s4], [sflag:s31] =	dma.local [hbm:s26], $0x800  }
.Ltmp2:
0x2a: {  	_ =	swait.ge [sflag:s19], $0x800;
	(pc) =	sbr.rel .LBB2_2-.Ltmp2, $4  }
0x2b: {  	[sflag:s19] =	ssyncset.done $0x0  }
0x2c: {  	[sflag:s19] =	ssyncadd.s32 $0xFFFFF800  }
0x2d: {  	[bflag:$0x0] =	sbarrier.arrive $0xFFFF  }
0x2e: {  	s4 =	simm.s32 $0x0  }
.LBB2_22:
0x2f: {  	s2 =	rddreg [dreg:$0xb]  }
0x30: {  	s3 =	rddreg [dreg:$0x17]  }
0x31: {  	s2 =	sor.u32 s2, s3  }
0x32: {  	s4 =	rddreg [dreg:$0x4];
	s3 =	sshll.u32 s2, $0x5  }
0x33: {  	s3 =	sadd.s32 s4, s3  }
0x34: {  	[hbm4b:s3+s10] =	stream.linear.scatter [tilespmem:s23], [sflag:$0x2], $0x10000, $0x38;
	[tilespmem:$0x18988] =	vst v63  }
0x35: {  	_ =	swait.ge [sflag:s19], $0x10000  }
0x36: {  	[sflag:s19] =	ssyncset.done $0x0  }
0x37: {  	[sflag:s19] =	ssyncadd.s32 $0xFFFF0000  }
0x38: {  	s2 =	sshrl.u32 s2, $0x3;
	s26 =	rddreg [dreg:$0x5]  }
0x39: {  	s2 =	sadd.s32 s26, s2  }
0x3a: {  	[hbm4b:s2+s10] =	stream.linear.scatter [tilespmem:s13], [sflag:$0x2], $0x100, $0x38;
	[tilespmem:$0x18988] =	vst v63  }
0x3b: {  	_ =	swait.ge [sflag:s19], $0x100  }
0x3c: {  	s31 =	rddreg [dreg:$0x16]  }
0x3d: {  	s4 =	sadd.s32 $0x1, s31  }
0x3e: {  	p0 =	sne.s32 s4, $0xA  }
.Ltmp3:
0x3f: {  	_ = 	snop;
	(pc) =	sbr.rel @!p0 .LBB2_23-.Ltmp3, $3  }
0x40: {  	_ =	sdelay $0x1  }
0x41: {  	[sflag:s19] =	ssyncset.done $0x0  }
0x42: {  	[sflag:s19] =	ssyncadd.s32 $0xFFFFFF00  }
.LBB2_2:
0x43: {  	s2 =	rddreg [dreg:$0x6]  }
0x44: {  	[tilespmem:s23], [sflag:$0x2] =	stream.linear.gather [spmem:s2], $0x4000, $0x38;
	[tilespmem:$0x18988] =	vst v63  }
0x45: {  	_ =	swait.ge [sflag:s19], $0x4000  }
0x46: {  	[sflag:s19] =	ssyncset.done $0x0  }
0x47: {  	s3 =	simm.s32 $0xB380;
	[sflag:s19] =	ssyncadd.s32 $0xFFFFC000  }
0x48: {  	[tilespmem:s3], [sflag:$0x2] =	stream.linear.gather [spmem:s2], $0x4000, $0x38;
	[tilespmem:$0x18988] =	vst v63  }
0x49: {  	_ =	swait.ge [sflag:s19], $0x4000  }
0x4a: {  	[sflag:s19] =	ssyncset.done $0x0  }
0x4b: {  	s24 =	simm.s32 $0xF380;
	[sflag:s19] =	ssyncadd.s32 $0xFFFFC000  }
0x4c: {  	[tilespmem:s24], [sflag:$0x2] =	stream.linear.gather [spmem:s2], $0x4000, $0x38;
	[tilespmem:$0x18988] =	vst v63  }
0x4d: {  	_ =	swait.ge [sflag:s19], $0x4000  }
0x4e: {  	[sflag:s19] =	ssyncset.done $0x0  }
0x4f: {  	s25 =	simm.s32 $0x13380;
	[sflag:s19] =	ssyncadd.s32 $0xFFFFC000  }
0x50: {  	[tilespmem:s25], [sflag:$0x2] =	stream.linear.gather [spmem:s2], $0x4000, $0x38;
	[tilespmem:$0x18988] =	vst v63  }
0x51: {  	_ =	swait.ge [sflag:s19], $0x4000  }
0x52: {  	[sflag:s19] =	ssyncset.done $0x0  }
0x53: {  	[sflag:s19] =	ssyncadd.s32 $0xFFFFC000  }
0x54: {  	[tilespmem:$0x17380] =	vst v2  }
0x55: {  	[tilespmem:$0x17390] =	vst v2  }
0x56: {  	[tilespmem:$0x173A0] =	vst v2  }
0x57: {  	[tilespmem:$0x173B0] =	vst v2  }
0x58: {  	[tilespmem:$0x173C0] =	vst v2  }
0x59: {  	[tilespmem:$0x173D0] =	vst v2  }
0x5a: {  	[tilespmem:$0x173E0] =	vst v2  }
0x5b: {  	[tilespmem:$0x173F0] =	vst v2  }
0x5c: {  	[tilespmem:$0x17400] =	vst v2  }
0x5d: {  	[tilespmem:$0x17410] =	vst v2  }
0x5e: {  	[tilespmem:$0x17420] =	vst v2  }
.Ltmp4:
0x5f: {  	[tilespmem:$0x17430] =	vst v2;
	(pc) =	sbr.rel .LBB2_3-.Ltmp4, $4  }
0x60: {  	s26 =	sshll.u32 s4, $0xC;
	s31 =	rddreg [dreg:$0xf];
	[tilespmem:$0x17440] =	vst v2  }
0x61: {  	s3 =	sadd.s32 s31, s26;
	[tilespmem:$0x17450] =	vst v2  }
0x62: {  	s24 =	simm.s32 $0x2780;
	[dreg:$0x16] =	wrdreg s4;
	s2 =	sadd.s32 $0x1000, s3;
	[tilespmem:$0x17460] =	vst v2  }
0x63: {  	s25 =	simm.s32 $0x0;
	s26 =	simm.s32 $0x0;
	[tilespmem:$0x17470] =	vst v2;
	[dreg:$0x17] =	wrdreg s3;
	v26 =	vmov s3;
	v27 =	vmov s2  }
.LBB2_21:
0x64: {  	s26 =	sadd.s32 $0x1, s26  }
0x65: {  	p0 =	sne.s32 s26, $0x5  }
.Ltmp5:
0x66: {  	_ = 	snop;
	(pc) =	sbr.rel @!p0 .LBB2_22-.Ltmp5, $3  }
0x67: {  	_ =	sdelay $0x1  }
0x68: {  	[bflag:$0x0] =	sbarrier.arrive $0xFFFF  }
0x69: {  	s25 =	sadd.s32 $0x7D0, s25;
	s24 =	sadd.s32 $0x7D0, s24  }
.LBB2_3:
0x6a: {  	v29 =	vmov s25;
	_ =	sdelay $0x3  }
0x6b: {  	s2 =	simm.s32 $0x0  }
0x6c: {  	v30 =	vld.idx.msk [tilespmem:v29+s2+$0x0 ss:$0x1], $0xffff;
	_ =	sdelay $0x4  }
0x6d: {  	vm2 =	vge.s32 v30, v26;
	vm3 =	vlt.s32 v30, v27  }
0x6e: {  	vm2 =	vmand vm2, vm3  }
0x6f: {  	v28 =	vsel vm2, $0x1, v3  }
0x70: {  	(xrf0) =	vadd.scan.msk.s32 $0xffff, v28;
	_ =	sdelay $0x1  }
0x71: {  	v28 =	vmov s24;
	_ =	sdelay $0x2  }
0x72: {  	s3 =	simm.s32 $0x0;
	v31 =	vsel vm2, $0xFFFFFFFF, v3  }
0x73: {  	v31 =	vadd.s32 s3, v31;
	v32, _, _ =	vpop (xrf0)  }
0x74: {  	v33 =	vld.idx.msk [tilespmem:v28+s2+$0x0 ss:$0x1], $0xffff;
	v31 =	vadd.s32 v32, v31;
	(v2sf) =	vpush v32, $0xF;
	_ =	sdelay $0x4  }
0x75: {  	v30 =	vsub.s32 v30, v26;
	[tilespmem:v31+s28+$0x0] =	vst.idx.msk vm2, v33  }
0x76: {  	s4 =	simm.s32 $0x80;
	s3 =	simm.s32 $0x10;
	s2 =	simm.s32 $0x0;
	[tilespmem:v31+s29+$0x0] =	vst.idx.msk vm2, v30  }
.LBB2_4:
0x77: {  	p0 =	sne.s32 s4, $0x1F00;
	v30 =	vld.idx.msk [tilespmem:v29+s3+$0x0 ss:$0x1], $0xffff;
	_ =	sdelay $0x5  }
0x78: {  	vm2 =	vge.s32 v30, v26;
	vm3 =	vlt.s32 v30, v27;
	v30 =	vsub.s32 v30, v26  }
0x79: {  	vm2 =	vmand vm2, vm3  }
0x7a: {  	v31 =	vsel vm2, $0xFFFFFFFF, v3;
	v32 =	vsel vm2, $0x1, v3;
	s5 =	spop (v2sf)  }
0x7b: {  	(xrf0) =	vadd.scan.msk.s32 $0xffff, v32;
	s2 =	sadd.s32 s2, s5  }
0x7c: {  	v31 =	vadd.s32 s2, v31;
	_ =	sdelay $0x4  }
0x7d: {  	v32 =	vld.idx.msk [tilespmem:v28+s3+$0x0 ss:$0x1], $0xffff;
	v33, _, _ =	vpop (xrf0)  }
0x7e: {  	v31 =	vadd.s32 v33, v31;
	(v2sf) =	vpush v33, $0xF;
	_ =	sdelay $0x1  }
.Ltmp6:
0x7f: {  	(pc) =	sbr.rel @p0 .LBB2_4-.Ltmp6, $3  }
0x80: {  	_ =	sdelay $0x1  }
0x81: {  	[tilespmem:v31+s28+$0x0] =	vst.idx.msk vm2, v32  }
0x82: {  	s3 =	sshra.s32 s4, $0x2;
	s4 =	sadd.s32 $0x40, s4;
	[tilespmem:v31+s29+$0x0] =	vst.idx.msk vm2, v30  }
0x83: {  	_ =	sdelay $0x3  }
0x84: {  	v29 =	vld.idx.msk [tilespmem:v29+s3+$0x0 ss:$0x1], $0xffff;
	_ =	sdelay $0x4  }
0x85: {  	vm2 =	vge.s32 v29, v26;
	vm3 =	vlt.s32 v29, v27  }
0x86: {  	vm2 =	vmand vm2, vm3  }
0x87: {  	v30 =	vsel vm2, $0x1, v3  }
0x88: {  	(xrf0) =	vadd.scan.msk.s32 $0xffff, v30;
	_ =	sdelay $0x5  }
0x89: {  	v30, _, _ =	vpop (xrf0)  }
0x8a: {  	(v2sf) =	vpush v30, $0xF;
	_ =	sdelay $0xd  }
0x8b: {  	s4 =	spop (v2sf)  }
0x8c: {  	s4 =	sadd.s32 s2, s4;
	s22 =	spop (v2sf)  }
0x8d: {  	s2 =	sadd.s32 s4, s22  }
0x8e: {  	s5 =	sadd.s32 $0xFF, s2  }
0x8f: {  	s9 =	sand.u32 $0xFF, s5  }
0x90: {  	s31 =	sshra.s32 s5, $0x1F;
	p1 =	slt.s32 s5, $0x1;
	p0 =	sne.s32 s9, $0x0  }
0x91: {  	s9 =	sshrl.u32 s31, $0x18;
	p0 =	por !p1, !p0  }
0x92: {  	s5 =	sadd.s32 s9, s5;
	s9 =	simm.s32 $0x1;
	p0 =	por !p0, !p0  }
0x93: {  	v31 =	vsel vm2, $0xFFFFFFFF, v3;
	s5 =	sshra.s32 s5, $0x8;
	s9 =	simm.s32 @!p0 $0x0  }
0x94: {  	v31 =	vadd.s32 s4, v31;
	s4 =	ssub.s32 s5, s9  }
0x95: {  	v28 =	vld.idx.msk [tilespmem:v28+s3+$0x0 ss:$0x1], $0xffff;
	v30 =	vadd.s32 v30, v31;
	v56 =	vadd.s32 s2, v4;
	s5 =	sshll.u32 s4, $0x8  }
0x96: {  	v32 =	vadd.s32 s2, v6;
	vm3 =	vlt.s32 v56, s5  }
0x97: {  	v33 =	vadd.s32 s2, v7;
	vm4 =	vlt.s32 v32, s5  }
0x98: {  	v34 =	vadd.s32 s2, v8;
	vm5 =	vlt.s32 v33, s5  }
0x99: {  	v35 =	vadd.s32 s2, v9;
	vm6 =	vlt.s32 v34, s5  }
0x9a: {  	v29 =	vsub.s32 v29, v26;
	[tilespmem:v30+s28+$0x0] =	vst.idx.msk vm2, v28;
	v28 =	vadd.s32 s2, v10;
	vm7 =	vlt.s32 v35, s5  }
0x9b: {  	s3 =	simm.s32 $0x5700;
	[tilespmem:v30+s29+$0x0] =	vst.idx.msk vm2, v29;
	v29 =	vadd.s32 s2, v11;
	vm2 =	vlt.s32 v28, s5  }
0x9c: {  	v57 =	vadd.s32 s2, v12;
	[tilespmem:v56+s3+$0x0] =	vst.idx.msk vm3, v5;
	vm3 =	vlt.s32 v29, s5  }
0x9d: {  	v58 =	vadd.s32 s2, v13;
	vm9 =	vlt.s32 v57, s5;
	[tilespmem:v32+s3+$0x0] =	vst.idx.msk vm4, v5  }
0x9e: {  	v59 =	vadd.s32 s2, v14;
	vm10 =	vlt.s32 v58, s5;
	[tilespmem:v33+s3+$0x0] =	vst.idx.msk vm5, v5  }
0x9f: {  	v60 =	vadd.s32 s2, v15;
	vm11 =	vlt.s32 v59, s5;
	[tilespmem:v34+s3+$0x0] =	vst.idx.msk vm6, v5  }
0xa0: {  	v61 =	vadd.s32 s2, v16;
	vm12 =	vlt.s32 v60, s5;
	[tilespmem:v35+s3+$0x0] =	vst.idx.msk vm7, v5  }
0xa1: {  	[tilespmem:v28+s3+$0x0] =	vst.idx.msk vm2, v5;
	vm2 =	vlt.s32 v61, s5;
	v28 =	vadd.s32 s2, v17  }
0xa2: {  	[tilespmem:v29+s3+$0x0] =	vst.idx.msk vm3, v5;
	vm3 =	vlt.s32 v28, s5;
	v29 =	vadd.s32 s2, v18  }
0xa3: {  	v62 =	vadd.s32 s2, v19;
	[tilespmem:v57+s3+$0x0] =	vst.idx.msk vm9, v5;
	vm13 =	vlt.s32 v29, s5  }
0xa4: {  	v63 =	vadd.s32 s2, v20;
	vm14 =	vlt.s32 v62, s5;
	[tilespmem:v58+s3+$0x0] =	vst.idx.msk vm10, v5  }
0xa5: {  	vm15 =	vlt.s32 v63, s5;
	[tilespmem:v59+s3+$0x0] =	vst.idx.msk vm11, v5  }
0xa6: {  	p0 =	slt.s32 s4, $0x1;
	[tilespmem:v60+s3+$0x0] =	vst.idx.msk vm12, v5  }
.Ltmp7:
0xa7: {  	[tilespmem:v61+s3+$0x0] =	vst.idx.msk vm2, v5;
	(pc) =	sbr.rel @p0 .LBB2_9-.Ltmp7, $4  }
0xa8: {  	[tilespmem:v28+s3+$0x0] =	vst.idx.msk vm3, v5  }
0xa9: {  	[tilespmem:v29+s3+$0x0] =	vst.idx.msk vm13, v5  }
0xaa: {  	[tilespmem:v62+s3+$0x0] =	vst.idx.msk vm14, v5  }
0xab: {  	s5 =	simm.s32 $0x4F00;
	[tilespmem:v63+s3+$0x0] =	vst.idx.msk vm15, v5  }
0xac: {  	s9 =	rddreg [dreg:$0x12]  }
0xad: {  	[spmem:s9] =	stream.linear.scatter [tilespmem:s5], [sflag:$0x2], $0x100, $0x38;
	[tilespmem:$0x18988] =	vst v63  }
0xae: {  	p0 =	sne.s32 s4, $0x1;
	_ =	swait.ge [sflag:s19], $0x100  }
.Ltmp8:
0xaf: {  	[sflag:s19] =	ssyncset.done $0x0;
	(pc) =	sbr.rel @!p0 .LBB2_8-.Ltmp8, $4  }
0xb0: {  	[sflag:s19] =	ssyncadd.s32 $0xFFFFFF00  }
0xb1: {  	[spmem:s18] =	stream.linear.scatter [tilespmem:s3], [sflag:$0x2], $0x100, $0x38;
	[tilespmem:$0x18988] =	vst v63  }
0xb2: {  	s4 =	sadd.s32 $0xFFFFFFFF, s4;
	_ =	swait.ge [sflag:s19], $0x100  }
0xb3: {  	s14 =	sadd.s32 $0x100, s18;
	s9 =	sadd.s32 $0x100, s9;
	[sflag:s19] =	ssyncset.done $0x0  }
.LBB2_7:
0xb4: {  	[sflag:s19] =	ssyncadd.s32 $0xFFFFFF00;
	s5 =	sadd.s32 $0x100, s5;
	s3 =	sadd.s32 $0x100, s3  }
0xb5: {  	[spmem:s9] =	stream.linear.scatter [tilespmem:s5], [sflag:$0x2], $0x100, $0x38;
	[tilespmem:$0x18988] =	vst v63  }
0xb6: {  	p0 =	sne.s32 s4, $0x1;
	s4 =	sadd.s32 $0xFFFFFFFF, s4;
	_ =	swait.ge [sflag:s19], $0x100  }
.Ltmp9:
0xb7: {  	[sflag:s19] =	ssyncset.done $0x0;
	(pc) =	sbr.rel @p0 .LBB2_7-.Ltmp9, $4  }
0xb8: {  	[sflag:s19] =	ssyncadd.s32 $0xFFFFFF00  }
0xb9: {  	[spmem:s14] =	stream.linear.scatter [tilespmem:s3], [sflag:$0x2], $0x100, $0x38;
	[tilespmem:$0x18988] =	vst v63  }
0xba: {  	_ =	swait.ge [sflag:s19], $0x100  }
0xbb: {  	s9 =	sadd.s32 $0x100, s9;
	s14 =	sadd.s32 $0x100, s14;
	[sflag:s19] =	ssyncset.done $0x0  }
.LBB2_8:
0xbc: {  	[sflag:s19] =	ssyncadd.s32 $0xFFFFFF00  }
.LBB2_9:
0xbd: {  	v28 =	vmov s2  }
0xbe: {  	s22 =	rddreg [dreg:$0x10];
	s3 =	simm.s32 $0x17480;
	[tilespmem:$0x17480] =	vst v28  }
0xbf: {  	[spmem:s22] =	stream.linear.scatter [tilespmem:s3], [sflag:$0x2], $0x8, $0x38;
	[tilespmem:$0x18988] =	vst v63  }
0xc0: {  	_ =	swait.ge [sflag:s19], $0x8  }
0xc1: {  	[sflag:s19] =	ssyncset.done $0x0  }
0xc2: {  	[sflag:s19] =	ssyncadd.s32 $0xFFFFFFF8  }
0xc3: {  	[bflag:$0x0] =	sbarrier.arrive $0xFFFF  }
.Ltmp10:
0xc4: {  	s31 =	rddreg [dreg:$0x9];
	(pc) =	sbr.rel .LBB2_10-.Ltmp10, $4  }
0xc5: {  	[tilespmem:s8], [sflag:$0x2] =	stream.linear.gather [spmem:s31], $0x80, $0x38;
	[tilespmem:$0x18988] =	vst v63  }
0xc6: {  	_ =	swait.ge [sflag:s19], $0x80  }
0xc7: {  	[sflag:s19] =	ssyncset.done $0x0  }
0xc8: {  	s2 =	simm.s32 $0x0;
	[sflag:s19] =	ssyncadd.s32 $0xFFFFFF80  }
.LBB2_20:
0xc9: {  	s2 =	sadd.s32 $0x1, s2  }
0xca: {  	p0 =	sne.s32 s2, $0x10  }
.Ltmp11:
0xcb: {  	_ = 	snop;
	(pc) =	sbr.rel @!p0 .LBB2_21-.Ltmp11, $1  }
0xcc: {  	_ =	sdelay $0x3  }
.LBB2_10:
0xcd: {  	s3 =	sshll.u32 s2, $0x3  }
0xce: {  	v28 =	vmov s3  }
0xcf: {  	v28 =	vbroadcast v28, $0x0;
	_ =	sdelay $0x5  }
0xd0: {  	v28 =	vld.idx.msk [tilespmem:v28+s8+$0x0], $0xffff;
	_ =	sdelay $0x4  }
0xd1: {  	v28 =	vnsel vm0, $0x0, v28  }
0xd2: {  	(xrf0) =	vadd.scan.msk.s32 $0xffff, v28;
	_ =	sdelay $0x5  }
0xd3: {  	v28, _, _ =	vpop (xrf0)  }
0xd4: {  	(v2sf) =	vpush v28, $0xF;
	_ =	sdelay $0xe  }
0xd5: {  	s22 =	spop (v2sf)  }
0xd6: {  	s3 =	sadd.s32 $0xFF, s22  }
0xd7: {  	s4 =	sand.u32 $0xFF, s3  }
0xd8: {  	s31 =	sshra.s32 s3, $0x1F;
	p1 =	slt.s32 s3, $0x1;
	p0 =	sne.s32 s4, $0x0  }
0xd9: {  	s4 =	sshrl.u32 s31, $0x18;
	p0 =	por !p1, !p0  }
0xda: {  	s3 =	sadd.s32 s4, s3;
	s4 =	simm.s32 $0x1;
	p0 =	por !p0, !p0  }
0xdb: {  	s3 =	sshra.s32 s3, $0x8;
	s4 =	simm.s32 @!p0 $0x0  }
0xdc: {  	s14 =	ssub.s32 s3, s4  }
0xdd: {  	p0 =	slt.s32 s14, $0x1  }
.Ltmp12:
0xde: {  	_ = 	snop;
	(pc) =	sbr.rel @p0 .LBB2_20-.Ltmp12, $1  }
0xdf: {  	_ =	sdelay $0x3  }
.Ltmp13:
0xe0: {  	(pc) =	sbr.rel .LBB2_12-.Ltmp13, $2  }
0xe1: {  	_ =	sdelay $0x2  }
0xe2: {  	s5 =	sshll.u32 s2, $0xB;
	s3 =	simm.s32 $0x0;
	s22 =	simm.s32 $0x0  }
.LBB2_19:
0xe3: {  	s22 =	sadd.s32 $0x1, s22  }
0xe4: {  	p0 =	sne.s32 s22, s14  }
.Ltmp14:
0xe5: {  	_ = 	snop;
	(pc) =	sbr.rel @!p0 .LBB2_20-.Ltmp14, $1  }
0xe6: {  	_ =	sdelay $0x3  }
.LBB2_12:
0xe7: {  	s4 =	sshll.u32 s22, $0x8  }
0xe8: {  	s4 =	sadd.s32 s5, s4  }
0xe9: {  	s9 =	sadd.s32 s4, s7  }
0xea: {  	[tilespmem:s0], [sflag:$0x2] =	stream.linear.gather [spmem:s9], $0x100, $0x38;
	[tilespmem:$0x18988] =	vst v63  }
0xeb: {  	_ =	swait.ge [sflag:s19], $0x100  }
0xec: {  	[sflag:s19] =	ssyncset.done $0x0  }
0xed: {  	s4 =	sadd.s32 s4, s6;
	[sflag:s19] =	ssyncadd.s32 $0xFFFFFF00  }
0xee: {  	[tilespmem:s20], [sflag:$0x2] =	stream.linear.gather [spmem:s4], $0x100, $0x38;
	[tilespmem:$0x18988] =	vst v63  }
0xef: {  	_ =	swait.ge [sflag:s19], $0x100  }
0xf0: {  	[sflag:s19] =	ssyncset.done $0x0  }
0xf1: {  	s31 =	simm.s32 $0x0;
	[sflag:s19] =	ssyncadd.s32 $0xFFFFFF00  }
0xf2: {  	v28 =	vld [tilespmem:s31+$0x5F00];
	_ =	sdelay $0x4  }
0xf3: {  	vm2 =	vge.s32 v28, v0;
	vm3 =	vlt.s32 v28, v1  }
0xf4: {  	vm2 =	vmand vm2, vm3  }
0xf5: {  	v29 =	vsel vm2, $0x1, v3  }
0xf6: {  	(xrf0) =	vadd.scan.msk.s32 $0xffff, v29;
	_ =	sdelay $0x4  }
0xf7: {  	v29 =	vsel vm2, $0xFFFFFFFF, v3  }
0xf8: {  	v29 =	vadd.s32 s3, v29;
	v30, _, _ =	vpop (xrf0)  }
0xf9: {  	v31 =	vsub.s32 v28, v0;
	v29 =	vadd.s32 v30, v29;
	(v2sf) =	vpush v30, $0xF  }
0xfa: {  	v32 =	vld [tilespmem:s31+$0x6000];
	v28 =	vand.u32 $0x7F, v28;
	v33 =	vand.u32 $0xFFFFFF80, v31  }
0xfb: {  	v28 =	vor.u32 v28, v33;
	_ =	sdelay $0x2  }
0xfc: {  	[tilespmem:v29+s11+$0x0] =	vst.idx.msk vm2, v31  }
0xfd: {  	[tilespmem:v29+s12+$0x0] =	vst.idx.msk vm2, v32  }
0xfe: {  	s15 =	simm.s32 $0x10;
	s9 =	simm.s32 $0x80;
	s4 =	simm.s32 $0x0;
	[tilespmem:v28+s13+$0x0] =	vst.idx.add.f32.msk vm2, v21  }
.LBB2_13:
0xff: {  	p0 =	sne.s32 s9, $0x3C0;
	v28 =	vld [tilespmem:s15+$0x5F00]  }
0x100: {  	v29 =	vld [tilespmem:s15+$0x6000];
	_ =	sdelay $0x3  }
0x101: {  	vm2 =	vge.s32 v28, v0;
	vm3 =	vlt.s32 v28, v1;
	v30 =	vsub.s32 v28, v0  }
0x102: {  	v28 =	vand.u32 $0x7F, v28;
	vm2 =	vmand vm2, vm3;
	v31 =	vand.u32 $0xFFFFFF80, v30  }
0x103: {  	v32 =	vsel vm2, $0xFFFFFFFF, v3;
	v33 =	vsel vm2, $0x1, v3;
	s15 =	spop (v2sf)  }
0x104: {  	(xrf0) =	vadd.scan.msk.s32 $0xffff, v33;
	s4 =	sadd.s32 s4, s15  }
0x105: {  	v32 =	vadd.s32 s4, v32;
	_ =	sdelay $0x4  }
0x106: {  	v33, _, _ =	vpop (xrf0)  }
0x107: {  	v32 =	vadd.s32 v33, v32;
	(v2sf) =	vpush v33, $0xF;
	_ =	sdelay $0x1  }
0x108: {  	v28 =	vor.u32 v28, v31  }
.Ltmp15:
0x109: {  	(pc) =	sbr.rel @p0 .LBB2_13-.Ltmp15, $4  }
0x10a: {  	_ = 	snop  }
0x10b: {  	[tilespmem:v32+s11+$0x0] =	vst.idx.msk vm2, v30  }
0x10c: {  	[tilespmem:v32+s12+$0x0] =	vst.idx.msk vm2, v29  }
0x10d: {  	s15 =	sshra.s32 s9, $0x2;
	s9 =	sadd.s32 $0x40, s9;
	[tilespmem:v28+s13+$0x0] =	vst.idx.add.f32.msk vm2, v21  }
0x10e: {  	v28 =	vld [tilespmem:s15+$0x5F00];
	_ =	sdelay $0x4  }
0x10f: {  	vm2 =	vge.s32 v28, v0;
	vm3 =	vlt.s32 v28, v1  }
0x110: {  	vm2 =	vmand vm2, vm3  }
0x111: {  	v29 =	vsel vm2, $0x1, v3  }
0x112: {  	(xrf0) =	vadd.scan.msk.s32 $0xffff, v29;
	_ =	sdelay $0x5  }
0x113: {  	v29, _, _ =	vpop (xrf0)  }
0x114: {  	(v2sf) =	vpush v29, $0xF;
	_ =	sdelay $0xd  }
0x115: {  	s9 =	spop (v2sf)  }
0x116: {  	s9 =	sadd.s32 s4, s9;
	s17 =	spop (v2sf)  }
0x117: {  	v30 =	vsel vm2, $0xFFFFFFFF, v3;
	s4 =	sadd.s32 s9, s17  }
0x118: {  	v30 =	vadd.s32 s9, v30;
	s9 =	sadd.s32 $0xF, s4  }
0x119: {  	s17 =	sand.u32 $0xF, s9  }
0x11a: {  	s31 =	sshra.s32 s9, $0x1F;
	p1 =	slt.s32 s9, $0x1;
	p0 =	sne.s32 s17, $0x0  }
0x11b: {  	v63 =	vld [tilespmem:s15+$0x6000];
	s15 =	sshrl.u32 s31, $0x1C;
	p0 =	por !p1, !p0  }
0x11c: {  	s9 =	sadd.s32 s15, s9;
	s15 =	simm.s32 $0x1;
	p0 =	por !p0, !p0  }
0x11d: {  	v31 =	vsub.s32 v28, v0;
	v29 =	vadd.s32 v29, v30;
	s9 =	sshra.s32 s9, $0x4;
	s15 =	simm.s32 @!p0 $0x0  }
0x11e: {  	v28 =	vand.u32 $0x7F, v28;
	v32 =	vand.u32 $0xFFFFFF80, v31;
	s9 =	ssub.s32 s9, s15  }
0x11f: {  	v28 =	vor.u32 v28, v32;
	p0 =	slt.s32 s9, $0x1  }
.Ltmp16:
0x120: {  	_ = 	snop;
	(pc) =	sbr.rel @p0 .LBB2_19-.Ltmp16, $4  }
0x121: {  	_ = 	snop  }
0x122: {  	[tilespmem:v29+s11+$0x0] =	vst.idx.msk vm2, v31  }
0x123: {  	[tilespmem:v29+s12+$0x0] =	vst.idx.msk vm2, v63  }
0x124: {  	[tilespmem:v28+s13+$0x0] =	vst.idx.add.f32.msk vm2, v21  }
0x125: {  	v28 =	vmov s4;
	s31 =	simm.s32 $0x0  }
.LBB2_16:
0x126: {  	s4 =	sshll.u32 s31, $0x4  }
0x127: {  	v29 =	vld [tilespmem:s4+$0x6200];
	_ =	sdelay $0x2  }
0x128: {  	v30 =	vor.u32 s4, v4  }
0x129: {  	vm2 =	vlt.s32 v30, v28  }
0x12a: {  	v29 =	vnsel vm2, $0x0, v29  }
0x12b: {  	v30 =	vshll.u32 v29, $0x1  }
0x12c: {  	v31 =	vand.u32 $0x7, v29;
	v30 =	vand.u32 $0xFFFFFFF0, v30  }
0x12d: {  	v30 =	vor.u32 v31, v30  }
0x12e: {  	v31 =	vperm.xlane v30, v22;
	_ =	sdelay $0x1  }
0x12f: {  	v30 =	vperm.xlane v30, v24;
	v31 =	vadd.s32 v23, v31;
	_ =	sdelay $0x1  }
0x130: {  	v30 =	vadd.s32 v23, v30;
	_ =	sdelay $0x1  }
0x131: {  	[tilespmem:$0x6300] =	vst v29  }
0x132: {  	[tilespmem:s16], [sflag:$0x1] =	stream.indirect_vreg.gather [hbm4b:s1+s10], $0x80, v31, vm1, $0xb8;
	[tilespmem:$0x18988] =	vst v63  }
0x133: {  	_ = 	snop  }
0x134: {  	[tilespmem:s21], [sflag:$0x1] =	stream.indirect_vreg.gather [hbm4b:s1+s10], $0x80, v30, vm1, $0xb8;
	[tilespmem:$0x18988] =	vst v63  }
0x135: {  	_ =	swait.ge [sflag:s30], $0x1000  }
0x136: {  	[sflag:s30] =	ssyncset.done $0x0  }
0x137: {  	s15 =	simm.s32 $0x0;
	[sflag:s30] =	ssyncadd.s32 $0xFFFFF000  }
0x138: {  	v30 =	vmov s15;
	v29 =	vld [tilespmem:s4+$0x6100]  }
0x139: {  	v31 =	vshll.u32 v30, $0x3  }
0x13a: {  	v30 =	vand.u32 $0x70, v30;
	v31 =	vand.u32 $0x400, v31  }
0x13b: {  	v32 =	vor.u32 v30, v31  }
0x13c: {  	v32 =	vor.u32 v25, v32  }
0x13d: {  	s17 =	simm.s32 $0x1;
	v33 =	vshll.u32 v29, $0x8;
	v29 =	vshll.u32 v29, $0x7  }
0x13e: {  	v34 =	vmov s17;
	v33 =	vand.u32 $0xFFFFF800, v33;
	v29 =	vand.u32 $0x380, v29  }
0x13f: {  	v58 =	vshll.u32 v34, $0x3;
	v29 =	vor.u32 v33, v29  }
0x140: {  	v34 =	vand.u32 $0x71, v34;
	v33 =	vand.u32 $0x400, v58;
	v30 =	vor.u32 v30, v29  }
0x141: {  	v32 =	vld.idx.msk [tilespmem:v32+s16+$0x0], $0xffff;
	v30 =	vor.u32 v31, v30;
	v31 =	vor.u32 v34, v33  }
0x142: {  	v31 =	vor.u32 v25, v31  }
0x143: {  	s15 =	simm.s32 $0x2  }
0x144: {  	v35 =	vmov s15  }
0x145: {  	v36 =	vshll.u32 v35, $0x3  }
0x146: {  	v59 =	vand.u32 $0x72, v35;
	v60 =	vand.u32 $0x400, v36;
	[tilespmem:v30+s23+$0x0] =	vst.idx.add.f32.msk vm2, v32;
	v30 =	vor.u32 v34, v29  }
0x147: {  	v61 =	vor.u32 v59, v60;
	v31 =	vld.idx.msk [tilespmem:v31+s16+$0x0], $0xffff;
	v30 =	vor.u32 v33, v30  }
0x148: {  	v33 =	vor.u32 v25, v61  }
0x149: {  	s17 =	simm.s32 $0x3  }
0x14a: {  	v62 =	vmov s17  }
0x14b: {  	v63 =	vshll.u32 v62, $0x3  }
0x14c: {  	v40 =	vand.u32 $0x400, v63;
	[tilespmem:v30+s23+$0x0] =	vst.idx.add.f32.msk vm2, v31;
	v30 =	vor.u32 v59, v29;
	v31 =	vand.u32 $0x73, v62  }
0x14d: {  	v33 =	vld.idx.msk [tilespmem:v33+s16+$0x0], $0xffff;
	v30 =	vor.u32 v60, v30;
	v41 =	vor.u32 v31, v40  }
0x14e: {  	v34 =	vor.u32 v25, v41  }
0x14f: {  	s15 =	simm.s32 $0x4  }
0x150: {  	v42 =	vmov s15  }
0x151: {  	v43 =	vshll.u32 v42, $0x3  }
0x152: {  	v44 =	vand.u32 $0x400, v43;
	[tilespmem:v30+s23+$0x0] =	vst.idx.add.f32.msk vm2, v33;
	v30 =	vor.u32 v31, v29;
	v31 =	vand.u32 $0x74, v42  }
0x153: {  	v34 =	vld.idx.msk [tilespmem:v34+s16+$0x0], $0xffff;
	v30 =	vor.u32 v40, v30;
	v45 =	vor.u32 v31, v44  }
0x154: {  	v32 =	vor.u32 v25, v45  }
0x155: {  	s17 =	simm.s32 $0x5  }
0x156: {  	v46 =	vmov s17  }
0x157: {  	v47 =	vshll.u32 v46, $0x3  }
0x158: {  	v48 =	vand.u32 $0x400, v47;
	[tilespmem:v30+s23+$0x0] =	vst.idx.add.f32.msk vm2, v34;
	v30 =	vor.u32 v31, v29;
	v31 =	vand.u32 $0x75, v46  }
0x159: {  	v32 =	vld.idx.msk [tilespmem:v32+s16+$0x0], $0xffff;
	v30 =	vor.u32 v44, v30;
	v49 =	vor.u32 v31, v48  }
0x15a: {  	v33 =	vor.u32 v25, v49  }
0x15b: {  	s15 =	simm.s32 $0x6  }
0x15c: {  	v50 =	vmov s15  }
0x15d: {  	v51 =	vshll.u32 v50, $0x3  }
0x15e: {  	v52 =	vand.u32 $0x400, v51;
	[tilespmem:v30+s23+$0x0] =	vst.idx.add.f32.msk vm2, v32;
	v30 =	vor.u32 v31, v29;
	v31 =	vand.u32 $0x76, v50  }
0x15f: {  	v33 =	vld.idx.msk [tilespmem:v33+s16+$0x0], $0xffff;
	v30 =	vor.u32 v48, v30;
	v53 =	vor.u32 v31, v52  }
0x160: {  	v34 =	vor.u32 v25, v53  }
0x161: {  	s17 =	simm.s32 $0x7  }
0x162: {  	v54 =	vmov s17  }
0x163: {  	v55 =	vshll.u32 v54, $0x3  }
0x164: {  	v56 =	vand.u32 $0x400, v55;
	[tilespmem:v30+s23+$0x0] =	vst.idx.add.f32.msk vm2, v33;
	v30 =	vor.u32 v31, v29;
	v31 =	vand.u32 $0x77, v54  }
0x165: {  	v34 =	vld.idx.msk [tilespmem:v34+s16+$0x0], $0xffff;
	v30 =	vor.u32 v52, v30;
	v57 =	vor.u32 v31, v56  }
0x166: {  	v32 =	vor.u32 v25, v57  }
0x167: {  	s15 =	simm.s32 $0x8  }
0x168: {  	v58 =	vmov s15  }
0x169: {  	v59 =	vshll.u32 v58, $0x3  }
0x16a: {  	v60 =	vand.u32 $0x400, v59;
	[tilespmem:v30+s23+$0x0] =	vst.idx.add.f32.msk vm2, v34;
	v30 =	vor.u32 v31, v29;
	v31 =	vand.u32 $0x78, v58  }
0x16b: {  	v32 =	vld.idx.msk [tilespmem:v32+s16+$0x0], $0xffff;
	v30 =	vor.u32 v56, v30;
	v61 =	vor.u32 v31, v60  }
0x16c: {  	v33 =	vor.u32 v25, v61  }
0x16d: {  	s17 =	simm.s32 $0x9  }
0x16e: {  	v62 =	vmov s17  }
0x16f: {  	v63 =	vshll.u32 v62, $0x3  }
0x170: {  	v40 =	vand.u32 $0x400, v63;
	[tilespmem:v30+s23+$0x0] =	vst.idx.add.f32.msk vm2, v32;
	v30 =	vor.u32 v31, v29;
	v31 =	vand.u32 $0x79, v62  }
0x171: {  	v33 =	vld.idx.msk [tilespmem:v33+s16+$0x0], $0xffff;
	v30 =	vor.u32 v60, v30;
	v41 =	vor.u32 v31, v40  }
0x172: {  	v34 =	vor.u32 v25, v41  }
0x173: {  	s15 =	simm.s32 $0xA  }
0x174: {  	v42 =	vmov s15  }
0x175: {  	v43 =	vshll.u32 v42, $0x3  }
0x176: {  	v44 =	vand.u32 $0x400, v43;
	[tilespmem:v30+s23+$0x0] =	vst.idx.add.f32.msk vm2, v33;
	v30 =	vor.u32 v31, v29;
	v31 =	vand.u32 $0x7A, v42  }
0x177: {  	v34 =	vld.idx.msk [tilespmem:v34+s16+$0x0], $0xffff;
	v30 =	vor.u32 v40, v30;
	v45 =	vor.u32 v31, v44  }
0x178: {  	v32 =	vor.u32 v25, v45  }
0x179: {  	s17 =	simm.s32 $0xB  }
0x17a: {  	v46 =	vmov s17  }
0x17b: {  	v47 =	vshll.u32 v46, $0x3  }
0x17c: {  	v48 =	vand.u32 $0x400, v47;
	[tilespmem:v30+s23+$0x0] =	vst.idx.add.f32.msk vm2, v34;
	v30 =	vor.u32 v31, v29;
	v31 =	vand.u32 $0x7B, v46  }
0x17d: {  	v32 =	vld.idx.msk [tilespmem:v32+s16+$0x0], $0xffff;
	v30 =	vor.u32 v44, v30;
	v49 =	vor.u32 v31, v48  }
0x17e: {  	v33 =	vor.u32 v25, v49  }
0x17f: {  	s15 =	simm.s32 $0xC  }
0x180: {  	v50 =	vmov s15  }
0x181: {  	v51 =	vshll.u32 v50, $0x3  }
0x182: {  	v52 =	vand.u32 $0x400, v51;
	[tilespmem:v30+s23+$0x0] =	vst.idx.add.f32.msk vm2, v32;
	v30 =	vor.u32 v31, v29;
	v31 =	vand.u32 $0x7C, v50  }
0x183: {  	v33 =	vld.idx.msk [tilespmem:v33+s16+$0x0], $0xffff;
	v30 =	vor.u32 v48, v30;
	v53 =	vor.u32 v31, v52  }
0x184: {  	v34 =	vor.u32 v25, v53  }
0x185: {  	s17 =	simm.s32 $0xD  }
0x186: {  	v54 =	vmov s17  }
0x187: {  	v55 =	vshll.u32 v54, $0x3  }
0x188: {  	v56 =	vand.u32 $0x400, v55;
	[tilespmem:v30+s23+$0x0] =	vst.idx.add.f32.msk vm2, v33;
	v30 =	vor.u32 v31, v29;
	v31 =	vand.u32 $0x7D, v54  }
0x189: {  	v34 =	vld.idx.msk [tilespmem:v34+s16+$0x0], $0xffff;
	v30 =	vor.u32 v52, v30;
	v57 =	vor.u32 v31, v56  }
0x18a: {  	v32 =	vor.u32 v25, v57  }
0x18b: {  	s15 =	simm.s32 $0xE  }
0x18c: {  	v58 =	vmov s15  }
0x18d: {  	v59 =	vshll.u32 v58, $0x3  }
0x18e: {  	v61 =	vand.u32 $0x400, v59;
	v60 =	vand.u32 $0x7E, v58;
	[tilespmem:v30+s23+$0x0] =	vst.idx.add.f32.msk vm2, v34;
	v30 =	vor.u32 v31, v29  }
0x18f: {  	v32 =	vld.idx.msk [tilespmem:v32+s16+$0x0], $0xffff;
	v33 =	vor.u32 v56, v30;
	v30 =	vor.u32 v60, v61  }
0x190: {  	v62 =	vor.u32 v25, v30  }
0x191: {  	s17 =	simm.s32 $0xF  }
0x192: {  	v30 =	vmov s17  }
0x193: {  	v37 =	vshll.u32 v30, $0x3  }
0x194: {  	v63 =	vor.u32 v60, v29;
	v31 =	vand.u32 $0x7F, v30;
	v30 =	vand.u32 $0x400, v37;
	[tilespmem:v33+s23+$0x0] =	vst.idx.add.f32.msk vm2, v32  }
0x195: {  	v34 =	vor.u32 v61, v63;
	v37 =	vor.u32 v31, v30;
	v32 =	vld.idx.msk [tilespmem:v62+s16+$0x0], $0xffff  }
0x196: {  	v33 =	vor.u32 v25, v37;
	_ =	sdelay $0x1  }
0x197: {  	s4 =	simm.s32 $0x1F;
	s15 =	simm.s32 $0x2F;
	s17 =	simm.s32 $0x10  }
.LBB2_17:
0x198: {  	p0 =	sne.s32 s15, $0xFF;
	v35 =	vmov s17  }
0x199: {  	v36 =	vshll.u32 v35, $0x3;
	[tilespmem:v34+s23+$0x0] =	vst.idx.add.f32.msk vm2, v32  }
0x19a: {  	v31 =	vor.u32 v31, v29;
	v32 =	vand.u32 $0x70, v35;
	v34 =	vand.u32 $0x400, v36;
	v33 =	vld.idx.msk [tilespmem:v33+s16+$0x0], $0xffff  }
0x19b: {  	v30 =	vor.u32 v30, v31;
	v35 =	vor.u32 v32, v34  }
0x19c: {  	v31 =	vor.u32 v25, v35;
	_ =	sdelay $0x1  }
0x19d: {  	s17 =	sadd.s32 $0xFFFFFFF2, s4  }
0x19e: {  	v35 =	vmov s17  }
0x19f: {  	v36 =	vshll.u32 v35, $0x3;
	[tilespmem:v30+s23+$0x0] =	vst.idx.add.f32.msk vm2, v33  }
0x1a0: {  	v33 =	vand.u32 $0x400, v36;
	v30 =	vld.idx.msk [tilespmem:v31+s16+$0x0], $0xffff;
	v31 =	vor.u32 v32, v29;
	v32 =	vand.u32 $0x71, v35  }
0x1a1: {  	v31 =	vor.u32 v34, v31;
	v34 =	vor.u32 v32, v33  }
0x1a2: {  	v34 =	vor.u32 v25, v34;
	_ =	sdelay $0x1  }
0x1a3: {  	s17 =	sadd.s32 $0xFFFFFFF3, s4  }
0x1a4: {  	v35 =	vmov s17  }
0x1a5: {  	[tilespmem:v31+s23+$0x0] =	vst.idx.add.f32.msk vm2, v30;
	v30 =	vshll.u32 v35, $0x3  }
0x1a6: {  	v32 =	vor.u32 v32, v29;
	v31 =	vld.idx.msk [tilespmem:v34+s16+$0x0], $0xffff;
	v34 =	vand.u32 $0x72, v35;
	v30 =	vand.u32 $0x400, v30  }
0x1a7: {  	v32 =	vor.u32 v33, v32;
	v33 =	vor.u32 v34, v30  }
0x1a8: {  	v33 =	vor.u32 v25, v33;
	_ =	sdelay $0x1  }
0x1a9: {  	s17 =	sadd.s32 $0xFFFFFFF4, s4  }
0x1aa: {  	v35 =	vmov s17  }
0x1ab: {  	[tilespmem:v32+s23+$0x0] =	vst.idx.add.f32.msk vm2, v31;
	v31 =	vshll.u32 v35, $0x3  }
0x1ac: {  	v32 =	vld.idx.msk [tilespmem:v33+s16+$0x0], $0xffff;
	v33 =	vor.u32 v34, v29;
	v34 =	vand.u32 $0x73, v35;
	v31 =	vand.u32 $0x400, v31  }
0x1ad: {  	v30 =	vor.u32 v30, v33;
	v33 =	vor.u32 v34, v31  }
0x1ae: {  	v33 =	vor.u32 v25, v33;
	_ =	sdelay $0x1  }
0x1af: {  	s17 =	sadd.s32 $0xFFFFFFF5, s4  }
0x1b0: {  	v35 =	vmov s17  }
0x1b1: {  	[tilespmem:v30+s23+$0x0] =	vst.idx.add.f32.msk vm2, v32;
	v30 =	vshll.u32 v35, $0x3  }
0x1b2: {  	v32 =	vld.idx.msk [tilespmem:v33+s16+$0x0], $0xffff;
	v33 =	vor.u32 v34, v29;
	v34 =	vand.u32 $0x74, v35;
	v30 =	vand.u32 $0x400, v30  }
0x1b3: {  	v31 =	vor.u32 v31, v33;
	v33 =	vor.u32 v34, v30  }
0x1b4: {  	v33 =	vor.u32 v25, v33;
	_ =	sdelay $0x1  }
0x1b5: {  	s17 =	sadd.s32 $0xFFFFFFF6, s4  }
0x1b6: {  	v35 =	vmov s17  }
0x1b7: {  	[tilespmem:v31+s23+$0x0] =	vst.idx.add.f32.msk vm2, v32;
	v31 =	vshll.u32 v35, $0x3  }
0x1b8: {  	v32 =	vld.idx.msk [tilespmem:v33+s16+$0x0], $0xffff;
	v33 =	vor.u32 v34, v29;
	v34 =	vand.u32 $0x75, v35;
	v31 =	vand.u32 $0x400, v31  }
0x1b9: {  	v30 =	vor.u32 v30, v33;
	v33 =	vor.u32 v34, v31  }
0x1ba: {  	v33 =	vor.u32 v25, v33;
	_ =	sdelay $0x1  }
0x1bb: {  	s17 =	sadd.s32 $0xFFFFFFF7, s4  }
0x1bc: {  	v35 =	vmov s17  }
0x1bd: {  	[tilespmem:v30+s23+$0x0] =	vst.idx.add.f32.msk vm2, v32;
	v30 =	vshll.u32 v35, $0x3  }
0x1be: {  	v32 =	vld.idx.msk [tilespmem:v33+s16+$0x0], $0xffff;
	v33 =	vor.u32 v34, v29;
	v34 =	vand.u32 $0x76, v35;
	v30 =	vand.u32 $0x400, v30  }
0x1bf: {  	v31 =	vor.u32 v31, v33;
	v33 =	vor.u32 v34, v30  }
0x1c0: {  	v33 =	vor.u32 v25, v33;
	_ =	sdelay $0x1  }
0x1c1: {  	s17 =	sadd.s32 $0xFFFFFFF8, s4  }
0x1c2: {  	v35 =	vmov s17  }
0x1c3: {  	[tilespmem:v31+s23+$0x0] =	vst.idx.add.f32.msk vm2, v32;
	v31 =	vshll.u32 v35, $0x3  }
0x1c4: {  	v32 =	vld.idx.msk [tilespmem:v33+s16+$0x0], $0xffff;
	v33 =	vor.u32 v34, v29;
	v34 =	vand.u32 $0x77, v35;
	v31 =	vand.u32 $0x400, v31  }
0x1c5: {  	v30 =	vor.u32 v30, v33;
	v33 =	vor.u32 v34, v31  }
0x1c6: {  	v33 =	vor.u32 v25, v33;
	_ =	sdelay $0x1  }
0x1c7: {  	s17 =	sadd.s32 $0xFFFFFFF9, s4  }
0x1c8: {  	v35 =	vmov s17  }
0x1c9: {  	[tilespmem:v30+s23+$0x0] =	vst.idx.add.f32.msk vm2, v32;
	v30 =	vshll.u32 v35, $0x3  }
0x1ca: {  	v32 =	vld.idx.msk [tilespmem:v33+s16+$0x0], $0xffff;
	v33 =	vor.u32 v34, v29;
	v34 =	vand.u32 $0x78, v35;
	v30 =	vand.u32 $0x400, v30  }
0x1cb: {  	v31 =	vor.u32 v31, v33;
	v33 =	vor.u32 v34, v30  }
0x1cc: {  	v33 =	vor.u32 v25, v33;
	_ =	sdelay $0x1  }
0x1cd: {  	s17 =	sadd.s32 $0xFFFFFFFA, s4  }
0x1ce: {  	v35 =	vmov s17  }
0x1cf: {  	[tilespmem:v31+s23+$0x0] =	vst.idx.add.f32.msk vm2, v32;
	v31 =	vshll.u32 v35, $0x3  }
0x1d0: {  	v32 =	vld.idx.msk [tilespmem:v33+s16+$0x0], $0xffff;
	v33 =	vor.u32 v34, v29;
	v34 =	vand.u32 $0x79, v35;
	v31 =	vand.u32 $0x400, v31  }
0x1d1: {  	v30 =	vor.u32 v30, v33;
	v33 =	vor.u32 v34, v31  }
0x1d2: {  	v33 =	vor.u32 v25, v33;
	_ =	sdelay $0x1  }
0x1d3: {  	s17 =	sadd.s32 $0xFFFFFFFB, s4  }
0x1d4: {  	v35 =	vmov s17  }
0x1d5: {  	[tilespmem:v30+s23+$0x0] =	vst.idx.add.f32.msk vm2, v32;
	v30 =	vshll.u32 v35, $0x3  }
0x1d6: {  	v32 =	vld.idx.msk [tilespmem:v33+s16+$0x0], $0xffff;
	v33 =	vor.u32 v34, v29;
	v34 =	vand.u32 $0x7A, v35;
	v30 =	vand.u32 $0x400, v30  }
0x1d7: {  	v31 =	vor.u32 v31, v33;
	v33 =	vor.u32 v34, v30  }
0x1d8: {  	v33 =	vor.u32 v25, v33;
	_ =	sdelay $0x1  }
0x1d9: {  	s17 =	sadd.s32 $0xFFFFFFFC, s4  }
0x1da: {  	v35 =	vmov s17  }
0x1db: {  	[tilespmem:v31+s23+$0x0] =	vst.idx.add.f32.msk vm2, v32;
	v31 =	vshll.u32 v35, $0x3  }
0x1dc: {  	v32 =	vld.idx.msk [tilespmem:v33+s16+$0x0], $0xffff;
	v33 =	vor.u32 v34, v29;
	v34 =	vand.u32 $0x7B, v35;
	v31 =	vand.u32 $0x400, v31  }
0x1dd: {  	v30 =	vor.u32 v30, v33;
	v33 =	vor.u32 v34, v31  }
0x1de: {  	v33 =	vor.u32 v25, v33;
	_ =	sdelay $0x1  }
0x1df: {  	s17 =	sadd.s32 $0xFFFFFFFD, s4  }
0x1e0: {  	v35 =	vmov s17  }
0x1e1: {  	[tilespmem:v30+s23+$0x0] =	vst.idx.add.f32.msk vm2, v32;
	v30 =	vshll.u32 v35, $0x3  }
0x1e2: {  	v32 =	vld.idx.msk [tilespmem:v33+s16+$0x0], $0xffff;
	v33 =	vor.u32 v34, v29;
	v34 =	vand.u32 $0x7C, v35;
	v30 =	vand.u32 $0x400, v30  }
0x1e3: {  	v31 =	vor.u32 v31, v33;
	v33 =	vor.u32 v34, v30  }
0x1e4: {  	v33 =	vor.u32 v25, v33;
	_ =	sdelay $0x1  }
0x1e5: {  	s17 =	sadd.s32 $0xFFFFFFFE, s4  }
0x1e6: {  	v35 =	vmov s17  }
0x1e7: {  	[tilespmem:v31+s23+$0x0] =	vst.idx.add.f32.msk vm2, v32;
	v31 =	vshll.u32 v35, $0x3  }
0x1e8: {  	v32 =	vld.idx.msk [tilespmem:v33+s16+$0x0], $0xffff;
	v33 =	vor.u32 v34, v29;
	v34 =	vand.u32 $0x7D, v35;
	v31 =	vand.u32 $0x400, v31  }
0x1e9: {  	v30 =	vor.u32 v30, v33;
	v33 =	vor.u32 v34, v31  }
0x1ea: {  	v33 =	vor.u32 v25, v33;
	_ =	sdelay $0x1  }
0x1eb: {  	s17 =	sadd.s32 $0xFFFFFFFF, s4  }
0x1ec: {  	v35 =	vmov s17  }
0x1ed: {  	[tilespmem:v30+s23+$0x0] =	vst.idx.add.f32.msk vm2, v32;
	v30 =	vshll.u32 v35, $0x3  }
0x1ee: {  	v32 =	vld.idx.msk [tilespmem:v33+s16+$0x0], $0xffff;
	v33 =	vor.u32 v34, v29;
	v34 =	vand.u32 $0x7E, v35;
	v35 =	vand.u32 $0x400, v30  }
0x1ef: {  	v30 =	vor.u32 v31, v33;
	v31 =	vor.u32 v34, v35  }
0x1f0: {  	v31 =	vor.u32 v25, v31;
	_ =	sdelay $0x2  }
0x1f1: {  	v33 =	vmov s4;
	s4 =	smov.u32 s15  }
0x1f2: {  	[tilespmem:v30+s23+$0x0] =	vst.idx.add.f32.msk vm2, v32;
	v30 =	vshll.u32 v33, $0x3  }
.Ltmp17:
0x1f3: {  	v34 =	vor.u32 v34, v29;
	v32 =	vld.idx.msk [tilespmem:v31+s16+$0x0], $0xffff;
	v31 =	vand.u32 $0x7F, v33;
	v30 =	vand.u32 $0x400, v30;
	(pc) =	sbr.rel @p0 .LBB2_17-.Ltmp17, $3  }
0x1f4: {  	v34 =	vor.u32 v35, v34;
	v33 =	vor.u32 v31, v30  }
0x1f5: {  	v33 =	vor.u32 v25, v33;
	_ =	sdelay $0x1  }
0x1f6: {  	s15 =	sadd.s32 $0x10, s15;
	s17 =	sadd.s32 $0xFFFFFFF1, s4  }
0x1f7: {  	_ =	sdelay $0x2  }
0x1f8: {  	v35 =	vmov s17  }
0x1f9: {  	v36 =	vshll.u32 v35, $0x3  }
0x1fa: {  	[tilespmem:v34+s23+$0x0] =	vst.idx.add.f32.msk vm2, v32;
	v31 =	vor.u32 v31, v29;
	v50 =	vand.u32 $0x70, v35;
	v51 =	vand.u32 $0x400, v36  }
0x1fb: {  	v33 =	vld.idx.msk [tilespmem:v33+s16+$0x0], $0xffff;
	v30 =	vor.u32 v30, v31;
	v35 =	vor.u32 v50, v51  }
0x1fc: {  	v31 =	vor.u32 v25, v35  }
0x1fd: {  	s15 =	sadd.s32 $0xFFFFFFF2, s4  }
0x1fe: {  	v52 =	vmov s15  }
0x1ff: {  	v53 =	vshll.u32 v52, $0x3  }
0x200: {  	v54 =	vand.u32 $0x71, v52;
	v55 =	vand.u32 $0x400, v53;
	[tilespmem:v30+s23+$0x0] =	vst.idx.add.f32.msk vm2, v33;
	v30 =	vor.u32 v50, v29  }
0x201: {  	v56 =	vor.u32 v54, v55;
	v30 =	vor.u32 v51, v30;
	v31 =	vld.idx.msk [tilespmem:v31+s16+$0x0], $0xffff  }
0x202: {  	v34 =	vor.u32 v25, v56  }
0x203: {  	s17 =	sadd.s32 $0xFFFFFFF3, s4  }
0x204: {  	v57 =	vmov s17  }
0x205: {  	v58 =	vshll.u32 v57, $0x3  }
0x206: {  	v59 =	vand.u32 $0x400, v58;
	[tilespmem:v30+s23+$0x0] =	vst.idx.add.f32.msk vm2, v31;
	v30 =	vor.u32 v54, v29;
	v31 =	vand.u32 $0x72, v57  }
0x207: {  	v34 =	vld.idx.msk [tilespmem:v34+s16+$0x0], $0xffff;
	v30 =	vor.u32 v55, v30;
	v60 =	vor.u32 v31, v59  }
0x208: {  	v33 =	vor.u32 v25, v60  }
0x209: {  	s17 =	sadd.s32 $0xFFFFFFF4, s4  }
0x20a: {  	v61 =	vmov s17  }
0x20b: {  	v62 =	vshll.u32 v61, $0x3  }
0x20c: {  	v63 =	vand.u32 $0x400, v62;
	[tilespmem:v30+s23+$0x0] =	vst.idx.add.f32.msk vm2, v34;
	v30 =	vor.u32 v31, v29;
	v31 =	vand.u32 $0x73, v61  }
0x20d: {  	v33 =	vld.idx.msk [tilespmem:v33+s16+$0x0], $0xffff;
	v30 =	vor.u32 v59, v30;
	v40 =	vor.u32 v31, v63  }
0x20e: {  	v32 =	vor.u32 v25, v40  }
0x20f: {  	s17 =	sadd.s32 $0xFFFFFFF5, s4  }
0x210: {  	v41 =	vmov s17  }
0x211: {  	v42 =	vshll.u32 v41, $0x3  }
0x212: {  	v43 =	vand.u32 $0x400, v42;
	[tilespmem:v30+s23+$0x0] =	vst.idx.add.f32.msk vm2, v33;
	v30 =	vor.u32 v31, v29;
	v31 =	vand.u32 $0x74, v41  }
0x213: {  	v32 =	vld.idx.msk [tilespmem:v32+s16+$0x0], $0xffff;
	v30 =	vor.u32 v63, v30;
	v44 =	vor.u32 v31, v43  }
0x214: {  	v34 =	vor.u32 v25, v44  }
0x215: {  	s17 =	sadd.s32 $0xFFFFFFF6, s4  }
0x216: {  	v45 =	vmov s17  }
0x217: {  	v46 =	vshll.u32 v45, $0x3  }
0x218: {  	v47 =	vand.u32 $0x400, v46;
	[tilespmem:v30+s23+$0x0] =	vst.idx.add.f32.msk vm2, v32;
	v30 =	vor.u32 v31, v29;
	v31 =	vand.u32 $0x75, v45  }
0x219: {  	v34 =	vld.idx.msk [tilespmem:v34+s16+$0x0], $0xffff;
	v30 =	vor.u32 v43, v30;
	v48 =	vor.u32 v31, v47  }
0x21a: {  	v33 =	vor.u32 v25, v48  }
0x21b: {  	s17 =	sadd.s32 $0xFFFFFFF7, s4  }
0x21c: {  	v49 =	vmov s17  }
0x21d: {  	v50 =	vshll.u32 v49, $0x3  }
0x21e: {  	v51 =	vand.u32 $0x400, v50;
	[tilespmem:v30+s23+$0x0] =	vst.idx.add.f32.msk vm2, v34;
	v30 =	vor.u32 v31, v29;
	v31 =	vand.u32 $0x76, v49  }
0x21f: {  	v33 =	vld.idx.msk [tilespmem:v33+s16+$0x0], $0xffff;
	v30 =	vor.u32 v47, v30;
	v52 =	vor.u32 v31, v51  }
0x220: {  	v32 =	vor.u32 v25, v52  }
0x221: {  	s17 =	sadd.s32 $0xFFFFFFF8, s4  }
0x222: {  	v53 =	vmov s17  }
0x223: {  	v54 =	vshll.u32 v53, $0x3  }
0x224: {  	v55 =	vand.u32 $0x400, v54;
	[tilespmem:v30+s23+$0x0] =	vst.idx.add.f32.msk vm2, v33;
	v30 =	vor.u32 v31, v29;
	v31 =	vand.u32 $0x77, v53  }
0x225: {  	v32 =	vld.idx.msk [tilespmem:v32+s16+$0x0], $0xffff;
	v30 =	vor.u32 v51, v30;
	v56 =	vor.u32 v31, v55  }
0x226: {  	v34 =	vor.u32 v25, v56  }
0x227: {  	s17 =	sadd.s32 $0xFFFFFFF9, s4  }
0x228: {  	v57 =	vmov s17  }
0x229: {  	v58 =	vshll.u32 v57, $0x3  }
0x22a: {  	v59 =	vand.u32 $0x400, v58;
	[tilespmem:v30+s23+$0x0] =	vst.idx.add.f32.msk vm2, v32;
	v30 =	vor.u32 v31, v29;
	v31 =	vand.u32 $0x78, v57  }
0x22b: {  	v34 =	vld.idx.msk [tilespmem:v34+s16+$0x0], $0xffff;
	v30 =	vor.u32 v55, v30;
	v60 =	vor.u32 v31, v59  }
0x22c: {  	v33 =	vor.u32 v25, v60  }
0x22d: {  	s17 =	sadd.s32 $0xFFFFFFFA, s4  }
0x22e: {  	v61 =	vmov s17  }
0x22f: {  	v62 =	vshll.u32 v61, $0x3  }
0x230: {  	v63 =	vand.u32 $0x400, v62;
	[tilespmem:v30+s23+$0x0] =	vst.idx.add.f32.msk vm2, v34;
	v30 =	vor.u32 v31, v29;
	v31 =	vand.u32 $0x79, v61  }
0x231: {  	v33 =	vld.idx.msk [tilespmem:v33+s16+$0x0], $0xffff;
	v30 =	vor.u32 v59, v30;
	v39 =	vor.u32 v31, v63  }
0x232: {  	v32 =	vor.u32 v25, v39  }
0x233: {  	s17 =	sadd.s32 $0xFFFFFFFB, s4  }
0x234: {  	v40 =	vmov s17  }
0x235: {  	v41 =	vshll.u32 v40, $0x3  }
0x236: {  	v42 =	vand.u32 $0x400, v41;
	[tilespmem:v30+s23+$0x0] =	vst.idx.add.f32.msk vm2, v33;
	v30 =	vor.u32 v31, v29;
	v31 =	vand.u32 $0x7A, v40  }
0x237: {  	v32 =	vld.idx.msk [tilespmem:v32+s16+$0x0], $0xffff;
	v30 =	vor.u32 v63, v30;
	v43 =	vor.u32 v31, v42  }
0x238: {  	v34 =	vor.u32 v25, v43  }
0x239: {  	s17 =	sadd.s32 $0xFFFFFFFC, s4  }
0x23a: {  	v44 =	vmov s17  }
0x23b: {  	v45 =	vshll.u32 v44, $0x3  }
0x23c: {  	v46 =	vand.u32 $0x400, v45;
	[tilespmem:v30+s23+$0x0] =	vst.idx.add.f32.msk vm2, v32;
	v30 =	vor.u32 v31, v29;
	v31 =	vand.u32 $0x7B, v44  }
0x23d: {  	v34 =	vld.idx.msk [tilespmem:v34+s16+$0x0], $0xffff;
	v30 =	vor.u32 v42, v30;
	v47 =	vor.u32 v31, v46  }
0x23e: {  	v33 =	vor.u32 v25, v47  }
0x23f: {  	s17 =	sadd.s32 $0xFFFFFFFD, s4  }
0x240: {  	v48 =	vmov s17  }
0x241: {  	v49 =	vshll.u32 v48, $0x3  }
0x242: {  	v50 =	vand.u32 $0x400, v49;
	[tilespmem:v30+s23+$0x0] =	vst.idx.add.f32.msk vm2, v34;
	v30 =	vor.u32 v31, v29;
	v31 =	vand.u32 $0x7C, v48  }
0x243: {  	v33 =	vld.idx.msk [tilespmem:v33+s16+$0x0], $0xffff;
	v30 =	vor.u32 v46, v30;
	v51 =	vor.u32 v31, v50  }
0x244: {  	v32 =	vor.u32 v25, v51  }
0x245: {  	s17 =	sadd.s32 $0xFFFFFFFE, s4  }
0x246: {  	v52 =	vmov s17  }
0x247: {  	v53 =	vshll.u32 v52, $0x3  }
0x248: {  	v54 =	vand.u32 $0x400, v53;
	[tilespmem:v30+s23+$0x0] =	vst.idx.add.f32.msk vm2, v33;
	v30 =	vor.u32 v31, v29;
	v31 =	vand.u32 $0x7D, v52  }
0x249: {  	v32 =	vld.idx.msk [tilespmem:v32+s16+$0x0], $0xffff;
	v30 =	vor.u32 v50, v30;
	v55 =	vor.u32 v31, v54  }
0x24a: {  	v34 =	vor.u32 v25, v55  }
0x24b: {  	s17 =	sadd.s32 $0xFFFFFFFF, s4  }
0x24c: {  	v56 =	vmov s17  }
0x24d: {  	v57 =	vshll.u32 v56, $0x3  }
0x24e: {  	v58 =	vand.u32 $0x400, v57;
	[tilespmem:v30+s23+$0x0] =	vst.idx.add.f32.msk vm2, v32;
	v30 =	vor.u32 v31, v29;
	v31 =	vand.u32 $0x7E, v56  }
0x24f: {  	v34 =	vld.idx.msk [tilespmem:v34+s16+$0x0], $0xffff;
	v30 =	vor.u32 v54, v30;
	v59 =	vor.u32 v31, v58  }
0x250: {  	v33 =	vor.u32 v25, v59;
	_ =	sdelay $0x1  }
0x251: {  	v60 =	vmov s4  }
0x252: {  	v61 =	vshll.u32 v60, $0x3  }
0x253: {  	v62 =	vand.u32 $0x400, v61;
	[tilespmem:v30+s23+$0x0] =	vst.idx.add.f32.msk vm2, v34;
	v30 =	vor.u32 v31, v29;
	v31 =	vand.u32 $0x7F, v60  }
0x254: {  	v33 =	vld.idx.msk [tilespmem:v33+s16+$0x0], $0xffff;
	v30 =	vor.u32 v58, v30;
	v63 =	vor.u32 v31, v62  }
0x255: {  	v32 =	vor.u32 v25, v63;
	_ =	sdelay $0x3  }
0x256: {  	s31 =	sadd.s32 $0x1, s31;
	v29 =	vor.u32 v31, v29;
	[tilespmem:v30+s23+$0x0] =	vst.idx.add.f32.msk vm2, v33  }
0x257: {  	p0 =	sne.s32 s31, s9;
	v29 =	vor.u32 v62, v29;
	v30 =	vld.idx.msk [tilespmem:v32+s16+$0x0], $0xffff  }
.Ltmp18:
0x258: {  	_ = 	snop;
	(pc) =	sbr.rel @p0 .LBB2_16-.Ltmp18, $4  }
.Ltmp19:
0x259: {  	_ = 	snop;
	(pc) =	sbr.rel @!p0 .LBB2_19-.Ltmp19, $4  }
0x25a: {  	_ = 	snop  }
0x25b: {  	_ = 	snop  }
0x25c: {  	[tilespmem:v29+s23+$0x0] =	vst.idx.add.f32.msk vm2, v30  }
0x25d: {  	_ = 	snop  }
.LBB2_24:
0x25e: {  	_ =	sfence.sel $0x180000  }
0x25f: {  	[bflag:$0x0] =	sbarrier.arrive $0xFFFF  }
0x260: {  	_ =	strace $0x90000047  }
0x261: {  	s0 =	stileid.u32;
	[bflag:$0x2] =	sbarrier.arrive $0xFFFF  }
0x262: {  	p0 =	sne.s32 s0, $0x0;
	s0 =	rddreg [dreg:$0xa]  }
0x263: {  	s0 =	sadd.s32 @!p0 $0x100000, s0  }
0x264: {  	[sflag:s0] =	ssyncadd.tile.s32 @!p0 $0x1;
	_ =	shalt  }
.Lfunc_end2:
_tile_overlayer_lowered:
.L_overlay_start_2:
0x265: {  	(tag) =	ssettag $0x2  }
0x266: {  	s0 =	rddreg [dreg:$0x0];
	s2 =	stileid.u32  }
0x267: {  	s1 =	rddreg [dreg:$0x1];
	p0 =	sne.s32 s2, $0x0  }
0x268: {  	s3 =	rddreg [dreg:$0x2];
	[bflag:$0x3] =	sbarrier.arrive $0xFFFF;
	s2 =	simm.s32 @!p0 $0x1C02  }
0x269: {  	[timem:s3], [sflag:s2] =	dma.local @!p0 [hbm:s0], s1  }
0x26a: {  	s0 =	simm.s32 @!p0 $0x2  }
0x26b: {  	_ =	swait.ge @!p0 [sflag:s0], s1  }
0x26c: {  	s1 =	ssub.s32 @!p0 $0x0, s1;
	[sflag:s0] =	ssyncset.done @!p0 $0x0  }
0x26d: {  	[sflag:s0] =	ssyncadd.s32 @!p0 s1  }
0x26e: {  	[bflag:$0x3] =	sbarrier.arrive $0xFFFF  }
0x26f: {  	_ =	shalt  }

</sc_bundles>
